<compile_context>
chip_gen: v7x
topology: tpu7x:2x2x1
jax: 0.10.2.dev20260603
libtpu: 0.0.44.dev20260713+nightly
codegen_flags: <defaults>
</compile_context>

<pallas_src>
import jax
import jax.numpy as jnp
from jax import lax
from jax.experimental import pallas as pl
from jax.experimental.pallas import tpu as pltpu
from jax.experimental.pallas import tpu_sc as plsc

NC = 2
NS = 16
NW = NC * NS

V = 1000000
EMB = 32
B = 16384
L = 200

BPW = B // NW
CB = 8
NCHUNK = BPW // CB
LANES = 16


def _lookup_body(ids_hbm, table_hbm, out_hbm,
                 idx0, idx1, rows0, rows1, out_v,
                 gsem0, gsem1, isem0, isem1):
    wid = lax.axis_index("s") * NC + lax.axis_index("c")
    base = wid * BPW
    scale = jnp.float32(1.0 / L)
    z = jnp.zeros((LANES,), jnp.float32)

    def idx_start(c):
        return (base + c * CB) * L

    pltpu.sync_copy(ids_hbm.at[pl.ds(idx_start(0), CB * L)], idx0)
    pltpu.async_copy(table_hbm.at[idx0], rows0, gsem0)
    pltpu.async_copy(ids_hbm.at[pl.ds(idx_start(1), CB * L)], idx1, isem1)

    bufs = ((idx0, rows0, gsem0), (idx1, rows1, gsem1))
    isems = (isem0, isem1)

    def outer(c2, carry):
        for b in range(2):
            c = c2 + b
            idx_c, rows_c, gsem_c = bufs[b]
            idx_n, rows_n, gsem_n = bufs[1 - b]
            pltpu.make_async_copy(table_hbm.at[idx_c], rows_c, gsem_c).wait()

            @pl.when(c + 1 < NCHUNK)
            def _():
                pltpu.make_async_copy(
                    ids_hbm.at[pl.ds(idx_start(c + 1), CB * L)],
                    idx_n, isems[1 - b]).wait()
                pltpu.async_copy(table_hbm.at[idx_n], rows_n, gsem_n)

            @pl.when(c + 2 < NCHUNK)
            def _():
                pltpu.async_copy(
                    ids_hbm.at[pl.ds(idx_start(c + 2), CB * L)],
                    idx_c, isems[b])

            for j in range(CB):
                off = j * L

                def red(i, acc):
                    a0, a1 = acc
                    return (a0 + rows_c[off + i, pl.ds(0, LANES)],
                            a1 + rows_c[off + i, pl.ds(LANES, LANES)])

                a0, a1 = lax.fori_loop(0, L, red, (z, z), unroll=8)
                row = c * CB + j
                out_v[row, pl.ds(0, LANES)] = a0 * scale
                out_v[row, pl.ds(LANES, LANES)] = a1 * scale
        return carry

    lax.fori_loop(0, NCHUNK // 2, lambda i, u: outer(i * 2, u), 0)
    pltpu.sync_copy(out_v, out_hbm.at[pl.ds(base, BPW)])


_MESH = dict(core_axis_name="c", subcore_axis_name="s",
             num_cores=NC, num_subcores=NS)


@jax.jit
def kernel(token_ids, emb_weight):
    lookup = pl.kernel(
        _lookup_body,
        out_type=jax.ShapeDtypeStruct((B, EMB), jnp.float32),
        mesh=plsc.VectorSubcoreMesh(**_MESH),
        scratch_types=[
            pltpu.VMEM((CB * L,), jnp.int32),
            pltpu.VMEM((CB * L,), jnp.int32),
            pltpu.VMEM((CB * L, EMB), jnp.float32),
            pltpu.VMEM((CB * L, EMB), jnp.float32),
            pltpu.VMEM((BPW, EMB), jnp.float32),
            pltpu.SemaphoreType.DMA,
            pltpu.SemaphoreType.DMA,
            pltpu.SemaphoreType.DMA,
            pltpu.SemaphoreType.DMA,
        ],
        compiler_params=pltpu.CompilerParams(use_tc_tiling_on_sc=False),
    )
    ids_flat = token_ids.reshape(B * L).astype(jnp.int32)
    return lookup(ids_flat, emb_weight)

# --- scband reference (transcript-rebuilt; emitter-appended) ---
"""Pipeline reference for scband-codebook-encoder-81501299409005 (READ-ONLY COPY).

The authoritative reference and input builder live on the scoring server;
editing this copy changes nothing except your own understanding.
"""

import jax, jax.numpy as jnp
import numpy as np

VOCAB = 1000000
EMB = 32
B = 16384
L = 200

def setup_inputs(seed: int = 0) -> dict:
    key = jax.random.key(seed)
    k1, k2 = jax.random.split(key)
    token_ids = jax.random.randint(k1, (B, L), 0, VOCAB, dtype=jnp.int64 if jax.config.jax_enable_x64 else jnp.int32)
    emb_weight = jax.random.normal(k2, (VOCAB, EMB), dtype=jnp.float32)
    return {"token_ids": token_ids, "emb_weight": emb_weight}

def reference(token_ids, emb_weight):
    # nn.Embedding lookup: gather rows of the table
    E = jnp.take(emb_weight, token_ids, axis=0)  # [B, L, EMB]
    # pool == 'mean'
    return E.mean(axis=1)  # [B, EMB]

if __name__ == "__main__":
    import jax
    _d = setup_inputs()
    print(jax.jit(kernel)(*tuple(_d.values())))

</pallas_src>

<mosaic_0001>
#map = affine_map<(d0, d1) -> (0)>
#map1 = affine_map<(d0, d1) -> (0, 0)>
module attributes {stable_mosaic.version = 14 : i64} {
  func.func @_lookup_body(%arg0: i32, %arg1: i32, %arg2: memref<3276800xi32, #tpu.memory_space<hbm>>, %arg3: memref<1000000x32xf32, #tpu.memory_space<hbm>>, %arg4: memref<16384x32xf32, #tpu.memory_space<hbm>>, %arg5: memref<1600xi32, #tpu.memory_space<vmem>>, %arg6: memref<1600xi32, #tpu.memory_space<vmem>>, %arg7: memref<1600x32xf32, #tpu.memory_space<vmem>>, %arg8: memref<1600x32xf32, #tpu.memory_space<vmem>>, %arg9: memref<512x32xf32, #tpu.memory_space<vmem>>, %arg10: memref<!tpu.dma_semaphore, #tpu.memory_space<semaphore_mem>>, %arg11: memref<!tpu.dma_semaphore, #tpu.memory_space<semaphore_mem>>, %arg12: memref<!tpu.dma_semaphore, #tpu.memory_space<semaphore_mem>>, %arg13: memref<!tpu.dma_semaphore, #tpu.memory_space<semaphore_mem>>) attributes {dimension_semantics = [#tpu.dimension_semantics<core_parallel>, #tpu.dimension_semantics<subcore_parallel>], iteration_bounds = array<i64: 2, 16>, scalar_prefetch = 0 : i64, scratch_operands = 9 : i64, tpu.core_type = #tpu.core_type<sc_vector_subcore>, window_params = [{transform_indices = #map}, {transform_indices = #map1}, {transform_indices = #map1}]} {
    %mul3A = arith.constant 2 : i32
    %mul3A_0 = arith.muli %arg1, %mul3A : i32
    %add3A = arith.addi %mul3A_0, %arg0 : i32
    %mul3A_1 = arith.constant 512 : i32
    %mul3A_2 = arith.muli %add3A, %mul3A_1 : i32
    %broadcast_in_dim3A = arith.constant 0.000000e+00 : f32
    %broadcast_in_dim3A_3 = vector.broadcast %broadcast_in_dim3A : f32 to vector<16xf32>
    %add3A_4 = arith.constant 0 : i32
    %add3A_5 = arith.addi %mul3A_2, %add3A_4 : i32
    %mul3A_6 = arith.constant 200 : i32
    %mul3A_7 = arith.muli %add3A_5, %mul3A_6 : i32
    "tpu.region"() ({
      %run_scoped3A = tpu.sem_alloc : memref<!tpu.dma_semaphore, #tpu.memory_space<semaphore_mem>>
      %dma_start3A_22 = tpu.memref_slice %arg2[%mul3A_7] : memref<3276800xi32, #tpu.memory_space<hbm>> -> memref<1600xi32, #tpu.memory_space<hbm>>
      %dma_start3A_23 = tpu.memref_slice %arg2[%mul3A_7] : memref<3276800xi32, #tpu.memory_space<hbm>> -> memref<1600xi32, #tpu.memory_space<hbm>>
      tpu.enqueue_dma source(%dma_start3A_23 : memref<1600xi32, #tpu.memory_space<hbm>>) target(%arg5 : memref<1600xi32, #tpu.memory_space<vmem>>) target_semaphore(%run_scoped3A : memref<!tpu.dma_semaphore, #tpu.memory_space<semaphore_mem>>)
      %dma_wait3A = tpu.memref_slice %arg2[%mul3A_7] : memref<3276800xi32, #tpu.memory_space<hbm>> -> memref<1600xi32, #tpu.memory_space<hbm>>
      %dma_wait3A_24 = tpu.memref_slice %arg2[%mul3A_7] : memref<3276800xi32, #tpu.memory_space<hbm>> -> memref<1600xi32, #tpu.memory_space<hbm>>
      tpu.wait_dma2 semaphore(%run_scoped3A : memref<!tpu.dma_semaphore, #tpu.memory_space<semaphore_mem>>) src(%dma_wait3A_24 : memref<1600xi32, #tpu.memory_space<hbm>>) dst(%arg5 : memref<1600xi32, #tpu.memory_space<vmem>>)
      tpu.yield
    }) : () -> ()
    %dma_start3A = arith.constant 0 : i32
    %dma_start3A_8 = arith.constant 0 : i32
    %dma_start3A_9 = tpu.memref_slice %arg3[%dma_start3A, %dma_start3A_8] : memref<1000000x32xf32, #tpu.memory_space<hbm>> -> memref<1000000x32xf32, #tpu.memory_space<hbm>>
    tpu.enqueue_indirect_dma source(%dma_start3A_9 : memref<1000000x32xf32, #tpu.memory_space<hbm>>) target(%arg7 : memref<1600x32xf32, #tpu.memory_space<vmem>>) offsets(%arg5 : memref<1600xi32, #tpu.memory_space<vmem>>) semaphore(%arg10 : memref<!tpu.dma_semaphore, #tpu.memory_space<semaphore_mem>>)
    %add3A_10 = arith.constant 8 : i32
    %add3A_11 = arith.addi %mul3A_2, %add3A_10 : i32
    %mul3A_12 = arith.constant 200 : i32
    %mul3A_13 = arith.muli %add3A_11, %mul3A_12 : i32
    %dma_start3A_14 = tpu.memref_slice %arg2[%mul3A_13] : memref<3276800xi32, #tpu.memory_space<hbm>> -> memref<1600xi32, #tpu.memory_space<hbm>>
    %dma_start3A_15 = tpu.memref_slice %arg2[%mul3A_13] : memref<3276800xi32, #tpu.memory_space<hbm>> -> memref<1600xi32, #tpu.memory_space<hbm>>
    tpu.enqueue_dma source(%dma_start3A_15 : memref<1600xi32, #tpu.memory_space<hbm>>) target(%arg6 : memref<1600xi32, #tpu.memory_space<vmem>>) target_semaphore(%arg13 : memref<!tpu.dma_semaphore, #tpu.memory_space<semaphore_mem>>)
    %scan3A = arith.constant 0 : i32
    %scan3A_16 = arith.constant 5.000000e-03 : f32
    %scan3A_17 = arith.constant 0 : i32
    %scan3A_18 = arith.constant 32 : i32
    %scan3A_19 = arith.addi %scan3A_17, %scan3A_18 : i32
    %scan3A_20 = arith.constant 1 : i32
    scf.for %scan3A_22 = %scan3A_17 to %scan3A_19 step %scan3A_20  : i32 {
      %mul3A_23 = arith.constant 2 : i32
      %mul3A_24 = arith.muli %scan3A_22, %mul3A_23 : i32
      %add3A_25 = arith.constant 0 : i32
      %add3A_26 = arith.addi %mul3A_24, %add3A_25 : i32
      %dma_wait3A = arith.constant 0 : i32
      %dma_wait3A_27 = arith.constant 0 : i32
      %dma_wait3A_28 = tpu.memref_slice %arg3[%dma_wait3A, %dma_wait3A_27] : memref<1000000x32xf32, #tpu.memory_space<hbm>> -> memref<1000000x32xf32, #tpu.memory_space<hbm>>
      tpu.wait_indirect_dma semaphore(%arg10 : memref<!tpu.dma_semaphore, #tpu.memory_space<semaphore_mem>>) src(%dma_wait3A_28 : memref<1000000x32xf32, #tpu.memory_space<hbm>>) dst(%arg7 : memref<1600x32xf32, #tpu.memory_space<vmem>>)
      %add3A_29 = arith.constant 1 : i32
      %add3A_30 = arith.addi %add3A_26, %add3A_29 : i32
      %lt3A = arith.constant 64 : i32
      %lt3A_31 = arith.cmpi slt, %add3A_30, %lt3A : i32
      %convert_element_type3A = arith.extui %lt3A_31 : i1 to i32
      %cond3A = arith.constant 0 : i32
      %cond3A_32 = arith.cmpi ne, %convert_element_type3A, %cond3A : i32
      scf.if %cond3A_32 {
        %add3A_442 = arith.constant 1 : i32
        %add3A_443 = arith.addi %add3A_26, %add3A_442 : i32
        %mul3A_444 = arith.constant 8 : i32
        %mul3A_445 = arith.muli %add3A_443, %mul3A_444 : i32
        %add3A_446 = arith.addi %mul3A_2, %mul3A_445 : i32
        %mul3A_447 = arith.constant 200 : i32
        %mul3A_448 = arith.muli %add3A_446, %mul3A_447 : i32
        %dma_wait3A_449 = tpu.memref_slice %arg2[%mul3A_448] : memref<3276800xi32, #tpu.memory_space<hbm>> -> memref<1600xi32, #tpu.memory_space<hbm>>
        %dma_wait3A_450 = tpu.memref_slice %arg2[%mul3A_448] : memref<3276800xi32, #tpu.memory_space<hbm>> -> memref<1600xi32, #tpu.memory_space<hbm>>
        tpu.wait_dma2 semaphore(%arg13 : memref<!tpu.dma_semaphore, #tpu.memory_space<semaphore_mem>>) src(%dma_wait3A_450 : memref<1600xi32, #tpu.memory_space<hbm>>) dst(%arg6 : memref<1600xi32, #tpu.memory_space<vmem>>)
        %dma_start3A_451 = arith.constant 0 : i32
        %dma_start3A_452 = arith.constant 0 : i32
        %dma_start3A_453 = tpu.memref_slice %arg3[%dma_start3A_451, %dma_start3A_452] : memref<1000000x32xf32, #tpu.memory_space<hbm>> -> memref<1000000x32xf32, #tpu.memory_space<hbm>>
        tpu.enqueue_indirect_dma source(%dma_start3A_453 : memref<1000000x32xf32, #tpu.memory_space<hbm>>) target(%arg8 : memref<1600x32xf32, #tpu.memory_space<vmem>>) offsets(%arg6 : memref<1600xi32, #tpu.memory_space<vmem>>) semaphore(%arg11 : memref<!tpu.dma_semaphore, #tpu.memory_space<semaphore_mem>>)
      } else {
      }
      %add3A_33 = arith.constant 2 : i32
      %add3A_34 = arith.addi %add3A_26, %add3A_33 : i32
      %lt3A_35 = arith.constant 64 : i32
      %lt3A_36 = arith.cmpi slt, %add3A_34, %lt3A_35 : i32
      %convert_element_type3A_37 = arith.extui %lt3A_36 : i1 to i32
      %cond3A_38 = arith.constant 0 : i32
      %cond3A_39 = arith.cmpi ne, %convert_element_type3A_37, %cond3A_38 : i32
      scf.if %cond3A_39 {
        %add3A_442 = arith.constant 2 : i32
        %add3A_443 = arith.addi %add3A_26, %add3A_442 : i32
        %mul3A_444 = arith.constant 8 : i32
        %mul3A_445 = arith.muli %add3A_443, %mul3A_444 : i32
        %add3A_446 = arith.addi %mul3A_2, %mul3A_445 : i32
        %mul3A_447 = arith.constant 200 : i32
        %mul3A_448 = arith.muli %add3A_446, %mul3A_447 : i32
        %dma_start3A_449 = tpu.memref_slice %arg2[%mul3A_448] : memref<3276800xi32, #tpu.memory_space<hbm>> -> memref<1600xi32, #tpu.memory_space<hbm>>
        %dma_start3A_450 = tpu.memref_slice %arg2[%mul3A_448] : memref<3276800xi32, #tpu.memory_space<hbm>> -> memref<1600xi32, #tpu.memory_space<hbm>>
        tpu.enqueue_dma source(%dma_start3A_450 : memref<1600xi32, #tpu.memory_space<hbm>>) target(%arg5 : memref<1600xi32, #tpu.memory_space<vmem>>) target_semaphore(%arg12 : memref<!tpu.dma_semaphore, #tpu.memory_space<semaphore_mem>>)
      } else {
      }
      %scan3A_40 = arith.constant 0 : i32
      %scan3A_41 = arith.constant 200 : i32
      %scan3A_42 = arith.addi %scan3A_40, %scan3A_41 : i32
      %scan3A_43 = arith.constant 8 : i32
      %scan3A_44:2 = scf.for %scan3A_442 = %scan3A_40 to %scan3A_42 step %scan3A_43 iter_args(%scan3A_443 = %broadcast_in_dim3A_3, %scan3A_444 = %broadcast_in_dim3A_3) -> (vector<16xf32>, vector<16xf32>)  : i32 {
        %add3A_445 = arith.constant 0 : i32
        %add3A_446 = arith.addi %add3A_445, %scan3A_442 : i32
        %get3A = arith.index_cast %add3A_446 : i32 to index
        %get3A_447 = arith.constant 0 : index
        %get3A_448 = tpu.vector_load %arg7[%get3A, %get3A_447] {strides = array<i32>} : memref<1600x32xf32, #tpu.memory_space<vmem>>, vector<1x16xf32>,
        %get3A_449 = vector.shape_cast %get3A_448 : vector<1x16xf32> to vector<16xf32>
        %add3A_450 = arith.addf %scan3A_443, %get3A_449 : vector<16xf32>
        %add3A_451 = arith.constant 0 : i32
        %add3A_452 = arith.addi %add3A_451, %scan3A_442 : i32
        %get3A_453 = arith.index_cast %add3A_452 : i32 to index
        %get3A_454 = arith.constant 16 : index
        %get3A_455 = tpu.vector_load %arg7[%get3A_453, %get3A_454] {strides = array<i32>} : memref<1600x32xf32, #tpu.memory_space<vmem>>, vector<1x16xf32>,
        %get3A_456 = vector.shape_cast %get3A_455 : vector<1x16xf32> to vector<16xf32>
        %add3A_457 = arith.addf %scan3A_444, %get3A_456 : vector<16xf32>
        %scan3A_458 = arith.constant 1 : i32
        %scan3A_459 = arith.addi %scan3A_442, %scan3A_458 : i32
        %add3A_460 = arith.constant 0 : i32
        %add3A_461 = arith.addi %add3A_460, %scan3A_459 : i32
        %get3A_462 = arith.index_cast %add3A_461 : i32 to index
        %get3A_463 = arith.constant 0 : index
        %get3A_464 = tpu.vector_load %arg7[%get3A_462, %get3A_463] {strides = array<i32>} : memref<1600x32xf32, #tpu.memory_space<vmem>>, vector<1x16xf32>,
        %get3A_465 = vector.shape_cast %get3A_464 : vector<1x16xf32> to vector<16xf32>
        %add3A_466 = arith.addf %add3A_450, %get3A_465 : vector<16xf32>
        %add3A_467 = arith.constant 0 : i32
        %add3A_468 = arith.addi %add3A_467, %scan3A_459 : i32
        %get3A_469 = arith.index_cast %add3A_468 : i32 to index
        %get3A_470 = arith.constant 16 : index
        %get3A_471 = tpu.vector_load %arg7[%get3A_469, %get3A_470] {strides = array<i32>} : memref<1600x32xf32, #tpu.memory_space<vmem>>, vector<1x16xf32>,
        %get3A_472 = vector.shape_cast %get3A_471 : vector<1x16xf32> to vector<16xf32>
        %add3A_473 = arith.addf %add3A_457, %get3A_472 : vector<16xf32>
        %scan3A_474 = arith.constant 2 : i32
        %scan3A_475 = arith.addi %scan3A_442, %scan3A_474 : i32
        %add3A_476 = arith.constant 0 : i32
        %add3A_477 = arith.addi %add3A_476, %scan3A_475 : i32
        %get3A_478 = arith.index_cast %add3A_477 : i32 to index
        %get3A_479 = arith.constant 0 : index
        %get3A_480 = tpu.vector_load %arg7[%get3A_478, %get3A_479] {strides = array<i32>} : memref<1600x32xf32, #tpu.memory_space<vmem>>, vector<1x16xf32>,
        %get3A_481 = vector.shape_cast %get3A_480 : vector<1x16xf32> to vector<16xf32>
        %add3A_482 = arith.addf %add3A_466, %get3A_481 : vector<16xf32>
        %add3A_483 = arith.constant 0 : i32
        %add3A_484 = arith.addi %add3A_483, %scan3A_475 : i32
        %get3A_485 = arith.index_cast %add3A_484 : i32 to index
        %get3A_486 = arith.constant 16 : index
        %get3A_487 = tpu.vector_load %arg7[%get3A_485, %get3A_486] {strides = array<i32>} : memref<1600x32xf32, #tpu.memory_space<vmem>>, vector<1x16xf32>,
        %get3A_488 = vector.shape_cast %get3A_487 : vector<1x16xf32> to vector<16xf32>
        %add3A_489 = arith.addf %add3A_473, %get3A_488 : vector<16xf32>
        %scan3A_490 = arith.constant 3 : i32
        %scan3A_491 = arith.addi %scan3A_442, %scan3A_490 : i32
        %add3A_492 = arith.constant 0 : i32
        %add3A_493 = arith.addi %add3A_492, %scan3A_491 : i32
        %get3A_494 = arith.index_cast %add3A_493 : i32 to index
        %get3A_495 = arith.constant 0 : index
        %get3A_496 = tpu.vector_load %arg7[%get3A_494, %get3A_495] {strides = array<i32>} : memref<1600x32xf32, #tpu.memory_space<vmem>>, vector<1x16xf32>,
        %get3A_497 = vector.shape_cast %get3A_496 : vector<1x16xf32> to vector<16xf32>
        %add3A_498 = arith.addf %add3A_482, %get3A_497 : vector<16xf32>
        %add3A_499 = arith.constant 0 : i32
        %add3A_500 = arith.addi %add3A_499, %scan3A_491 : i32
        %get3A_501 = arith.index_cast %add3A_500 : i32 to index
        %get3A_502 = arith.constant 16 : index
        %get3A_503 = tpu.vector_load %arg7[%get3A_501, %get3A_502] {strides = array<i32>} : memref<1600x32xf32, #tpu.memory_space<vmem>>, vector<1x16xf32>,
        %get3A_504 = vector.shape_cast %get3A_503 : vector<1x16xf32> to vector<16xf32>
        %add3A_505 = arith.addf %add3A_489, %get3A_504 : vector<16xf32>
        %scan3A_506 = arith.constant 4 : i32
        %scan3A_507 = arith.addi %scan3A_442, %scan3A_506 : i32
        %add3A_508 = arith.constant 0 : i32
        %add3A_509 = arith.addi %add3A_508, %scan3A_507 : i32
        %get3A_510 = arith.index_cast %add3A_509 : i32 to index
        %get3A_511 = arith.constant 0 : index
        %get3A_512 = tpu.vector_load %arg7[%get3A_510, %get3A_511] {strides = array<i32>} : memref<1600x32xf32, #tpu.memory_space<vmem>>, vector<1x16xf32>,
        %get3A_513 = vector.shape_cast %get3A_512 : vector<1x16xf32> to vector<16xf32>
        %add3A_514 = arith.addf %add3A_498, %get3A_513 : vector<16xf32>
        %add3A_515 = arith.constant 0 : i32
        %add3A_516 = arith.addi %add3A_515, %scan3A_507 : i32
        %get3A_517 = arith.index_cast %add3A_516 : i32 to index
        %get3A_518 = arith.constant 16 : index
        %get3A_519 = tpu.vector_load %arg7[%get3A_517, %get3A_518] {strides = array<i32>} : memref<1600x32xf32, #tpu.memory_space<vmem>>, vector<1x16xf32>,
        %get3A_520 = vector.shape_cast %get3A_519 : vector<1x16xf32> to vector<16xf32>
        %add3A_521 = arith.addf %add3A_505, %get3A_520 : vector<16xf32>
        %scan3A_522 = arith.constant 5 : i32
        %scan3A_523 = arith.addi %scan3A_442, %scan3A_522 : i32
        %add3A_524 = arith.constant 0 : i32
        %add3A_525 = arith.addi %add3A_524, %scan3A_523 : i32
        %get3A_526 = arith.index_cast %add3A_525 : i32 to index
        %get3A_527 = arith.constant 0 : index
        %get3A_528 = tpu.vector_load %arg7[%get3A_526, %get3A_527] {strides = array<i32>} : memref<1600x32xf32, #tpu.memory_space<vmem>>, vector<1x16xf32>,
        %get3A_529 = vector.shape_cast %get3A_528 : vector<1x16xf32> to vector<16xf32>
        %add3A_530 = arith.addf %add3A_514, %get3A_529 : vector<16xf32>
        %add3A_531 = arith.constant 0 : i32
        %add3A_532 = arith.addi %add3A_531, %scan3A_523 : i32
        %get3A_533 = arith.index_cast %add3A_532 : i32 to index
        %get3A_534 = arith.constant 16 : index
        %get3A_535 = tpu.vector_load %arg7[%get3A_533, %get3A_534] {strides = array<i32>} : memref<1600x32xf32, #tpu.memory_space<vmem>>, vector<1x16xf32>,
        %get3A_536 = vector.shape_cast %get3A_535 : vector<1x16xf32> to vector<16xf32>
        %add3A_537 = arith.addf %add3A_521, %get3A_536 : vector<16xf32>
        %scan3A_538 = arith.constant 6 : i32
        %scan3A_539 = arith.addi %scan3A_442, %scan3A_538 : i32
        %add3A_540 = arith.constant 0 : i32
        %add3A_541 = arith.addi %add3A_540, %scan3A_539 : i32
        %get3A_542 = arith.index_cast %add3A_541 : i32 to index
        %get3A_543 = arith.constant 0 : index
        %get3A_544 = tpu.vector_load %arg7[%get3A_542, %get3A_543] {strides = array<i32>} : memref<1600x32xf32, #tpu.memory_space<vmem>>, vector<1x16xf32>,
        %get3A_545 = vector.shape_cast %get3A_544 : vector<1x16xf32> to vector<16xf32>
        %add3A_546 = arith.addf %add3A_530, %get3A_545 : vector<16xf32>
        %add3A_547 = arith.constant 0 : i32
        %add3A_548 = arith.addi %add3A_547, %scan3A_539 : i32
        %get3A_549 = arith.index_cast %add3A_548 : i32 to index
        %get3A_550 = arith.constant 16 : index
        %get3A_551 = tpu.vector_load %arg7[%get3A_549, %get3A_550] {strides = array<i32>} : memref<1600x32xf32, #tpu.memory_space<vmem>>, vector<1x16xf32>,
        %get3A_552 = vector.shape_cast %get3A_551 : vector<1x16xf32> to vector<16xf32>
        %add3A_553 = arith.addf %add3A_537, %get3A_552 : vector<16xf32>
        %scan3A_554 = arith.constant 7 : i32
        %scan3A_555 = arith.addi %scan3A_442, %scan3A_554 : i32
        %add3A_556 = arith.constant 0 : i32
        %add3A_557 = arith.addi %add3A_556, %scan3A_555 : i32
        %get3A_558 = arith.index_cast %add3A_557 : i32 to index
        %get3A_559 = arith.constant 0 : index
        %get3A_560 = tpu.vector_load %arg7[%get3A_558, %get3A_559] {strides = array<i32>} : memref<1600x32xf32, #tpu.memory_space<vmem>>, vector<1x16xf32>,
        %get3A_561 = vector.shape_cast %get3A_560 : vector<1x16xf32> to vector<16xf32>
        %add3A_562 = arith.addf %add3A_546, %get3A_561 : vector<16xf32>
        %add3A_563 = arith.constant 0 : i32
        %add3A_564 = arith.addi %add3A_563, %scan3A_555 : i32
        %get3A_565 = arith.index_cast %add3A_564 : i32 to index
        %get3A_566 = arith.constant 16 : index
        %get3A_567 = tpu.vector_load %arg7[%get3A_565, %get3A_566] {strides = array<i32>} : memref<1600x32xf32, #tpu.memory_space<vmem>>, vector<1x16xf32>,
        %get3A_568 = vector.shape_cast %get3A_567 : vector<1x16xf32> to vector<16xf32>
        %add3A_569 = arith.addf %add3A_553, %get3A_568 : vector<16xf32>
        scf.yield %add3A_562, %add3A_569 : vector<16xf32>, vector<16xf32>
      }
      %scan3A_45 = arith.constant 200 : i32
      %mul3A_46 = arith.constant 8 : i32
      %mul3A_47 = arith.muli %add3A_26, %mul3A_46 : i32
      %add3A_48 = arith.constant 0 : i32
      %add3A_49 = arith.addi %mul3A_47, %add3A_48 : i32
      %mul3A_50 = vector.broadcast %scan3A_16 : f32 to vector<16xf32>
      %mul3A_51 = arith.mulf %scan3A_44#0, %mul3A_50 : vector<16xf32>
      %swap3A = arith.index_cast %add3A_49 : i32 to index
      %swap3A_52 = arith.constant 0 : index
      %swap3A_53 = tpu.vector_load %arg9[%swap3A, %swap3A_52] {strides = array<i32>} : memref<512x32xf32, #tpu.memory_space<vmem>>, vector<1x16xf32>,
      %swap3A_54 = vector.shape_cast %swap3A_53 : vector<1x16xf32> to vector<16xf32>
      %swap3A_55 = vector.shape_cast %mul3A_51 : vector<16xf32> to vector<1x16xf32>
      tpu.vector_store %arg9[%swap3A, %swap3A_52], %swap3A_55 {strides = array<i32>} : memref<512x32xf32, #tpu.memory_space<vmem>>, vector<1x16xf32>,
      %mul3A_56 = vector.broadcast %scan3A_16 : f32 to vector<16xf32>
      %mul3A_57 = arith.mulf %scan3A_44#1, %mul3A_56 : vector<16xf32>
      %swap3A_58 = arith.index_cast %add3A_49 : i32 to index
      %swap3A_59 = arith.constant 16 : index
      %swap3A_60 = tpu.vector_load %arg9[%swap3A_58, %swap3A_59] {strides = array<i32>} : memref<512x32xf32, #tpu.memory_space<vmem>>, vector<1x16xf32>,
      %swap3A_61 = vector.shape_cast %swap3A_60 : vector<1x16xf32> to vector<16xf32>
      %swap3A_62 = vector.shape_cast %mul3A_57 : vector<16xf32> to vector<1x16xf32>
      tpu.vector_store %arg9[%swap3A_58, %swap3A_59], %swap3A_62 {strides = array<i32>} : memref<512x32xf32, #tpu.memory_space<vmem>>, vector<1x16xf32>,
      %scan3A_63 = arith.constant 0 : i32
      %scan3A_64 = arith.constant 200 : i32
      %scan3A_65 = arith.addi %scan3A_63, %scan3A_64 : i32
      %scan3A_66 = arith.constant 8 : i32
      %scan3A_67:2 = scf.for %scan3A_442 = %scan3A_63 to %scan3A_65 step %scan3A_66 iter_args(%scan3A_443 = %broadcast_in_dim3A_3, %scan3A_444 = %broadcast_in_dim3A_3) -> (vector<16xf32>, vector<16xf32>)  : i32 {
        %add3A_445 = arith.constant 200 : i32
        %add3A_446 = arith.addi %add3A_445, %scan3A_442 : i32
        %get3A = arith.index_cast %add3A_446 : i32 to index
        %get3A_447 = arith.constant 0 : index
        %get3A_448 = tpu.vector_load %arg7[%get3A, %get3A_447] {strides = array<i32>} : memref<1600x32xf32, #tpu.memory_space<vmem>>, vector<1x16xf32>,
        %get3A_449 = vector.shape_cast %get3A_448 : vector<1x16xf32> to vector<16xf32>
        %add3A_450 = arith.addf %scan3A_443, %get3A_449 : vector<16xf32>
        %add3A_451 = arith.constant 200 : i32
        %add3A_452 = arith.addi %add3A_451, %scan3A_442 : i32
        %get3A_453 = arith.index_cast %add3A_452 : i32 to index
        %get3A_454 = arith.constant 16 : index
        %get3A_455 = tpu.vector_load %arg7[%get3A_453, %get3A_454] {strides = array<i32>} : memref<1600x32xf32, #tpu.memory_space<vmem>>, vector<1x16xf32>,
        %get3A_456 = vector.shape_cast %get3A_455 : vector<1x16xf32> to vector<16xf32>
        %add3A_457 = arith.addf %scan3A_444, %get3A_456 : vector<16xf32>
        %scan3A_458 = arith.constant 1 : i32
        %scan3A_459 = arith.addi %scan3A_442, %scan3A_458 : i32
        %add3A_460 = arith.constant 200 : i32
        %add3A_461 = arith.addi %add3A_460, %scan3A_459 : i32
        %get3A_462 = arith.index_cast %add3A_461 : i32 to index
        %get3A_463 = arith.constant 0 : index
        %get3A_464 = tpu.vector_load %arg7[%get3A_462, %get3A_463] {strides = array<i32>} : memref<1600x32xf32, #tpu.memory_space<vmem>>, vector<1x16xf32>,
        %get3A_465 = vector.shape_cast %get3A_464 : vector<1x16xf32> to vector<16xf32>
        %add3A_466 = arith.addf %add3A_450, %get3A_465 : vector<16xf32>
        %add3A_467 = arith.constant 200 : i32
        %add3A_468 = arith.addi %add3A_467, %scan3A_459 : i32
        %get3A_469 = arith.index_cast %add3A_468 : i32 to index
        %get3A_470 = arith.constant 16 : index
        %get3A_471 = tpu.vector_load %arg7[%get3A_469, %get3A_470] {strides = array<i32>} : memref<1600x32xf32, #tpu.memory_space<vmem>>, vector<1x16xf32>,
        %get3A_472 = vector.shape_cast %get3A_471 : vector<1x16xf32> to vector<16xf32>
        %add3A_473 = arith.addf %add3A_457, %get3A_472 : vector<16xf32>
        %scan3A_474 = arith.constant 2 : i32
        %scan3A_475 = arith.addi %scan3A_442, %scan3A_474 : i32
        %add3A_476 = arith.constant 200 : i32
        %add3A_477 = arith.addi %add3A_476, %scan3A_475 : i32
        %get3A_478 = arith.index_cast %add3A_477 : i32 to index
        %get3A_479 = arith.constant 0 : index
        %get3A_480 = tpu.vector_load %arg7[%get3A_478, %get3A_479] {strides = array<i32>} : memref<1600x32xf32, #tpu.memory_space<vmem>>, vector<1x16xf32>,
        %get3A_481 = vector.shape_cast %get3A_480 : vector<1x16xf32> to vector<16xf32>
        %add3A_482 = arith.addf %add3A_466, %get3A_481 : vector<16xf32>
        %add3A_483 = arith.constant 200 : i32
        %add3A_484 = arith.addi %add3A_483, %scan3A_475 : i32
        %get3A_485 = arith.index_cast %add3A_484 : i32 to index
        %get3A_486 = arith.constant 16 : index
        %get3A_487 = tpu.vector_load %arg7[%get3A_485, %get3A_486] {strides = array<i32>} : memref<1600x32xf32, #tpu.memory_space<vmem>>, vector<1x16xf32>,
        %get3A_488 = vector.shape_cast %get3A_487 : vector<1x16xf32> to vector<16xf32>
        %add3A_489 = arith.addf %add3A_473, %get3A_488 : vector<16xf32>
        %scan3A_490 = arith.constant 3 : i32
        %scan3A_491 = arith.addi %scan3A_442, %scan3A_490 : i32
        %add3A_492 = arith.constant 200 : i32
        %add3A_493 = arith.addi %add3A_492, %scan3A_491 : i32
        %get3A_494 = arith.index_cast %add3A_493 : i32 to index
        %get3A_495 = arith.constant 0 : index
        %get3A_496 = tpu.vector_load %arg7[%get3A_494, %get3A_495] {strides = array<i32>} : memref<1600x32xf32, #tpu.memory_space<vmem>>, vector<1x16xf32>,
        %get3A_497 = vector.shape_cast %get3A_496 : vector<1x16xf32> to vector<16xf32>
        %add3A_498 = arith.addf %add3A_482, %get3A_497 : vector<16xf32>
        %add3A_499 = arith.constant 200 : i32
        %add3A_500 = arith.addi %add3A_499, %scan3A_491 : i32
        %get3A_501 = arith.index_cast %add3A_500 : i32 to index
        %get3A_502 = arith.constant 16 : index
        %get3A_503 = tpu.vector_load %arg7[%get3A_501, %get3A_502] {strides = array<i32>} : memref<1600x32xf32, #tpu.memory_space<vmem>>, vector<1x16xf32>,
        %get3A_504 = vector.shape_cast %get3A_503 : vector<1x16xf32> to vector<16xf32>
        %add3A_505 = arith.addf %add3A_489, %get3A_504 : vector<16xf32>
        %scan3A_506 = arith.constant 4 : i32
        %scan3A_507 = arith.addi %scan3A_442, %scan3A_506 : i32
        %add3A_508 = arith.constant 200 : i32
        %add3A_509 = arith.addi %add3A_508, %scan3A_507 : i32
        %get3A_510 = arith.index_cast %add3A_509 : i32 to index
        %get3A_511 = arith.constant 0 : index
        %get3A_512 = tpu.vector_load %arg7[%get3A_510, %get3A_511] {strides = array<i32>} : memref<1600x32xf32, #tpu.memory_space<vmem>>, vector<1x16xf32>,
        %get3A_513 = vector.shape_cast %get3A_512 : vector<1x16xf32> to vector<16xf32>
        %add3A_514 = arith.addf %add3A_498, %get3A_513 : vector<16xf32>
        %add3A_515 = arith.constant 200 : i32
        %add3A_516 = arith.addi %add3A_515, %scan3A_507 : i32
        %get3A_517 = arith.index_cast %add3A_516 : i32 to index
        %get3A_518 = arith.constant 16 : index
        %get3A_519 = tpu.vector_load %arg7[%get3A_517, %get3A_518] {strides = array<i32>} : memref<1600x32xf32, #tpu.memory_space<vmem>>, vector<1x16xf32>,
        %get3A_520 = vector.shape_cast %get3A_519 : vector<1x16xf32> to vector<16xf32>
        %add3A_521 = arith.addf %add3A_505, %get3A_520 : vector<16xf32>
        %scan3A_522 = arith.constant 5 : i32
        %scan3A_523 = arith.addi %scan3A_442, %scan3A_522 : i32
        %add3A_524 = arith.constant 200 : i32
        %add3A_525 = arith.addi %add3A_524, %scan3A_523 : i32
        %get3A_526 = arith.index_cast %add3A_525 : i32 to index
        %get3A_527 = arith.constant 0 : index
        %get3A_528 = tpu.vector_load %arg7[%get3A_526, %get3A_527] {strides = array<i32>} : memref<1600x32xf32, #tpu.memory_space<vmem>>, vector<1x16xf32>,
        %get3A_529 = vector.shape_cast %get3A_528 : vector<1x16xf32> to vector<16xf32>
        %add3A_530 = arith.addf %add3A_514, %get3A_529 : vector<16xf32>
        %add3A_531 = arith.constant 200 : i32
        %add3A_532 = arith.addi %add3A_531, %scan3A_523 : i32
        %get3A_533 = arith.index_cast %add3A_532 : i32 to index
        %get3A_534 = arith.constant 16 : index
        %get3A_535 = tpu.vector_load %arg7[%get3A_533, %get3A_534] {strides = array<i32>} : memref<1600x32xf32, #tpu.memory_space<vmem>>, vector<1x16xf32>,
        %get3A_536 = vector.shape_cast %get3A_535 : vector<1x16xf32> to vector<16xf32>
        %add3A_537 = arith.addf %add3A_521, %get3A_536 : vector<16xf32>
        %scan3A_538 = arith.constant 6 : i32
        %scan3A_539 = arith.addi %scan3A_442, %scan3A_538 : i32
        %add3A_540 = arith.constant 200 : i32
        %add3A_541 = arith.addi %add3A_540, %scan3A_539 : i32
        %get3A_542 = arith.index_cast %add3A_541 : i32 to index
        %get3A_543 = arith.constant 0 : index
        %get3A_544 = tpu.vector_load %arg7[%get3A_542, %get3A_543] {strides = array<i32>} : memref<1600x32xf32, #tpu.memory_space<vmem>>, vector<1x16xf32>,
        %get3A_545 = vector.shape_cast %get3A_544 : vector<1x16xf32> to vector<16xf32>
        %add3A_546 = arith.addf %add3A_530, %get3A_545 : vector<16xf32>
        %add3A_547 = arith.constant 200 : i32
        %add3A_548 = arith.addi %add3A_547, %scan3A_539 : i32
        %get3A_549 = arith.index_cast %add3A_548 : i32 to index
        %get3A_550 = arith.constant 16 : index
        %get3A_551 = tpu.vector_load %arg7[%get3A_549, %get3A_550] {strides = array<i32>} : memref<1600x32xf32, #tpu.memory_space<vmem>>, vector<1x16xf32>,
        %get3A_552 = vector.shape_cast %get3A_551 : vector<1x16xf32> to vector<16xf32>
        %add3A_553 = arith.addf %add3A_537, %get3A_552 : vector<16xf32>
        %scan3A_554 = arith.constant 7 : i32
        %scan3A_555 = arith.addi %scan3A_442, %scan3A_554 : i32
        %add3A_556 = arith.constant 200 : i32
        %add3A_557 = arith.addi %add3A_556, %scan3A_555 : i32
        %get3A_558 = arith.index_cast %add3A_557 : i32 to index
        %get3A_559 = arith.constant 0 : index
        %get3A_560 = tpu.vector_load %arg7[%get3A_558, %get3A_559] {strides = array<i32>} : memref<1600x32xf32, #tpu.memory_space<vmem>>, vector<1x16xf32>,
        %get3A_561 = vector.shape_cast %get3A_560 : vector<1x16xf32> to vector<16xf32>
        %add3A_562 = arith.addf %add3A_546, %get3A_561 : vector<16xf32>
        %add3A_563 = arith.constant 200 : i32
        %add3A_564 = arith.addi %add3A_563, %scan3A_555 : i32
        %get3A_565 = arith.index_cast %add3A_564 : i32 to index
        %get3A_566 = arith.constant 16 : index
        %get3A_567 = tpu.vector_load %arg7[%get3A_565, %get3A_566] {strides = array<i32>} : memref<1600x32xf32, #tpu.memory_space<vmem>>, vector<1x16xf32>,
        %get3A_568 = vector.shape_cast %get3A_567 : vector<1x16xf32> to vector<16xf32>
        %add3A_569 = arith.addf %add3A_553, %get3A_568 : vector<16xf32>
        scf.yield %add3A_562, %add3A_569 : vector<16xf32>, vector<16xf32>
      }
      %scan3A_68 = arith.constant 200 : i32
      %mul3A_69 = arith.constant 8 : i32
      %mul3A_70 = arith.muli %add3A_26, %mul3A_69 : i32
      %add3A_71 = arith.constant 1 : i32
      %add3A_72 = arith.addi %mul3A_70, %add3A_71 : i32
      %mul3A_73 = vector.broadcast %scan3A_16 : f32 to vector<16xf32>
      %mul3A_74 = arith.mulf %scan3A_67#0, %mul3A_73 : vector<16xf32>
      %swap3A_75 = arith.index_cast %add3A_72 : i32 to index
      %swap3A_76 = arith.constant 0 : index
      %swap3A_77 = tpu.vector_load %arg9[%swap3A_75, %swap3A_76] {strides = array<i32>} : memref<512x32xf32, #tpu.memory_space<vmem>>, vector<1x16xf32>,
      %swap3A_78 = vector.shape_cast %swap3A_77 : vector<1x16xf32> to vector<16xf32>
      %swap3A_79 = vector.shape_cast %mul3A_74 : vector<16xf32> to vector<1x16xf32>
      tpu.vector_store %arg9[%swap3A_75, %swap3A_76], %swap3A_79 {strides = array<i32>} : memref<512x32xf32, #tpu.memory_space<vmem>>, vector<1x16xf32>,
      %mul3A_80 = vector.broadcast %scan3A_16 : f32 to vector<16xf32>
      %mul3A_81 = arith.mulf %scan3A_67#1, %mul3A_80 : vector<16xf32>
      %swap3A_82 = arith.index_cast %add3A_72 : i32 to index
      %swap3A_83 = arith.constant 16 : index
      %swap3A_84 = tpu.vector_load %arg9[%swap3A_82, %swap3A_83] {strides = array<i32>} : memref<512x32xf32, #tpu.memory_space<vmem>>, vector<1x16xf32>,
      %swap3A_85 = vector.shape_cast %swap3A_84 : vector<1x16xf32> to vector<16xf32>
      %swap3A_86 = vector.shape_cast %mul3A_81 : vector<16xf32> to vector<1x16xf32>
      tpu.vector_store %arg9[%swap3A_82, %swap3A_83], %swap3A_86 {strides = array<i32>} : memref<512x32xf32, #tpu.memory_space<vmem>>, vector<1x16xf32>,
      %scan3A_87 = arith.constant 0 : i32
      %scan3A_88 = arith.constant 200 : i32
      %scan3A_89 = arith.addi %scan3A_87, %scan3A_88 : i32
      %scan3A_90 = arith.constant 8 : i32
      %scan3A_91:2 = scf.for %scan3A_442 = %scan3A_87 to %scan3A_89 step %scan3A_90 iter_args(%scan3A_443 = %broadcast_in_dim3A_3, %scan3A_444 = %broadcast_in_dim3A_3) -> (vector<16xf32>, vector<16xf32>)  : i32 {
        %add3A_445 = arith.constant 400 : i32
        %add3A_446 = arith.addi %add3A_445, %scan3A_442 : i32
        %get3A = arith.index_cast %add3A_446 : i32 to index
        %get3A_447 = arith.constant 0 : index
        %get3A_448 = tpu.vector_load %arg7[%get3A, %get3A_447] {strides = array<i32>} : memref<1600x32xf32, #tpu.memory_space<vmem>>, vector<1x16xf32>,
        %get3A_449 = vector.shape_cast %get3A_448 : vector<1x16xf32> to vector<16xf32>
        %add3A_450 = arith.addf %scan3A_443, %get3A_449 : vector<16xf32>
        %add3A_451 = arith.constant 400 : i32
        %add3A_452 = arith.addi %add3A_451, %scan3A_442 : i32
        %get3A_453 = arith.index_cast %add3A_452 : i32 to index
        %get3A_454 = arith.constant 16 : index
        %get3A_455 = tpu.vector_load %arg7[%get3A_453, %get3A_454] {strides = array<i32>} : memref<1600x32xf32, #tpu.memory_space<vmem>>, vector<1x16xf32>,
        %get3A_456 = vector.shape_cast %get3A_455 : vector<1x16xf32> to vector<16xf32>
        %add3A_457 = arith.addf %scan3A_444, %get3A_456 : vector<16xf32>
        %scan3A_458 = arith.constant 1 : i32
        %scan3A_459 = arith.addi %scan3A_442, %scan3A_458 : i32
        %add3A_460 = arith.constant 400 : i32
        %add3A_461 = arith.addi %add3A_460, %scan3A_459 : i32
        %get3A_462 = arith.index_cast %add3A_461 : i32 to index
        %get3A_463 = arith.constant 0 : index
        %get3A_464 = tpu.vector_load %arg7[%get3A_462, %get3A_463] {strides = array<i32>} : memref<1600x32xf32, #tpu.memory_space<vmem>>, vector<1x16xf32>,
        %get3A_465 = vector.shape_cast %get3A_464 : vector<1x16xf32> to vector<16xf32>
        %add3A_466 = arith.addf %add3A_450, %get3A_465 : vector<16xf32>
        %add3A_467 = arith.constant 400 : i32
        %add3A_468 = arith.addi %add3A_467, %scan3A_459 : i32
        %get3A_469 = arith.index_cast %add3A_468 : i32 to index
        %get3A_470 = arith.constant 16 : index
        %get3A_471 = tpu.vector_load %arg7[%get3A_469, %get3A_470] {strides = array<i32>} : memref<1600x32xf32, #tpu.memory_space<vmem>>, vector<1x16xf32>,
        %get3A_472 = vector.shape_cast %get3A_471 : vector<1x16xf32> to vector<16xf32>
        %add3A_473 = arith.addf %add3A_457, %get3A_472 : vector<16xf32>
        %scan3A_474 = arith.constant 2 : i32
        %scan3A_475 = arith.addi %scan3A_442, %scan3A_474 : i32
        %add3A_476 = arith.constant 400 : i32
        %add3A_477 = arith.addi %add3A_476, %scan3A_475 : i32
        %get3A_478 = arith.index_cast %add3A_477 : i32 to index
        %get3A_479 = arith.constant 0 : index
        %get3A_480 = tpu.vector_load %arg7[%get3A_478, %get3A_479] {strides = array<i32>} : memref<1600x32xf32, #tpu.memory_space<vmem>>, vector<1x16xf32>,
        %get3A_481 = vector.shape_cast %get3A_480 : vector<1x16xf32> to vector<16xf32>
        %add3A_482 = arith.addf %add3A_466, %get3A_481 : vector<16xf32>
        %add3A_483 = arith.constant 400 : i32
        %add3A_484 = arith.addi %add3A_483, %scan3A_475 : i32
        %get3A_485 = arith.index_cast %add3A_484 : i32 to index
        %get3A_486 = arith.constant 16 : index
        %get3A_487 = tpu.vector_load %arg7[%get3A_485, %get3A_486] {strides = array<i32>} : memref<1600x32xf32, #tpu.memory_space<vmem>>, vector<1x16xf32>,
        %get3A_488 = vector.shape_cast %get3A_487 : vector<1x16xf32> to vector<16xf32>
        %add3A_489 = arith.addf %add3A_473, %get3A_488 : vector<16xf32>
        %scan3A_490 = arith.constant 3 : i32
        %scan3A_491 = arith.addi %scan3A_442, %scan3A_490 : i32
        %add3A_492 = arith.constant 400 : i32
        %add3A_493 = arith.addi %add3A_492, %scan3A_491 : i32
        %get3A_494 = arith.index_cast %add3A_493 : i32 to index
        %get3A_495 = arith.constant 0 : index
        %get3A_496 = tpu.vector_load %arg7[%get3A_494, %get3A_495] {strides = array<i32>} : memref<1600x32xf32, #tpu.memory_space<vmem>>, vector<1x16xf32>,
        %get3A_497 = vector.shape_cast %get3A_496 : vector<1x16xf32> to vector<16xf32>
        %add3A_498 = arith.addf %add3A_482, %get3A_497 : vector<16xf32>
        %add3A_499 = arith.constant 400 : i32
        %add3A_500 = arith.addi %add3A_499, %scan3A_491 : i32
        %get3A_501 = arith.index_cast %add3A_500 : i32 to index
        %get3A_502 = arith.constant 16 : index
        %get3A_503 = tpu.vector_load %arg7[%get3A_501, %get3A_502] {strides = array<i32>} : memref<1600x32xf32, #tpu.memory_space<vmem>>, vector<1x16xf32>,
        %get3A_504 = vector.shape_cast %get3A_503 : vector<1x16xf32> to vector<16xf32>
        %add3A_505 = arith.addf %add3A_489, %get3A_504 : vector<16xf32>
        %scan3A_506 = arith.constant 4 : i32
        %scan3A_507 = arith.addi %scan3A_442, %scan3A_506 : i32
        %add3A_508 = arith.constant 400 : i32
        %add3A_509 = arith.addi %add3A_508, %scan3A_507 : i32
        %get3A_510 = arith.index_cast %add3A_509 : i32 to index
        %get3A_511 = arith.constant 0 : index
        %get3A_512 = tpu.vector_load %arg7[%get3A_510, %get3A_511] {strides = array<i32>} : memref<1600x32xf32, #tpu.memory_space<vmem>>, vector<1x16xf32>,
        %get3A_513 = vector.shape_cast %get3A_512 : vector<1x16xf32> to vector<16xf32>
        %add3A_514 = arith.addf %add3A_498, %get3A_513 : vector<16xf32>
        %add3A_515 = arith.constant 400 : i32
        %add3A_516 = arith.addi %add3A_515, %scan3A_507 : i32
        %get3A_517 = arith.index_cast %add3A_516 : i32 to index
        %get3A_518 = arith.constant 16 : index
        %get3A_519 = tpu.vector_load %arg7[%get3A_517, %get3A_518] {strides = array<i32>} : memref<1600x32xf32, #tpu.memory_space<vmem>>, vector<1x16xf32>,
        %get3A_520 = vector.shape_cast %get3A_519 : vector<1x16xf32> to vector<16xf32>
        %add3A_521 = arith.addf %add3A_505, %get3A_520 : vector<16xf32>
        %scan3A_522 = arith.constant 5 : i32
        %scan3A_523 = arith.addi %scan3A_442, %scan3A_522 : i32
        %add3A_524 = arith.constant 400 : i32
        %add3A_525 = arith.addi %add3A_524, %scan3A_523 : i32
        %get3A_526 = arith.index_cast %add3A_525 : i32 to index
        %get3A_527 = arith.constant 0 : index
        %get3A_528 = tpu.vector_load %arg7[%get3A_526, %get3A_527] {strides = array<i32>} : memref<1600x32xf32, #tpu.memory_space<vmem>>, vector<1x16xf32>,
        %get3A_529 = vector.shape_cast %get3A_528 : vector<1x16xf32> to vector<16xf32>
        %add3A_530 = arith.addf %add3A_514, %get3A_529 : vector<16xf32>
        %add3A_531 = arith.constant 400 : i32
        %add3A_532 = arith.addi %add3A_531, %scan3A_523 : i32
        %get3A_533 = arith.index_cast %add3A_532 : i32 to index
        %get3A_534 = arith.constant 16 : index
        %get3A_535 = tpu.vector_load %arg7[%get3A_533, %get3A_534] {strides = array<i32>} : memref<1600x32xf32, #tpu.memory_space<vmem>>, vector<1x16xf32>,
        %get3A_536 = vector.shape_cast %get3A_535 : vector<1x16xf32> to vector<16xf32>
        %add3A_537 = arith.addf %add3A_521, %get3A_536 : vector<16xf32>
        %scan3A_538 = arith.constant 6 : i32
        %scan3A_539 = arith.addi %scan3A_442, %scan3A_538 : i32
        %add3A_540 = arith.constant 400 : i32
        %add3A_541 = arith.addi %add3A_540, %scan3A_539 : i32
        %get3A_542 = arith.index_cast %add3A_541 : i32 to index
        %get3A_543 = arith.constant 0 : index
        %get3A_544 = tpu.vector_load %arg7[%get3A_542, %get3A_543] {strides = array<i32>} : memref<1600x32xf32, #tpu.memory_space<vmem>>, vector<1x16xf32>,
        %get3A_545 = vector.shape_cast %get3A_544 : vector<1x16xf32> to vector<16xf32>
        %add3A_546 = arith.addf %add3A_530, %get3A_545 : vector<16xf32>
        %add3A_547 = arith.constant 400 : i32
        %add3A_548 = arith.addi %add3A_547, %scan3A_539 : i32
        %get3A_549 = arith.index_cast %add3A_548 : i32 to index
        %get3A_550 = arith.constant 16 : index
        %get3A_551 = tpu.vector_load %arg7[%get3A_549, %get3A_550] {strides = array<i32>} : memref<1600x32xf32, #tpu.memory_space<vmem>>, vector<1x16xf32>,
        %get3A_552 = vector.shape_cast %get3A_551 : vector<1x16xf32> to vector<16xf32>
        %add3A_553 = arith.addf %add3A_537, %get3A_552 : vector<16xf32>
        %scan3A_554 = arith.constant 7 : i32
        %scan3A_555 = arith.addi %scan3A_442, %scan3A_554 : i32
        %add3A_556 = arith.constant 400 : i32
        %add3A_557 = arith.addi %add3A_556, %scan3A_555 : i32
        %get3A_558 = arith.index_cast %add3A_557 : i32 to index
        %get3A_559 = arith.constant 0 : index
        %get3A_560 = tpu.vector_load %arg7[%get3A_558, %get3A_559] {strides = array<i32>} : memref<1600x32xf32, #tpu.memory_space<vmem>>, vector<1x16xf32>,
        %get3A_561 = vector.shape_cast %get3A_560 : vector<1x16xf32> to vector<16xf32>
        %add3A_562 = arith.addf %add3A_546, %get3A_561 : vector<16xf32>
        %add3A_563 = arith.constant 400 : i32
        %add3A_564 = arith.addi %add3A_563, %scan3A_555 : i32
        %get3A_565 = arith.index_cast %add3A_564 : i32 to index
        %get3A_566 = arith.constant 16 : index
        %get3A_567 = tpu.vector_load %arg7[%get3A_565, %get3A_566] {strides = array<i32>} : memref<1600x32xf32, #tpu.memory_space<vmem>>, vector<1x16xf32>,
        %get3A_568 = vector.shape_cast %get3A_567 : vector<1x16xf32> to vector<16xf32>
        %add3A_569 = arith.addf %add3A_553, %get3A_568 : vector<16xf32>
        scf.yield %add3A_562, %add3A_569 : vector<16xf32>, vector<16xf32>
      }
      %scan3A_92 = arith.constant 200 : i32
      %mul3A_93 = arith.constant 8 : i32
      %mul3A_94 = arith.muli %add3A_26, %mul3A_93 : i32
      %add3A_95 = arith.constant 2 : i32
      %add3A_96 = arith.addi %mul3A_94, %add3A_95 : i32
      %mul3A_97 = vector.broadcast %scan3A_16 : f32 to vector<16xf32>
      %mul3A_98 = arith.mulf %scan3A_91#0, %mul3A_97 : vector<16xf32>
      %swap3A_99 = arith.index_cast %add3A_96 : i32 to index
      %swap3A_100 = arith.constant 0 : index
      %swap3A_101 = tpu.vector_load %arg9[%swap3A_99, %swap3A_100] {strides = array<i32>} : memref<512x32xf32, #tpu.memory_space<vmem>>, vector<1x16xf32>,
      %swap3A_102 = vector.shape_cast %swap3A_101 : vector<1x16xf32> to vector<16xf32>
      %swap3A_103 = vector.shape_cast %mul3A_98 : vector<16xf32> to vector<1x16xf32>
      tpu.vector_store %arg9[%swap3A_99, %swap3A_100], %swap3A_103 {strides = array<i32>} : memref<512x32xf32, #tpu.memory_space<vmem>>, vector<1x16xf32>,
      %mul3A_104 = vector.broadcast %scan3A_16 : f32 to vector<16xf32>
      %mul3A_105 = arith.mulf %scan3A_91#1, %mul3A_104 : vector<16xf32>
      %swap3A_106 = arith.index_cast %add3A_96 : i32 to index
      %swap3A_107 = arith.constant 16 : index
      %swap3A_108 = tpu.vector_load %arg9[%swap3A_106, %swap3A_107] {strides = array<i32>} : memref<512x32xf32, #tpu.memory_space<vmem>>, vector<1x16xf32>,
      %swap3A_109 = vector.shape_cast %swap3A_108 : vector<1x16xf32> to vector<16xf32>
      %swap3A_110 = vector.shape_cast %mul3A_105 : vector<16xf32> to vector<1x16xf32>
      tpu.vector_store %arg9[%swap3A_106, %swap3A_107], %swap3A_110 {strides = array<i32>} : memref<512x32xf32, #tpu.memory_space<vmem>>, vector<1x16xf32>,
      %scan3A_111 = arith.constant 0 : i32
      %scan3A_112 = arith.constant 200 : i32
      %scan3A_113 = arith.addi %scan3A_111, %scan3A_112 : i32
      %scan3A_114 = arith.constant 8 : i32
      %scan3A_115:2 = scf.for %scan3A_442 = %scan3A_111 to %scan3A_113 step %scan3A_114 iter_args(%scan3A_443 = %broadcast_in_dim3A_3, %scan3A_444 = %broadcast_in_dim3A_3) -> (vector<16xf32>, vector<16xf32>)  : i32 {
        %add3A_445 = arith.constant 600 : i32
        %add3A_446 = arith.addi %add3A_445, %scan3A_442 : i32
        %get3A = arith.index_cast %add3A_446 : i32 to index
        %get3A_447 = arith.constant 0 : index
        %get3A_448 = tpu.vector_load %arg7[%get3A, %get3A_447] {strides = array<i32>} : memref<1600x32xf32, #tpu.memory_space<vmem>>, vector<1x16xf32>,
        %get3A_449 = vector.shape_cast %get3A_448 : vector<1x16xf32> to vector<16xf32>
        %add3A_450 = arith.addf %scan3A_443, %get3A_449 : vector<16xf32>
        %add3A_451 = arith.constant 600 : i32
        %add3A_452 = arith.addi %add3A_451, %scan3A_442 : i32
        %get3A_453 = arith.index_cast %add3A_452 : i32 to index
        %get3A_454 = arith.constant 16 : index
        %get3A_455 = tpu.vector_load %arg7[%get3A_453, %get3A_454] {strides = array<i32>} : memref<1600x32xf32, #tpu.memory_space<vmem>>, vector<1x16xf32>,
        %get3A_456 = vector.shape_cast %get3A_455 : vector<1x16xf32> to vector<16xf32>
        %add3A_457 = arith.addf %scan3A_444, %get3A_456 : vector<16xf32>
        %scan3A_458 = arith.constant 1 : i32
        %scan3A_459 = arith.addi %scan3A_442, %scan3A_458 : i32
        %add3A_460 = arith.constant 600 : i32
        %add3A_461 = arith.addi %add3A_460, %scan3A_459 : i32
        %get3A_462 = arith.index_cast %add3A_461 : i32 to index
        %get3A_463 = arith.constant 0 : index
        %get3A_464 = tpu.vector_load %arg7[%get3A_462, %get3A_463] {strides = array<i32>} : memref<1600x32xf32, #tpu.memory_space<vmem>>, vector<1x16xf32>,
        %get3A_465 = vector.shape_cast %get3A_464 : vector<1x16xf32> to vector<16xf32>
        %add3A_466 = arith.addf %add3A_450, %get3A_465 : vector<16xf32>
        %add3A_467 = arith.constant 600 : i32
        %add3A_468 = arith.addi %add3A_467, %scan3A_459 : i32
        %get3A_469 = arith.index_cast %add3A_468 : i32 to index
        %get3A_470 = arith.constant 16 : index
        %get3A_471 = tpu.vector_load %arg7[%get3A_469, %get3A_470] {strides = array<i32>} : memref<1600x32xf32, #tpu.memory_space<vmem>>, vector<1x16xf32>,
        %get3A_472 = vector.shape_cast %get3A_471 : vector<1x16xf32> to vector<16xf32>
        %add3A_473 = arith.addf %add3A_457, %get3A_472 : vector<16xf32>
        %scan3A_474 = arith.constant 2 : i32
        %scan3A_475 = arith.addi %scan3A_442, %scan3A_474 : i32
        %add3A_476 = arith.constant 600 : i32
        %add3A_477 = arith.addi %add3A_476, %scan3A_475 : i32
        %get3A_478 = arith.index_cast %add3A_477 : i32 to index
        %get3A_479 = arith.constant 0 : index
        %get3A_480 = tpu.vector_load %arg7[%get3A_478, %get3A_479] {strides = array<i32>} : memref<1600x32xf32, #tpu.memory_space<vmem>>, vector<1x16xf32>,
        %get3A_481 = vector.shape_cast %get3A_480 : vector<1x16xf32> to vector<16xf32>
        %add3A_482 = arith.addf %add3A_466, %get3A_481 : vector<16xf32>
        %add3A_483 = arith.constant 600 : i32
        %add3A_484 = arith.addi %add3A_483, %scan3A_475 : i32
        %get3A_485 = arith.index_cast %add3A_484 : i32 to index
        %get3A_486 = arith.constant 16 : index
        %get3A_487 = tpu.vector_load %arg7[%get3A_485, %get3A_486] {strides = array<i32>} : memref<1600x32xf32, #tpu.memory_space<vmem>>, vector<1x16xf32>,
        %get3A_488 = vector.shape_cast %get3A_487 : vector<1x16xf32> to vector<16xf32>
        %add3A_489 = arith.addf %add3A_473, %get3A_488 : vector<16xf32>
        %scan3A_490 = arith.constant 3 : i32
        %scan3A_491 = arith.addi %scan3A_442, %scan3A_490 : i32
        %add3A_492 = arith.constant 600 : i32
        %add3A_493 = arith.addi %add3A_492, %scan3A_491 : i32
        %get3A_494 = arith.index_cast %add3A_493 : i32 to index
        %get3A_495 = arith.constant 0 : index
        %get3A_496 = tpu.vector_load %arg7[%get3A_494, %get3A_495] {strides = array<i32>} : memref<1600x32xf32, #tpu.memory_space<vmem>>, vector<1x16xf32>,
        %get3A_497 = vector.shape_cast %get3A_496 : vector<1x16xf32> to vector<16xf32>
        %add3A_498 = arith.addf %add3A_482, %get3A_497 : vector<16xf32>
        %add3A_499 = arith.constant 600 : i32
        %add3A_500 = arith.addi %add3A_499, %scan3A_491 : i32
        %get3A_501 = arith.index_cast %add3A_500 : i32 to index
        %get3A_502 = arith.constant 16 : index
        %get3A_503 = tpu.vector_load %arg7[%get3A_501, %get3A_502] {strides = array<i32>} : memref<1600x32xf32, #tpu.memory_space<vmem>>, vector<1x16xf32>,
        %get3A_504 = vector.shape_cast %get3A_503 : vector<1x16xf32> to vector<16xf32>
        %add3A_505 = arith.addf %add3A_489, %get3A_504 : vector<16xf32>
        %scan3A_506 = arith.constant 4 : i32
        %scan3A_507 = arith.addi %scan3A_442, %scan3A_506 : i32
        %add3A_508 = arith.constant 600 : i32
        %add3A_509 = arith.addi %add3A_508, %scan3A_507 : i32
        %get3A_510 = arith.index_cast %add3A_509 : i32 to index
        %get3A_511 = arith.constant 0 : index
        %get3A_512 = tpu.vector_load %arg7[%get3A_510, %get3A_511] {strides = array<i32>} : memref<1600x32xf32, #tpu.memory_space<vmem>>, vector<1x16xf32>,
        %get3A_513 = vector.shape_cast %get3A_512 : vector<1x16xf32> to vector<16xf32>
        %add3A_514 = arith.addf %add3A_498, %get3A_513 : vector<16xf32>
        %add3A_515 = arith.constant 600 : i32
        %add3A_516 = arith.addi %add3A_515, %scan3A_507 : i32
        %get3A_517 = arith.index_cast %add3A_516 : i32 to index
        %get3A_518 = arith.constant 16 : index
        %get3A_519 = tpu.vector_load %arg7[%get3A_517, %get3A_518] {strides = array<i32>} : memref<1600x32xf32, #tpu.memory_space<vmem>>, vector<1x16xf32>,
        %get3A_520 = vector.shape_cast %get3A_519 : vector<1x16xf32> to vector<16xf32>
        %add3A_521 = arith.addf %add3A_505, %get3A_520 : vector<16xf32>
        %scan3A_522 = arith.constant 5 : i32
        %scan3A_523 = arith.addi %scan3A_442, %scan3A_522 : i32
        %add3A_524 = arith.constant 600 : i32
        %add3A_525 = arith.addi %add3A_524, %scan3A_523 : i32
        %get3A_526 = arith.index_cast %add3A_525 : i32 to index
        %get3A_527 = arith.constant 0 : index
        %get3A_528 = tpu.vector_load %arg7[%get3A_526, %get3A_527] {strides = array<i32>} : memref<1600x32xf32, #tpu.memory_space<vmem>>, vector<1x16xf32>,
        %get3A_529 = vector.shape_cast %get3A_528 : vector<1x16xf32> to vector<16xf32>
        %add3A_530 = arith.addf %add3A_514, %get3A_529 : vector<16xf32>
        %add3A_531 = arith.constant 600 : i32
        %add3A_532 = arith.addi %add3A_531, %scan3A_523 : i32
        %get3A_533 = arith.index_cast %add3A_532 : i32 to index
        %get3A_534 = arith.constant 16 : index
        %get3A_535 = tpu.vector_load %arg7[%get3A_533, %get3A_534] {strides = array<i32>} : memref<1600x32xf32, #tpu.memory_space<vmem>>, vector<1x16xf32>,
        %get3A_536 = vector.shape_cast %get3A_535 : vector<1x16xf32> to vector<16xf32>
        %add3A_537 = arith.addf %add3A_521, %get3A_536 : vector<16xf32>
        %scan3A_538 = arith.constant 6 : i32
        %scan3A_539 = arith.addi %scan3A_442, %scan3A_538 : i32
        %add3A_540 = arith.constant 600 : i32
        %add3A_541 = arith.addi %add3A_540, %scan3A_539 : i32
        %get3A_542 = arith.index_cast %add3A_541 : i32 to index
        %get3A_543 = arith.constant 0 : index
        %get3A_544 = tpu.vector_load %arg7[%get3A_542, %get3A_543] {strides = array<i32>} : memref<1600x32xf32, #tpu.memory_space<vmem>>, vector<1x16xf32>,
        %get3A_545 = vector.shape_cast %get3A_544 : vector<1x16xf32> to vector<16xf32>
        %add3A_546 = arith.addf %add3A_530, %get3A_545 : vector<16xf32>
        %add3A_547 = arith.constant 600 : i32
        %add3A_548 = arith.addi %add3A_547, %scan3A_539 : i32
        %get3A_549 = arith.index_cast %add3A_548 : i32 to index
        %get3A_550 = arith.constant 16 : index
        %get3A_551 = tpu.vector_load %arg7[%get3A_549, %get3A_550] {strides = array<i32>} : memref<1600x32xf32, #tpu.memory_space<vmem>>, vector<1x16xf32>,
        %get3A_552 = vector.shape_cast %get3A_551 : vector<1x16xf32> to vector<16xf32>
        %add3A_553 = arith.addf %add3A_537, %get3A_552 : vector<16xf32>
        %scan3A_554 = arith.constant 7 : i32
        %scan3A_555 = arith.addi %scan3A_442, %scan3A_554 : i32
        %add3A_556 = arith.constant 600 : i32
        %add3A_557 = arith.addi %add3A_556, %scan3A_555 : i32
        %get3A_558 = arith.index_cast %add3A_557 : i32 to index
        %get3A_559 = arith.constant 0 : index
        %get3A_560 = tpu.vector_load %arg7[%get3A_558, %get3A_559] {strides = array<i32>} : memref<1600x32xf32, #tpu.memory_space<vmem>>, vector<1x16xf32>,
        %get3A_561 = vector.shape_cast %get3A_560 : vector<1x16xf32> to vector<16xf32>
        %add3A_562 = arith.addf %add3A_546, %get3A_561 : vector<16xf32>
        %add3A_563 = arith.constant 600 : i32
        %add3A_564 = arith.addi %add3A_563, %scan3A_555 : i32
        %get3A_565 = arith.index_cast %add3A_564 : i32 to index
        %get3A_566 = arith.constant 16 : index
        %get3A_567 = tpu.vector_load %arg7[%get3A_565, %get3A_566] {strides = array<i32>} : memref<1600x32xf32, #tpu.memory_space<vmem>>, vector<1x16xf32>,
        %get3A_568 = vector.shape_cast %get3A_567 : vector<1x16xf32> to vector<16xf32>
        %add3A_569 = arith.addf %add3A_553, %get3A_568 : vector<16xf32>
        scf.yield %add3A_562, %add3A_569 : vector<16xf32>, vector<16xf32>
      }
      %scan3A_116 = arith.constant 200 : i32
      %mul3A_117 = arith.constant 8 : i32
      %mul3A_118 = arith.muli %add3A_26, %mul3A_117 : i32
      %add3A_119 = arith.constant 3 : i32
      %add3A_120 = arith.addi %mul3A_118, %add3A_119 : i32
      %mul3A_121 = vector.broadcast %scan3A_16 : f32 to vector<16xf32>
      %mul3A_122 = arith.mulf %scan3A_115#0, %mul3A_121 : vector<16xf32>
      %swap3A_123 = arith.index_cast %add3A_120 : i32 to index
      %swap3A_124 = arith.constant 0 : index
      %swap3A_125 = tpu.vector_load %arg9[%swap3A_123, %swap3A_124] {strides = array<i32>} : memref<512x32xf32, #tpu.memory_space<vmem>>, vector<1x16xf32>,
      %swap3A_126 = vector.shape_cast %swap3A_125 : vector<1x16xf32> to vector<16xf32>
      %swap3A_127 = vector.shape_cast %mul3A_122 : vector<16xf32> to vector<1x16xf32>
      tpu.vector_store %arg9[%swap3A_123, %swap3A_124], %swap3A_127 {strides = array<i32>} : memref<512x32xf32, #tpu.memory_space<vmem>>, vector<1x16xf32>,
      %mul3A_128 = vector.broadcast %scan3A_16 : f32 to vector<16xf32>
      %mul3A_129 = arith.mulf %scan3A_115#1, %mul3A_128 : vector<16xf32>
      %swap3A_130 = arith.index_cast %add3A_120 : i32 to index
      %swap3A_131 = arith.constant 16 : index
      %swap3A_132 = tpu.vector_load %arg9[%swap3A_130, %swap3A_131] {strides = array<i32>} : memref<512x32xf32, #tpu.memory_space<vmem>>, vector<1x16xf32>,
      %swap3A_133 = vector.shape_cast %swap3A_132 : vector<1x16xf32> to vector<16xf32>
      %swap3A_134 = vector.shape_cast %mul3A_129 : vector<16xf32> to vector<1x16xf32>
      tpu.vector_store %arg9[%swap3A_130, %swap3A_131], %swap3A_134 {strides = array<i32>} : memref<512x32xf32, #tpu.memory_space<vmem>>, vector<1x16xf32>,
      %scan3A_135 = arith.constant 0 : i32
      %scan3A_136 = arith.constant 200 : i32
      %scan3A_137 = arith.addi %scan3A_135, %scan3A_136 : i32
      %scan3A_138 = arith.constant 8 : i32
      %scan3A_139:2 = scf.for %scan3A_442 = %scan3A_135 to %scan3A_137 step %scan3A_138 iter_args(%scan3A_443 = %broadcast_in_dim3A_3, %scan3A_444 = %broadcast_in_dim3A_3) -> (vector<16xf32>, vector<16xf32>)  : i32 {
        %add3A_445 = arith.constant 800 : i32
        %add3A_446 = arith.addi %add3A_445, %scan3A_442 : i32
        %get3A = arith.index_cast %add3A_446 : i32 to index
        %get3A_447 = arith.constant 0 : index
        %get3A_448 = tpu.vector_load %arg7[%get3A, %get3A_447] {strides = array<i32>} : memref<1600x32xf32, #tpu.memory_space<vmem>>, vector<1x16xf32>,
        %get3A_449 = vector.shape_cast %get3A_448 : vector<1x16xf32> to vector<16xf32>
        %add3A_450 = arith.addf %scan3A_443, %get3A_449 : vector<16xf32>
        %add3A_451 = arith.constant 800 : i32
        %add3A_452 = arith.addi %add3A_451, %scan3A_442 : i32
        %get3A_453 = arith.index_cast %add3A_452 : i32 to index
        %get3A_454 = arith.constant 16 : index
        %get3A_455 = tpu.vector_load %arg7[%get3A_453, %get3A_454] {strides = array<i32>} : memref<1600x32xf32, #tpu.memory_space<vmem>>, vector<1x16xf32>,
        %get3A_456 = vector.shape_cast %get3A_455 : vector<1x16xf32> to vector<16xf32>
        %add3A_457 = arith.addf %scan3A_444, %get3A_456 : vector<16xf32>
        %scan3A_458 = arith.constant 1 : i32
        %scan3A_459 = arith.addi %scan3A_442, %scan3A_458 : i32
        %add3A_460 = arith.constant 800 : i32
        %add3A_461 = arith.addi %add3A_460, %scan3A_459 : i32
        %get3A_462 = arith.index_cast %add3A_461 : i32 to index
        %get3A_463 = arith.constant 0 : index
        %get3A_464 = tpu.vector_load %arg7[%get3A_462, %get3A_463] {strides = array<i32>} : memref<1600x32xf32, #tpu.memory_space<vmem>>, vector<1x16xf32>,
        %get3A_465 = vector.shape_cast %get3A_464 : vector<1x16xf32> to vector<16xf32>
        %add3A_466 = arith.addf %add3A_450, %get3A_465 : vector<16xf32>
        %add3A_467 = arith.constant 800 : i32
        %add3A_468 = arith.addi %add3A_467, %scan3A_459 : i32
        %get3A_469 = arith.index_cast %add3A_468 : i32 to index
        %get3A_470 = arith.constant 16 : index
        %get3A_471 = tpu.vector_load %arg7[%get3A_469, %get3A_470] {strides = array<i32>} : memref<1600x32xf32, #tpu.memory_space<vmem>>, vector<1x16xf32>,
        %get3A_472 = vector.shape_cast %get3A_471 : vector<1x16xf32> to vector<16xf32>
        %add3A_473 = arith.addf %add3A_457, %get3A_472 : vector<16xf32>
        %scan3A_474 = arith.constant 2 : i32
        %scan3A_475 = arith.addi %scan3A_442, %scan3A_474 : i32
        %add3A_476 = arith.constant 800 : i32
        %add3A_477 = arith.addi %add3A_476, %scan3A_475 : i32
        %get3A_478 = arith.index_cast %add3A_477 : i32 to index
        %get3A_479 = arith.constant 0 : index
        %get3A_480 = tpu.vector_load %arg7[%get3A_478, %get3A_479] {strides = array<i32>} : memref<1600x32xf32, #tpu.memory_space<vmem>>, vector<1x16xf32>,
        %get3A_481 = vector.shape_cast %get3A_480 : vector<1x16xf32> to vector<16xf32>
        %add3A_482 = arith.addf %add3A_466, %get3A_481 : vector<16xf32>
        %add3A_483 = arith.constant 800 : i32
        %add3A_484 = arith.addi %add3A_483, %scan3A_475 : i32
        %get3A_485 = arith.index_cast %add3A_484 : i32 to index
        %get3A_486 = arith.constant 16 : index
        %get3A_487 = tpu.vector_load %arg7[%get3A_485, %get3A_486] {strides = array<i32>} : memref<1600x32xf32, #tpu.memory_space<vmem>>, vector<1x16xf32>,
        %get3A_488 = vector.shape_cast %get3A_487 : vector<1x16xf32> to vector<16xf32>
        %add3A_489 = arith.addf %add3A_473, %get3A_488 : vector<16xf32>
        %scan3A_490 = arith.constant 3 : i32
        %scan3A_491 = arith.addi %scan3A_442, %scan3A_490 : i32
        %add3A_492 = arith.constant 800 : i32
        %add3A_493 = arith.addi %add3A_492, %scan3A_491 : i32
        %get3A_494 = arith.index_cast %add3A_493 : i32 to index
        %get3A_495 = arith.constant 0 : index
        %get3A_496 = tpu.vector_load %arg7[%get3A_494, %get3A_495] {strides = array<i32>} : memref<1600x32xf32, #tpu.memory_space<vmem>>, vector<1x16xf32>,
        %get3A_497 = vector.shape_cast %get3A_496 : vector<1x16xf32> to vector<16xf32>
        %add3A_498 = arith.addf %add3A_482, %get3A_497 : vector<16xf32>
        %add3A_499 = arith.constant 800 : i32
        %add3A_500 = arith.addi %add3A_499, %scan3A_491 : i32
        %get3A_501 = arith.index_cast %add3A_500 : i32 to index
        %get3A_502 = arith.constant 16 : index
        %get3A_503 = tpu.vector_load %arg7[%get3A_501, %get3A_502] {strides = array<i32>} : memref<1600x32xf32, #tpu.memory_space<vmem>>, vector<1x16xf32>,
        %get3A_504 = vector.shape_cast %get3A_503 : vector<1x16xf32> to vector<16xf32>
        %add3A_505 = arith.addf %add3A_489, %get3A_504 : vector<16xf32>
        %scan3A_506 = arith.constant 4 : i32
        %scan3A_507 = arith.addi %scan3A_442, %scan3A_506 : i32
        %add3A_508 = arith.constant 800 : i32
        %add3A_509 = arith.addi %add3A_508, %scan3A_507 : i32
        %get3A_510 = arith.index_cast %add3A_509 : i32 to index
        %get3A_511 = arith.constant 0 : index
        %get3A_512 = tpu.vector_load %arg7[%get3A_510, %get3A_511] {strides = array<i32>} : memref<1600x32xf32, #tpu.memory_space<vmem>>, vector<1x16xf32>,
        %get3A_513 = vector.shape_cast %get3A_512 : vector<1x16xf32> to vector<16xf32>
        %add3A_514 = arith.addf %add3A_498, %get3A_513 : vector<16xf32>
        %add3A_515 = arith.constant 800 : i32
        %add3A_516 = arith.addi %add3A_515, %scan3A_507 : i32
        %get3A_517 = arith.index_cast %add3A_516 : i32 to index
        %get3A_518 = arith.constant 16 : index
        %get3A_519 = tpu.vector_load %arg7[%get3A_517, %get3A_518] {strides = array<i32>} : memref<1600x32xf32, #tpu.memory_space<vmem>>, vector<1x16xf32>,
        %get3A_520 = vector.shape_cast %get3A_519 : vector<1x16xf32> to vector<16xf32>
        %add3A_521 = arith.addf %add3A_505, %get3A_520 : vector<16xf32>
        %scan3A_522 = arith.constant 5 : i32
        %scan3A_523 = arith.addi %scan3A_442, %scan3A_522 : i32
        %add3A_524 = arith.constant 800 : i32
        %add3A_525 = arith.addi %add3A_524, %scan3A_523 : i32
        %get3A_526 = arith.index_cast %add3A_525 : i32 to index
        %get3A_527 = arith.constant 0 : index
        %get3A_528 = tpu.vector_load %arg7[%get3A_526, %get3A_527] {strides = array<i32>} : memref<1600x32xf32, #tpu.memory_space<vmem>>, vector<1x16xf32>,
        %get3A_529 = vector.shape_cast %get3A_528 : vector<1x16xf32> to vector<16xf32>
        %add3A_530 = arith.addf %add3A_514, %get3A_529 : vector<16xf32>
        %add3A_531 = arith.constant 800 : i32
        %add3A_532 = arith.addi %add3A_531, %scan3A_523 : i32
        %get3A_533 = arith.index_cast %add3A_532 : i32 to index
        %get3A_534 = arith.constant 16 : index
        %get3A_535 = tpu.vector_load %arg7[%get3A_533, %get3A_534] {strides = array<i32>} : memref<1600x32xf32, #tpu.memory_space<vmem>>, vector<1x16xf32>,
        %get3A_536 = vector.shape_cast %get3A_535 : vector<1x16xf32> to vector<16xf32>
        %add3A_537 = arith.addf %add3A_521, %get3A_536 : vector<16xf32>
        %scan3A_538 = arith.constant 6 : i32
        %scan3A_539 = arith.addi %scan3A_442, %scan3A_538 : i32
        %add3A_540 = arith.constant 800 : i32
        %add3A_541 = arith.addi %add3A_540, %scan3A_539 : i32
        %get3A_542 = arith.index_cast %add3A_541 : i32 to index
        %get3A_543 = arith.constant 0 : index
        %get3A_544 = tpu.vector_load %arg7[%get3A_542, %get3A_543] {strides = array<i32>} : memref<1600x32xf32, #tpu.memory_space<vmem>>, vector<1x16xf32>,
        %get3A_545 = vector.shape_cast %get3A_544 : vector<1x16xf32> to vector<16xf32>
        %add3A_546 = arith.addf %add3A_530, %get3A_545 : vector<16xf32>
        %add3A_547 = arith.constant 800 : i32
        %add3A_548 = arith.addi %add3A_547, %scan3A_539 : i32
        %get3A_549 = arith.index_cast %add3A_548 : i32 to index
        %get3A_550 = arith.constant 16 : index
        %get3A_551 = tpu.vector_load %arg7[%get3A_549, %get3A_550] {strides = array<i32>} : memref<1600x32xf32, #tpu.memory_space<vmem>>, vector<1x16xf32>,
        %get3A_552 = vector.shape_cast %get3A_551 : vector<1x16xf32> to vector<16xf32>
        %add3A_553 = arith.addf %add3A_537, %get3A_552 : vector<16xf32>
        %scan3A_554 = arith.constant 7 : i32
        %scan3A_555 = arith.addi %scan3A_442, %scan3A_554 : i32
        %add3A_556 = arith.constant 800 : i32
        %add3A_557 = arith.addi %add3A_556, %scan3A_555 : i32
        %get3A_558 = arith.index_cast %add3A_557 : i32 to index
        %get3A_559 = arith.constant 0 : index
        %get3A_560 = tpu.vector_load %arg7[%get3A_558, %get3A_559] {strides = array<i32>} : memref<1600x32xf32, #tpu.memory_space<vmem>>, vector<1x16xf32>,
        %get3A_561 = vector.shape_cast %get3A_560 : vector<1x16xf32> to vector<16xf32>
        %add3A_562 = arith.addf %add3A_546, %get3A_561 : vector<16xf32>
        %add3A_563 = arith.constant 800 : i32
        %add3A_564 = arith.addi %add3A_563, %scan3A_555 : i32
        %get3A_565 = arith.index_cast %add3A_564 : i32 to index
        %get3A_566 = arith.constant 16 : index
        %get3A_567 = tpu.vector_load %arg7[%get3A_565, %get3A_566] {strides = array<i32>} : memref<1600x32xf32, #tpu.memory_space<vmem>>, vector<1x16xf32>,
        %get3A_568 = vector.shape_cast %get3A_567 : vector<1x16xf32> to vector<16xf32>
        %add3A_569 = arith.addf %add3A_553, %get3A_568 : vector<16xf32>
        scf.yield %add3A_562, %add3A_569 : vector<16xf32>, vector<16xf32>
      }
      %scan3A_140 = arith.constant 200 : i32
      %mul3A_141 = arith.constant 8 : i32
      %mul3A_142 = arith.muli %add3A_26, %mul3A_141 : i32
      %add3A_143 = arith.constant 4 : i32
      %add3A_144 = arith.addi %mul3A_142, %add3A_143 : i32
      %mul3A_145 = vector.broadcast %scan3A_16 : f32 to vector<16xf32>
      %mul3A_146 = arith.mulf %scan3A_139#0, %mul3A_145 : vector<16xf32>
      %swap3A_147 = arith.index_cast %add3A_144 : i32 to index
      %swap3A_148 = arith.constant 0 : index
      %swap3A_149 = tpu.vector_load %arg9[%swap3A_147, %swap3A_148] {strides = array<i32>} : memref<512x32xf32, #tpu.memory_space<vmem>>, vector<1x16xf32>,
      %swap3A_150 = vector.shape_cast %swap3A_149 : vector<1x16xf32> to vector<16xf32>
      %swap3A_151 = vector.shape_cast %mul3A_146 : vector<16xf32> to vector<1x16xf32>
      tpu.vector_store %arg9[%swap3A_147, %swap3A_148], %swap3A_151 {strides = array<i32>} : memref<512x32xf32, #tpu.memory_space<vmem>>, vector<1x16xf32>,
      %mul3A_152 = vector.broadcast %scan3A_16 : f32 to vector<16xf32>
      %mul3A_153 = arith.mulf %scan3A_139#1, %mul3A_152 : vector<16xf32>
      %swap3A_154 = arith.index_cast %add3A_144 : i32 to index
      %swap3A_155 = arith.constant 16 : index
      %swap3A_156 = tpu.vector_load %arg9[%swap3A_154, %swap3A_155] {strides = array<i32>} : memref<512x32xf32, #tpu.memory_space<vmem>>, vector<1x16xf32>,
      %swap3A_157 = vector.shape_cast %swap3A_156 : vector<1x16xf32> to vector<16xf32>
      %swap3A_158 = vector.shape_cast %mul3A_153 : vector<16xf32> to vector<1x16xf32>
      tpu.vector_store %arg9[%swap3A_154, %swap3A_155], %swap3A_158 {strides = array<i32>} : memref<512x32xf32, #tpu.memory_space<vmem>>, vector<1x16xf32>,
      %scan3A_159 = arith.constant 0 : i32
      %scan3A_160 = arith.constant 200 : i32
      %scan3A_161 = arith.addi %scan3A_159, %scan3A_160 : i32
      %scan3A_162 = arith.constant 8 : i32
      %scan3A_163:2 = scf.for %scan3A_442 = %scan3A_159 to %scan3A_161 step %scan3A_162 iter_args(%scan3A_443 = %broadcast_in_dim3A_3, %scan3A_444 = %broadcast_in_dim3A_3) -> (vector<16xf32>, vector<16xf32>)  : i32 {
        %add3A_445 = arith.constant 1000 : i32
        %add3A_446 = arith.addi %add3A_445, %scan3A_442 : i32
        %get3A = arith.index_cast %add3A_446 : i32 to index
        %get3A_447 = arith.constant 0 : index
        %get3A_448 = tpu.vector_load %arg7[%get3A, %get3A_447] {strides = array<i32>} : memref<1600x32xf32, #tpu.memory_space<vmem>>, vector<1x16xf32>,
        %get3A_449 = vector.shape_cast %get3A_448 : vector<1x16xf32> to vector<16xf32>
        %add3A_450 = arith.addf %scan3A_443, %get3A_449 : vector<16xf32>
        %add3A_451 = arith.constant 1000 : i32
        %add3A_452 = arith.addi %add3A_451, %scan3A_442 : i32
        %get3A_453 = arith.index_cast %add3A_452 : i32 to index
        %get3A_454 = arith.constant 16 : index
        %get3A_455 = tpu.vector_load %arg7[%get3A_453, %get3A_454] {strides = array<i32>} : memref<1600x32xf32, #tpu.memory_space<vmem>>, vector<1x16xf32>,
        %get3A_456 = vector.shape_cast %get3A_455 : vector<1x16xf32> to vector<16xf32>
        %add3A_457 = arith.addf %scan3A_444, %get3A_456 : vector<16xf32>
        %scan3A_458 = arith.constant 1 : i32
        %scan3A_459 = arith.addi %scan3A_442, %scan3A_458 : i32
        %add3A_460 = arith.constant 1000 : i32
        %add3A_461 = arith.addi %add3A_460, %scan3A_459 : i32
        %get3A_462 = arith.index_cast %add3A_461 : i32 to index
        %get3A_463 = arith.constant 0 : index
        %get3A_464 = tpu.vector_load %arg7[%get3A_462, %get3A_463] {strides = array<i32>} : memref<1600x32xf32, #tpu.memory_space<vmem>>, vector<1x16xf32>,
        %get3A_465 = vector.shape_cast %get3A_464 : vector<1x16xf32> to vector<16xf32>
        %add3A_466 = arith.addf %add3A_450, %get3A_465 : vector<16xf32>
        %add3A_467 = arith.constant 1000 : i32
        %add3A_468 = arith.addi %add3A_467, %scan3A_459 : i32
        %get3A_469 = arith.index_cast %add3A_468 : i32 to index
        %get3A_470 = arith.constant 16 : index
        %get3A_471 = tpu.vector_load %arg7[%get3A_469, %get3A_470] {strides = array<i32>} : memref<1600x32xf32, #tpu.memory_space<vmem>>, vector<1x16xf32>,
        %get3A_472 = vector.shape_cast %get3A_471 : vector<1x16xf32> to vector<16xf32>
        %add3A_473 = arith.addf %add3A_457, %get3A_472 : vector<16xf32>
        %scan3A_474 = arith.constant 2 : i32
        %scan3A_475 = arith.addi %scan3A_442, %scan3A_474 : i32
        %add3A_476 = arith.constant 1000 : i32
        %add3A_477 = arith.addi %add3A_476, %scan3A_475 : i32
        %get3A_478 = arith.index_cast %add3A_477 : i32 to index
        %get3A_479 = arith.constant 0 : index
        %get3A_480 = tpu.vector_load %arg7[%get3A_478, %get3A_479] {strides = array<i32>} : memref<1600x32xf32, #tpu.memory_space<vmem>>, vector<1x16xf32>,
        %get3A_481 = vector.shape_cast %get3A_480 : vector<1x16xf32> to vector<16xf32>
        %add3A_482 = arith.addf %add3A_466, %get3A_481 : vector<16xf32>
        %add3A_483 = arith.constant 1000 : i32
        %add3A_484 = arith.addi %add3A_483, %scan3A_475 : i32
        %get3A_485 = arith.index_cast %add3A_484 : i32 to index
        %get3A_486 = arith.constant 16 : index
        %get3A_487 = tpu.vector_load %arg7[%get3A_485, %get3A_486] {strides = array<i32>} : memref<1600x32xf32, #tpu.memory_space<vmem>>, vector<1x16xf32>,
        %get3A_488 = vector.shape_cast %get3A_487 : vector<1x16xf32> to vector<16xf32>
        %add3A_489 = arith.addf %add3A_473, %get3A_488 : vector<16xf32>
        %scan3A_490 = arith.constant 3 : i32
        %scan3A_491 = arith.addi %scan3A_442, %scan3A_490 : i32
        %add3A_492 = arith.constant 1000 : i32
        %add3A_493 = arith.addi %add3A_492, %scan3A_491 : i32
        %get3A_494 = arith.index_cast %add3A_493 : i32 to index
        %get3A_495 = arith.constant 0 : index
        %get3A_496 = tpu.vector_load %arg7[%get3A_494, %get3A_495] {strides = array<i32>} : memref<1600x32xf32, #tpu.memory_space<vmem>>, vector<1x16xf32>,
        %get3A_497 = vector.shape_cast %get3A_496 : vector<1x16xf32> to vector<16xf32>
        %add3A_498 = arith.addf %add3A_482, %get3A_497 : vector<16xf32>
        %add3A_499 = arith.constant 1000 : i32
        %add3A_500 = arith.addi %add3A_499, %scan3A_491 : i32
        %get3A_501 = arith.index_cast %add3A_500 : i32 to index
        %get3A_502 = arith.constant 16 : index
        %get3A_503 = tpu.vector_load %arg7[%get3A_501, %get3A_502] {strides = array<i32>} : memref<1600x32xf32, #tpu.memory_space<vmem>>, vector<1x16xf32>,
        %get3A_504 = vector.shape_cast %get3A_503 : vector<1x16xf32> to vector<16xf32>
        %add3A_505 = arith.addf %add3A_489, %get3A_504 : vector<16xf32>
        %scan3A_506 = arith.constant 4 : i32
        %scan3A_507 = arith.addi %scan3A_442, %scan3A_506 : i32
        %add3A_508 = arith.constant 1000 : i32
        %add3A_509 = arith.addi %add3A_508, %scan3A_507 : i32
        %get3A_510 = arith.index_cast %add3A_509 : i32 to index
        %get3A_511 = arith.constant 0 : index
        %get3A_512 = tpu.vector_load %arg7[%get3A_510, %get3A_511] {strides = array<i32>} : memref<1600x32xf32, #tpu.memory_space<vmem>>, vector<1x16xf32>,
        %get3A_513 = vector.shape_cast %get3A_512 : vector<1x16xf32> to vector<16xf32>
        %add3A_514 = arith.addf %add3A_498, %get3A_513 : vector<16xf32>
        %add3A_515 = arith.constant 1000 : i32
        %add3A_516 = arith.addi %add3A_515, %scan3A_507 : i32
        %get3A_517 = arith.index_cast %add3A_516 : i32 to index
        %get3A_518 = arith.constant 16 : index
        %get3A_519 = tpu.vector_load %arg7[%get3A_517, %get3A_518] {strides = array<i32>} : memref<1600x32xf32, #tpu.memory_space<vmem>>, vector<1x16xf32>,
        %get3A_520 = vector.shape_cast %get3A_519 : vector<1x16xf32> to vector<16xf32>
        %add3A_521 = arith.addf %add3A_505, %get3A_520 : vector<16xf32>
        %scan3A_522 = arith.constant 5 : i32
        %scan3A_523 = arith.addi %scan3A_442, %scan3A_522 : i32
        %add3A_524 = arith.constant 1000 : i32
        %add3A_525 = arith.addi %add3A_524, %scan3A_523 : i32
        %get3A_526 = arith.index_cast %add3A_525 : i32 to index
        %get3A_527 = arith.constant 0 : index
        %get3A_528 = tpu.vector_load %arg7[%get3A_526, %get3A_527] {strides = array<i32>} : memref<1600x32xf32, #tpu.memory_space<vmem>>, vector<1x16xf32>,
        %get3A_529 = vector.shape_cast %get3A_528 : vector<1x16xf32> to vector<16xf32>
        %add3A_530 = arith.addf %add3A_514, %get3A_529 : vector<16xf32>
        %add3A_531 = arith.constant 1000 : i32
        %add3A_532 = arith.addi %add3A_531, %scan3A_523 : i32
        %get3A_533 = arith.index_cast %add3A_532 : i32 to index
        %get3A_534 = arith.constant 16 : index
        %get3A_535 = tpu.vector_load %arg7[%get3A_533, %get3A_534] {strides = array<i32>} : memref<1600x32xf32, #tpu.memory_space<vmem>>, vector<1x16xf32>,
        %get3A_536 = vector.shape_cast %get3A_535 : vector<1x16xf32> to vector<16xf32>
        %add3A_537 = arith.addf %add3A_521, %get3A_536 : vector<16xf32>
        %scan3A_538 = arith.constant 6 : i32
        %scan3A_539 = arith.addi %scan3A_442, %scan3A_538 : i32
        %add3A_540 = arith.constant 1000 : i32
        %add3A_541 = arith.addi %add3A_540, %scan3A_539 : i32
        %get3A_542 = arith.index_cast %add3A_541 : i32 to index
        %get3A_543 = arith.constant 0 : index
        %get3A_544 = tpu.vector_load %arg7[%get3A_542, %get3A_543] {strides = array<i32>} : memref<1600x32xf32, #tpu.memory_space<vmem>>, vector<1x16xf32>,
        %get3A_545 = vector.shape_cast %get3A_544 : vector<1x16xf32> to vector<16xf32>
        %add3A_546 = arith.addf %add3A_530, %get3A_545 : vector<16xf32>
        %add3A_547 = arith.constant 1000 : i32
        %add3A_548 = arith.addi %add3A_547, %scan3A_539 : i32
        %get3A_549 = arith.index_cast %add3A_548 : i32 to index
        %get3A_550 = arith.constant 16 : index
        %get3A_551 = tpu.vector_load %arg7[%get3A_549, %get3A_550] {strides = array<i32>} : memref<1600x32xf32, #tpu.memory_space<vmem>>, vector<1x16xf32>,
        %get3A_552 = vector.shape_cast %get3A_551 : vector<1x16xf32> to vector<16xf32>
        %add3A_553 = arith.addf %add3A_537, %get3A_552 : vector<16xf32>
        %scan3A_554 = arith.constant 7 : i32
        %scan3A_555 = arith.addi %scan3A_442, %scan3A_554 : i32
        %add3A_556 = arith.constant 1000 : i32
        %add3A_557 = arith.addi %add3A_556, %scan3A_555 : i32
        %get3A_558 = arith.index_cast %add3A_557 : i32 to index
        %get3A_559 = arith.constant 0 : index
        %get3A_560 = tpu.vector_load %arg7[%get3A_558, %get3A_559] {strides = array<i32>} : memref<1600x32xf32, #tpu.memory_space<vmem>>, vector<1x16xf32>,
        %get3A_561 = vector.shape_cast %get3A_560 : vector<1x16xf32> to vector<16xf32>
        %add3A_562 = arith.addf %add3A_546, %get3A_561 : vector<16xf32>
        %add3A_563 = arith.constant 1000 : i32
        %add3A_564 = arith.addi %add3A_563, %scan3A_555 : i32
        %get3A_565 = arith.index_cast %add3A_564 : i32 to index
        %get3A_566 = arith.constant 16 : index
        %get3A_567 = tpu.vector_load %arg7[%get3A_565, %get3A_566] {strides = array<i32>} : memref<1600x32xf32, #tpu.memory_space<vmem>>, vector<1x16xf32>,
        %get3A_568 = vector.shape_cast %get3A_567 : vector<1x16xf32> to vector<16xf32>
        %add3A_569 = arith.addf %add3A_553, %get3A_568 : vector<16xf32>
        scf.yield %add3A_562, %add3A_569 : vector<16xf32>, vector<16xf32>
      }
      %scan3A_164 = arith.constant 200 : i32
      %mul3A_165 = arith.constant 8 : i32
      %mul3A_166 = arith.muli %add3A_26, %mul3A_165 : i32
      %add3A_167 = arith.constant 5 : i32
      %add3A_168 = arith.addi %mul3A_166, %add3A_167 : i32
      %mul3A_169 = vector.broadcast %scan3A_16 : f32 to vector<16xf32>
      %mul3A_170 = arith.mulf %scan3A_163#0, %mul3A_169 : vector<16xf32>
      %swap3A_171 = arith.index_cast %add3A_168 : i32 to index
      %swap3A_172 = arith.constant 0 : index
      %swap3A_173 = tpu.vector_load %arg9[%swap3A_171, %swap3A_172] {strides = array<i32>} : memref<512x32xf32, #tpu.memory_space<vmem>>, vector<1x16xf32>,
      %swap3A_174 = vector.shape_cast %swap3A_173 : vector<1x16xf32> to vector<16xf32>
      %swap3A_175 = vector.shape_cast %mul3A_170 : vector<16xf32> to vector<1x16xf32>
      tpu.vector_store %arg9[%swap3A_171, %swap3A_172], %swap3A_175 {strides = array<i32>} : memref<512x32xf32, #tpu.memory_space<vmem>>, vector<1x16xf32>,
      %mul3A_176 = vector.broadcast %scan3A_16 : f32 to vector<16xf32>
      %mul3A_177 = arith.mulf %scan3A_163#1, %mul3A_176 : vector<16xf32>
      %swap3A_178 = arith.index_cast %add3A_168 : i32 to index
      %swap3A_179 = arith.constant 16 : index
      %swap3A_180 = tpu.vector_load %arg9[%swap3A_178, %swap3A_179] {strides = array<i32>} : memref<512x32xf32, #tpu.memory_space<vmem>>, vector<1x16xf32>,
      %swap3A_181 = vector.shape_cast %swap3A_180 : vector<1x16xf32> to vector<16xf32>
      %swap3A_182 = vector.shape_cast %mul3A_177 : vector<16xf32> to vector<1x16xf32>
      tpu.vector_store %arg9[%swap3A_178, %swap3A_179], %swap3A_182 {strides = array<i32>} : memref<512x32xf32, #tpu.memory_space<vmem>>, vector<1x16xf32>,
      %scan3A_183 = arith.constant 0 : i32
      %scan3A_184 = arith.constant 200 : i32
      %scan3A_185 = arith.addi %scan3A_183, %scan3A_184 : i32
      %scan3A_186 = arith.constant 8 : i32
      %scan3A_187:2 = scf.for %scan3A_442 = %scan3A_183 to %scan3A_185 step %scan3A_186 iter_args(%scan3A_443 = %broadcast_in_dim3A_3, %scan3A_444 = %broadcast_in_dim3A_3) -> (vector<16xf32>, vector<16xf32>)  : i32 {
        %add3A_445 = arith.constant 1200 : i32
        %add3A_446 = arith.addi %add3A_445, %scan3A_442 : i32
        %get3A = arith.index_cast %add3A_446 : i32 to index
        %get3A_447 = arith.constant 0 : index
        %get3A_448 = tpu.vector_load %arg7[%get3A, %get3A_447] {strides = array<i32>} : memref<1600x32xf32, #tpu.memory_space<vmem>>, vector<1x16xf32>,
        %get3A_449 = vector.shape_cast %get3A_448 : vector<1x16xf32> to vector<16xf32>
        %add3A_450 = arith.addf %scan3A_443, %get3A_449 : vector<16xf32>
        %add3A_451 = arith.constant 1200 : i32
        %add3A_452 = arith.addi %add3A_451, %scan3A_442 : i32
        %get3A_453 = arith.index_cast %add3A_452 : i32 to index
        %get3A_454 = arith.constant 16 : index
        %get3A_455 = tpu.vector_load %arg7[%get3A_453, %get3A_454] {strides = array<i32>} : memref<1600x32xf32, #tpu.memory_space<vmem>>, vector<1x16xf32>,
        %get3A_456 = vector.shape_cast %get3A_455 : vector<1x16xf32> to vector<16xf32>
        %add3A_457 = arith.addf %scan3A_444, %get3A_456 : vector<16xf32>
        %scan3A_458 = arith.constant 1 : i32
        %scan3A_459 = arith.addi %scan3A_442, %scan3A_458 : i32
        %add3A_460 = arith.constant 1200 : i32
        %add3A_461 = arith.addi %add3A_460, %scan3A_459 : i32
        %get3A_462 = arith.index_cast %add3A_461 : i32 to index
        %get3A_463 = arith.constant 0 : index
        %get3A_464 = tpu.vector_load %arg7[%get3A_462, %get3A_463] {strides = array<i32>} : memref<1600x32xf32, #tpu.memory_space<vmem>>, vector<1x16xf32>,
        %get3A_465 = vector.shape_cast %get3A_464 : vector<1x16xf32> to vector<16xf32>
        %add3A_466 = arith.addf %add3A_450, %get3A_465 : vector<16xf32>
        %add3A_467 = arith.constant 1200 : i32
        %add3A_468 = arith.addi %add3A_467, %scan3A_459 : i32
        %get3A_469 = arith.index_cast %add3A_468 : i32 to index
        %get3A_470 = arith.constant 16 : index
        %get3A_471 = tpu.vector_load %arg7[%get3A_469, %get3A_470] {strides = array<i32>} : memref<1600x32xf32, #tpu.memory_space<vmem>>, vector<1x16xf32>,
        %get3A_472 = vector.shape_cast %get3A_471 : vector<1x16xf32> to vector<16xf32>
        %add3A_473 = arith.addf %add3A_457, %get3A_472 : vector<16xf32>
        %scan3A_474 = arith.constant 2 : i32
        %scan3A_475 = arith.addi %scan3A_442, %scan3A_474 : i32
        %add3A_476 = arith.constant 1200 : i32
        %add3A_477 = arith.addi %add3A_476, %scan3A_475 : i32
        %get3A_478 = arith.index_cast %add3A_477 : i32 to index
        %get3A_479 = arith.constant 0 : index
        %get3A_480 = tpu.vector_load %arg7[%get3A_478, %get3A_479] {strides = array<i32>} : memref<1600x32xf32, #tpu.memory_space<vmem>>, vector<1x16xf32>,
        %get3A_481 = vector.shape_cast %get3A_480 : vector<1x16xf32> to vector<16xf32>
        %add3A_482 = arith.addf %add3A_466, %get3A_481 : vector<16xf32>
        %add3A_483 = arith.constant 1200 : i32
        %add3A_484 = arith.addi %add3A_483, %scan3A_475 : i32
        %get3A_485 = arith.index_cast %add3A_484 : i32 to index
        %get3A_486 = arith.constant 16 : index
        %get3A_487 = tpu.vector_load %arg7[%get3A_485, %get3A_486] {strides = array<i32>} : memref<1600x32xf32, #tpu.memory_space<vmem>>, vector<1x16xf32>,
        %get3A_488 = vector.shape_cast %get3A_487 : vector<1x16xf32> to vector<16xf32>
        %add3A_489 = arith.addf %add3A_473, %get3A_488 : vector<16xf32>
        %scan3A_490 = arith.constant 3 : i32
        %scan3A_491 = arith.addi %scan3A_442, %scan3A_490 : i32
        %add3A_492 = arith.constant 1200 : i32
        %add3A_493 = arith.addi %add3A_492, %scan3A_491 : i32
        %get3A_494 = arith.index_cast %add3A_493 : i32 to index
        %get3A_495 = arith.constant 0 : index
        %get3A_496 = tpu.vector_load %arg7[%get3A_494, %get3A_495] {strides = array<i32>} : memref<1600x32xf32, #tpu.memory_space<vmem>>, vector<1x16xf32>,
        %get3A_497 = vector.shape_cast %get3A_496 : vector<1x16xf32> to vector<16xf32>
        %add3A_498 = arith.addf %add3A_482, %get3A_497 : vector<16xf32>
        %add3A_499 = arith.constant 1200 : i32
        %add3A_500 = arith.addi %add3A_499, %scan3A_491 : i32
        %get3A_501 = arith.index_cast %add3A_500 : i32 to index
        %get3A_502 = arith.constant 16 : index
        %get3A_503 = tpu.vector_load %arg7[%get3A_501, %get3A_502] {strides = array<i32>} : memref<1600x32xf32, #tpu.memory_space<vmem>>, vector<1x16xf32>,
        %get3A_504 = vector.shape_cast %get3A_503 : vector<1x16xf32> to vector<16xf32>
        %add3A_505 = arith.addf %add3A_489, %get3A_504 : vector<16xf32>
        %scan3A_506 = arith.constant 4 : i32
        %scan3A_507 = arith.addi %scan3A_442, %scan3A_506 : i32
        %add3A_508 = arith.constant 1200 : i32
        %add3A_509 = arith.addi %add3A_508, %scan3A_507 : i32
        %get3A_510 = arith.index_cast %add3A_509 : i32 to index
        %get3A_511 = arith.constant 0 : index
        %get3A_512 = tpu.vector_load %arg7[%get3A_510, %get3A_511] {strides = array<i32>} : memref<1600x32xf32, #tpu.memory_space<vmem>>, vector<1x16xf32>,
        %get3A_513 = vector.shape_cast %get3A_512 : vector<1x16xf32> to vector<16xf32>
        %add3A_514 = arith.addf %add3A_498, %get3A_513 : vector<16xf32>
        %add3A_515 = arith.constant 1200 : i32
        %add3A_516 = arith.addi %add3A_515, %scan3A_507 : i32
        %get3A_517 = arith.index_cast %add3A_516 : i32 to index
        %get3A_518 = arith.constant 16 : index
        %get3A_519 = tpu.vector_load %arg7[%get3A_517, %get3A_518] {strides = array<i32>} : memref<1600x32xf32, #tpu.memory_space<vmem>>, vector<1x16xf32>,
        %get3A_520 = vector.shape_cast %get3A_519 : vector<1x16xf32> to vector<16xf32>
        %add3A_521 = arith.addf %add3A_505, %get3A_520 : vector<16xf32>
        %scan3A_522 = arith.constant 5 : i32
        %scan3A_523 = arith.addi %scan3A_442, %scan3A_522 : i32
        %add3A_524 = arith.constant 1200 : i32
        %add3A_525 = arith.addi %add3A_524, %scan3A_523 : i32
        %get3A_526 = arith.index_cast %add3A_525 : i32 to index
        %get3A_527 = arith.constant 0 : index
        %get3A_528 = tpu.vector_load %arg7[%get3A_526, %get3A_527] {strides = array<i32>} : memref<1600x32xf32, #tpu.memory_space<vmem>>, vector<1x16xf32>,
        %get3A_529 = vector.shape_cast %get3A_528 : vector<1x16xf32> to vector<16xf32>
        %add3A_530 = arith.addf %add3A_514, %get3A_529 : vector<16xf32>
        %add3A_531 = arith.constant 1200 : i32
        %add3A_532 = arith.addi %add3A_531, %scan3A_523 : i32
        %get3A_533 = arith.index_cast %add3A_532 : i32 to index
        %get3A_534 = arith.constant 16 : index
        %get3A_535 = tpu.vector_load %arg7[%get3A_533, %get3A_534] {strides = array<i32>} : memref<1600x32xf32, #tpu.memory_space<vmem>>, vector<1x16xf32>,
        %get3A_536 = vector.shape_cast %get3A_535 : vector<1x16xf32> to vector<16xf32>
        %add3A_537 = arith.addf %add3A_521, %get3A_536 : vector<16xf32>
        %scan3A_538 = arith.constant 6 : i32
        %scan3A_539 = arith.addi %scan3A_442, %scan3A_538 : i32
        %add3A_540 = arith.constant 1200 : i32
        %add3A_541 = arith.addi %add3A_540, %scan3A_539 : i32
        %get3A_542 = arith.index_cast %add3A_541 : i32 to index
        %get3A_543 = arith.constant 0 : index
        %get3A_544 = tpu.vector_load %arg7[%get3A_542, %get3A_543] {strides = array<i32>} : memref<1600x32xf32, #tpu.memory_space<vmem>>, vector<1x16xf32>,
        %get3A_545 = vector.shape_cast %get3A_544 : vector<1x16xf32> to vector<16xf32>
        %add3A_546 = arith.addf %add3A_530, %get3A_545 : vector<16xf32>
        %add3A_547 = arith.constant 1200 : i32
        %add3A_548 = arith.addi %add3A_547, %scan3A_539 : i32
        %get3A_549 = arith.index_cast %add3A_548 : i32 to index
        %get3A_550 = arith.constant 16 : index
        %get3A_551 = tpu.vector_load %arg7[%get3A_549, %get3A_550] {strides = array<i32>} : memref<1600x32xf32, #tpu.memory_space<vmem>>, vector<1x16xf32>,
        %get3A_552 = vector.shape_cast %get3A_551 : vector<1x16xf32> to vector<16xf32>
        %add3A_553 = arith.addf %add3A_537, %get3A_552 : vector<16xf32>
        %scan3A_554 = arith.constant 7 : i32
        %scan3A_555 = arith.addi %scan3A_442, %scan3A_554 : i32
        %add3A_556 = arith.constant 1200 : i32
        %add3A_557 = arith.addi %add3A_556, %scan3A_555 : i32
        %get3A_558 = arith.index_cast %add3A_557 : i32 to index
        %get3A_559 = arith.constant 0 : index
        %get3A_560 = tpu.vector_load %arg7[%get3A_558, %get3A_559] {strides = array<i32>} : memref<1600x32xf32, #tpu.memory_space<vmem>>, vector<1x16xf32>,
        %get3A_561 = vector.shape_cast %get3A_560 : vector<1x16xf32> to vector<16xf32>
        %add3A_562 = arith.addf %add3A_546, %get3A_561 : vector<16xf32>
        %add3A_563 = arith.constant 1200 : i32
        %add3A_564 = arith.addi %add3A_563, %scan3A_555 : i32
        %get3A_565 = arith.index_cast %add3A_564 : i32 to index
        %get3A_566 = arith.constant 16 : index
        %get3A_567 = tpu.vector_load %arg7[%get3A_565, %get3A_566] {strides = array<i32>} : memref<1600x32xf32, #tpu.memory_space<vmem>>, vector<1x16xf32>,
        %get3A_568 = vector.shape_cast %get3A_567 : vector<1x16xf32> to vector<16xf32>
        %add3A_569 = arith.addf %add3A_553, %get3A_568 : vector<16xf32>
        scf.yield %add3A_562, %add3A_569 : vector<16xf32>, vector<16xf32>
      }
      %scan3A_188 = arith.constant 200 : i32
      %mul3A_189 = arith.constant 8 : i32
      %mul3A_190 = arith.muli %add3A_26, %mul3A_189 : i32
      %add3A_191 = arith.constant 6 : i32
      %add3A_192 = arith.addi %mul3A_190, %add3A_191 : i32
      %mul3A_193 = vector.broadcast %scan3A_16 : f32 to vector<16xf32>
      %mul3A_194 = arith.mulf %scan3A_187#0, %mul3A_193 : vector<16xf32>
      %swap3A_195 = arith.index_cast %add3A_192 : i32 to index
      %swap3A_196 = arith.constant 0 : index
      %swap3A_197 = tpu.vector_load %arg9[%swap3A_195, %swap3A_196] {strides = array<i32>} : memref<512x32xf32, #tpu.memory_space<vmem>>, vector<1x16xf32>,
      %swap3A_198 = vector.shape_cast %swap3A_197 : vector<1x16xf32> to vector<16xf32>
      %swap3A_199 = vector.shape_cast %mul3A_194 : vector<16xf32> to vector<1x16xf32>
      tpu.vector_store %arg9[%swap3A_195, %swap3A_196], %swap3A_199 {strides = array<i32>} : memref<512x32xf32, #tpu.memory_space<vmem>>, vector<1x16xf32>,
      %mul3A_200 = vector.broadcast %scan3A_16 : f32 to vector<16xf32>
      %mul3A_201 = arith.mulf %scan3A_187#1, %mul3A_200 : vector<16xf32>
      %swap3A_202 = arith.index_cast %add3A_192 : i32 to index
      %swap3A_203 = arith.constant 16 : index
      %swap3A_204 = tpu.vector_load %arg9[%swap3A_202, %swap3A_203] {strides = array<i32>} : memref<512x32xf32, #tpu.memory_space<vmem>>, vector<1x16xf32>,
      %swap3A_205 = vector.shape_cast %swap3A_204 : vector<1x16xf32> to vector<16xf32>
      %swap3A_206 = vector.shape_cast %mul3A_201 : vector<16xf32> to vector<1x16xf32>
      tpu.vector_store %arg9[%swap3A_202, %swap3A_203], %swap3A_206 {strides = array<i32>} : memref<512x32xf32, #tpu.memory_space<vmem>>, vector<1x16xf32>,
      %scan3A_207 = arith.constant 0 : i32
      %scan3A_208 = arith.constant 200 : i32
      %scan3A_209 = arith.addi %scan3A_207, %scan3A_208 : i32
      %scan3A_210 = arith.constant 8 : i32
      %scan3A_211:2 = scf.for %scan3A_442 = %scan3A_207 to %scan3A_209 step %scan3A_210 iter_args(%scan3A_443 = %broadcast_in_dim3A_3, %scan3A_444 = %broadcast_in_dim3A_3) -> (vector<16xf32>, vector<16xf32>)  : i32 {
        %add3A_445 = arith.constant 1400 : i32
        %add3A_446 = arith.addi %add3A_445, %scan3A_442 : i32
        %get3A = arith.index_cast %add3A_446 : i32 to index
        %get3A_447 = arith.constant 0 : index
        %get3A_448 = tpu.vector_load %arg7[%get3A, %get3A_447] {strides = array<i32>} : memref<1600x32xf32, #tpu.memory_space<vmem>>, vector<1x16xf32>,
        %get3A_449 = vector.shape_cast %get3A_448 : vector<1x16xf32> to vector<16xf32>
        %add3A_450 = arith.addf %scan3A_443, %get3A_449 : vector<16xf32>
        %add3A_451 = arith.constant 1400 : i32
        %add3A_452 = arith.addi %add3A_451, %scan3A_442 : i32
        %get3A_453 = arith.index_cast %add3A_452 : i32 to index
        %get3A_454 = arith.constant 16 : index
        %get3A_455 = tpu.vector_load %arg7[%get3A_453, %get3A_454] {strides = array<i32>} : memref<1600x32xf32, #tpu.memory_space<vmem>>, vector<1x16xf32>,
        %get3A_456 = vector.shape_cast %get3A_455 : vector<1x16xf32> to vector<16xf32>
        %add3A_457 = arith.addf %scan3A_444, %get3A_456 : vector<16xf32>
        %scan3A_458 = arith.constant 1 : i32
        %scan3A_459 = arith.addi %scan3A_442, %scan3A_458 : i32
        %add3A_460 = arith.constant 1400 : i32
        %add3A_461 = arith.addi %add3A_460, %scan3A_459 : i32
        %get3A_462 = arith.index_cast %add3A_461 : i32 to index
        %get3A_463 = arith.constant 0 : index
        %get3A_464 = tpu.vector_load %arg7[%get3A_462, %get3A_463] {strides = array<i32>} : memref<1600x32xf32, #tpu.memory_space<vmem>>, vector<1x16xf32>,
        %get3A_465 = vector.shape_cast %get3A_464 : vector<1x16xf32> to vector<16xf32>
        %add3A_466 = arith.addf %add3A_450, %get3A_465 : vector<16xf32>
        %add3A_467 = arith.constant 1400 : i32
        %add3A_468 = arith.addi %add3A_467, %scan3A_459 : i32
        %get3A_469 = arith.index_cast %add3A_468 : i32 to index
        %get3A_470 = arith.constant 16 : index
        %get3A_471 = tpu.vector_load %arg7[%get3A_469, %get3A_470] {strides = array<i32>} : memref<1600x32xf32, #tpu.memory_space<vmem>>, vector<1x16xf32>,
        %get3A_472 = vector.shape_cast %get3A_471 : vector<1x16xf32> to vector<16xf32>
        %add3A_473 = arith.addf %add3A_457, %get3A_472 : vector<16xf32>
        %scan3A_474 = arith.constant 2 : i32
        %scan3A_475 = arith.addi %scan3A_442, %scan3A_474 : i32
        %add3A_476 = arith.constant 1400 : i32
        %add3A_477 = arith.addi %add3A_476, %scan3A_475 : i32
        %get3A_478 = arith.index_cast %add3A_477 : i32 to index
        %get3A_479 = arith.constant 0 : index
        %get3A_480 = tpu.vector_load %arg7[%get3A_478, %get3A_479] {strides = array<i32>} : memref<1600x32xf32, #tpu.memory_space<vmem>>, vector<1x16xf32>,
        %get3A_481 = vector.shape_cast %get3A_480 : vector<1x16xf32> to vector<16xf32>
        %add3A_482 = arith.addf %add3A_466, %get3A_481 : vector<16xf32>
        %add3A_483 = arith.constant 1400 : i32
        %add3A_484 = arith.addi %add3A_483, %scan3A_475 : i32
        %get3A_485 = arith.index_cast %add3A_484 : i32 to index
        %get3A_486 = arith.constant 16 : index
        %get3A_487 = tpu.vector_load %arg7[%get3A_485, %get3A_486] {strides = array<i32>} : memref<1600x32xf32, #tpu.memory_space<vmem>>, vector<1x16xf32>,
        %get3A_488 = vector.shape_cast %get3A_487 : vector<1x16xf32> to vector<16xf32>
        %add3A_489 = arith.addf %add3A_473, %get3A_488 : vector<16xf32>
        %scan3A_490 = arith.constant 3 : i32
        %scan3A_491 = arith.addi %scan3A_442, %scan3A_490 : i32
        %add3A_492 = arith.constant 1400 : i32
        %add3A_493 = arith.addi %add3A_492, %scan3A_491 : i32
        %get3A_494 = arith.index_cast %add3A_493 : i32 to index
        %get3A_495 = arith.constant 0 : index
        %get3A_496 = tpu.vector_load %arg7[%get3A_494, %get3A_495] {strides = array<i32>} : memref<1600x32xf32, #tpu.memory_space<vmem>>, vector<1x16xf32>,
        %get3A_497 = vector.shape_cast %get3A_496 : vector<1x16xf32> to vector<16xf32>
        %add3A_498 = arith.addf %add3A_482, %get3A_497 : vector<16xf32>
        %add3A_499 = arith.constant 1400 : i32
        %add3A_500 = arith.addi %add3A_499, %scan3A_491 : i32
        %get3A_501 = arith.index_cast %add3A_500 : i32 to index
        %get3A_502 = arith.constant 16 : index
        %get3A_503 = tpu.vector_load %arg7[%get3A_501, %get3A_502] {strides = array<i32>} : memref<1600x32xf32, #tpu.memory_space<vmem>>, vector<1x16xf32>,
        %get3A_504 = vector.shape_cast %get3A_503 : vector<1x16xf32> to vector<16xf32>
        %add3A_505 = arith.addf %add3A_489, %get3A_504 : vector<16xf32>
        %scan3A_506 = arith.constant 4 : i32
        %scan3A_507 = arith.addi %scan3A_442, %scan3A_506 : i32
        %add3A_508 = arith.constant 1400 : i32
        %add3A_509 = arith.addi %add3A_508, %scan3A_507 : i32
        %get3A_510 = arith.index_cast %add3A_509 : i32 to index
        %get3A_511 = arith.constant 0 : index
        %get3A_512 = tpu.vector_load %arg7[%get3A_510, %get3A_511] {strides = array<i32>} : memref<1600x32xf32, #tpu.memory_space<vmem>>, vector<1x16xf32>,
        %get3A_513 = vector.shape_cast %get3A_512 : vector<1x16xf32> to vector<16xf32>
        %add3A_514 = arith.addf %add3A_498, %get3A_513 : vector<16xf32>
        %add3A_515 = arith.constant 1400 : i32
        %add3A_516 = arith.addi %add3A_515, %scan3A_507 : i32
        %get3A_517 = arith.index_cast %add3A_516 : i32 to index
        %get3A_518 = arith.constant 16 : index
        %get3A_519 = tpu.vector_load %arg7[%get3A_517, %get3A_518] {strides = array<i32>} : memref<1600x32xf32, #tpu.memory_space<vmem>>, vector<1x16xf32>,
        %get3A_520 = vector.shape_cast %get3A_519 : vector<1x16xf32> to vector<16xf32>
        %add3A_521 = arith.addf %add3A_505, %get3A_520 : vector<16xf32>
        %scan3A_522 = arith.constant 5 : i32
        %scan3A_523 = arith.addi %scan3A_442, %scan3A_522 : i32
        %add3A_524 = arith.constant 1400 : i32
        %add3A_525 = arith.addi %add3A_524, %scan3A_523 : i32
        %get3A_526 = arith.index_cast %add3A_525 : i32 to index
        %get3A_527 = arith.constant 0 : index
        %get3A_528 = tpu.vector_load %arg7[%get3A_526, %get3A_527] {strides = array<i32>} : memref<1600x32xf32, #tpu.memory_space<vmem>>, vector<1x16xf32>,
        %get3A_529 = vector.shape_cast %get3A_528 : vector<1x16xf32> to vector<16xf32>
        %add3A_530 = arith.addf %add3A_514, %get3A_529 : vector<16xf32>
        %add3A_531 = arith.constant 1400 : i32
        %add3A_532 = arith.addi %add3A_531, %scan3A_523 : i32
        %get3A_533 = arith.index_cast %add3A_532 : i32 to index
        %get3A_534 = arith.constant 16 : index
        %get3A_535 = tpu.vector_load %arg7[%get3A_533, %get3A_534] {strides = array<i32>} : memref<1600x32xf32, #tpu.memory_space<vmem>>, vector<1x16xf32>,
        %get3A_536 = vector.shape_cast %get3A_535 : vector<1x16xf32> to vector<16xf32>
        %add3A_537 = arith.addf %add3A_521, %get3A_536 : vector<16xf32>
        %scan3A_538 = arith.constant 6 : i32
        %scan3A_539 = arith.addi %scan3A_442, %scan3A_538 : i32
        %add3A_540 = arith.constant 1400 : i32
        %add3A_541 = arith.addi %add3A_540, %scan3A_539 : i32
        %get3A_542 = arith.index_cast %add3A_541 : i32 to index
        %get3A_543 = arith.constant 0 : index
        %get3A_544 = tpu.vector_load %arg7[%get3A_542, %get3A_543] {strides = array<i32>} : memref<1600x32xf32, #tpu.memory_space<vmem>>, vector<1x16xf32>,
        %get3A_545 = vector.shape_cast %get3A_544 : vector<1x16xf32> to vector<16xf32>
        %add3A_546 = arith.addf %add3A_530, %get3A_545 : vector<16xf32>
        %add3A_547 = arith.constant 1400 : i32
        %add3A_548 = arith.addi %add3A_547, %scan3A_539 : i32
        %get3A_549 = arith.index_cast %add3A_548 : i32 to index
        %get3A_550 = arith.constant 16 : index
        %get3A_551 = tpu.vector_load %arg7[%get3A_549, %get3A_550] {strides = array<i32>} : memref<1600x32xf32, #tpu.memory_space<vmem>>, vector<1x16xf32>,
        %get3A_552 = vector.shape_cast %get3A_551 : vector<1x16xf32> to vector<16xf32>
        %add3A_553 = arith.addf %add3A_537, %get3A_552 : vector<16xf32>
        %scan3A_554 = arith.constant 7 : i32
        %scan3A_555 = arith.addi %scan3A_442, %scan3A_554 : i32
        %add3A_556 = arith.constant 1400 : i32
        %add3A_557 = arith.addi %add3A_556, %scan3A_555 : i32
        %get3A_558 = arith.index_cast %add3A_557 : i32 to index
        %get3A_559 = arith.constant 0 : index
        %get3A_560 = tpu.vector_load %arg7[%get3A_558, %get3A_559] {strides = array<i32>} : memref<1600x32xf32, #tpu.memory_space<vmem>>, vector<1x16xf32>,
        %get3A_561 = vector.shape_cast %get3A_560 : vector<1x16xf32> to vector<16xf32>
        %add3A_562 = arith.addf %add3A_546, %get3A_561 : vector<16xf32>
        %add3A_563 = arith.constant 1400 : i32
        %add3A_564 = arith.addi %add3A_563, %scan3A_555 : i32
        %get3A_565 = arith.index_cast %add3A_564 : i32 to index
        %get3A_566 = arith.constant 16 : index
        %get3A_567 = tpu.vector_load %arg7[%get3A_565, %get3A_566] {strides = array<i32>} : memref<1600x32xf32, #tpu.memory_space<vmem>>, vector<1x16xf32>,
        %get3A_568 = vector.shape_cast %get3A_567 : vector<1x16xf32> to vector<16xf32>
        %add3A_569 = arith.addf %add3A_553, %get3A_568 : vector<16xf32>
        scf.yield %add3A_562, %add3A_569 : vector<16xf32>, vector<16xf32>
      }
      %scan3A_212 = arith.constant 200 : i32
      %mul3A_213 = arith.constant 8 : i32
      %mul3A_214 = arith.muli %add3A_26, %mul3A_213 : i32
      %add3A_215 = arith.constant 7 : i32
      %add3A_216 = arith.addi %mul3A_214, %add3A_215 : i32
      %mul3A_217 = vector.broadcast %scan3A_16 : f32 to vector<16xf32>
      %mul3A_218 = arith.mulf %scan3A_211#0, %mul3A_217 : vector<16xf32>
      %swap3A_219 = arith.index_cast %add3A_216 : i32 to index
      %swap3A_220 = arith.constant 0 : index
      %swap3A_221 = tpu.vector_load %arg9[%swap3A_219, %swap3A_220] {strides = array<i32>} : memref<512x32xf32, #tpu.memory_space<vmem>>, vector<1x16xf32>,
      %swap3A_222 = vector.shape_cast %swap3A_221 : vector<1x16xf32> to vector<16xf32>
      %swap3A_223 = vector.shape_cast %mul3A_218 : vector<16xf32> to vector<1x16xf32>
      tpu.vector_store %arg9[%swap3A_219, %swap3A_220], %swap3A_223 {strides = array<i32>} : memref<512x32xf32, #tpu.memory_space<vmem>>, vector<1x16xf32>,
      %mul3A_224 = vector.broadcast %scan3A_16 : f32 to vector<16xf32>
      %mul3A_225 = arith.mulf %scan3A_211#1, %mul3A_224 : vector<16xf32>
      %swap3A_226 = arith.index_cast %add3A_216 : i32 to index
      %swap3A_227 = arith.constant 16 : index
      %swap3A_228 = tpu.vector_load %arg9[%swap3A_226, %swap3A_227] {strides = array<i32>} : memref<512x32xf32, #tpu.memory_space<vmem>>, vector<1x16xf32>,
      %swap3A_229 = vector.shape_cast %swap3A_228 : vector<1x16xf32> to vector<16xf32>
      %swap3A_230 = vector.shape_cast %mul3A_225 : vector<16xf32> to vector<1x16xf32>
      tpu.vector_store %arg9[%swap3A_226, %swap3A_227], %swap3A_230 {strides = array<i32>} : memref<512x32xf32, #tpu.memory_space<vmem>>, vector<1x16xf32>,
      %add3A_231 = arith.constant 1 : i32
      %add3A_232 = arith.addi %mul3A_24, %add3A_231 : i32
      %dma_wait3A_233 = arith.constant 0 : i32
      %dma_wait3A_234 = arith.constant 0 : i32
      %dma_wait3A_235 = tpu.memref_slice %arg3[%dma_wait3A_233, %dma_wait3A_234] : memref<1000000x32xf32, #tpu.memory_space<hbm>> -> memref<1000000x32xf32, #tpu.memory_space<hbm>>
      tpu.wait_indirect_dma semaphore(%arg11 : memref<!tpu.dma_semaphore, #tpu.memory_space<semaphore_mem>>) src(%dma_wait3A_235 : memref<1000000x32xf32, #tpu.memory_space<hbm>>) dst(%arg8 : memref<1600x32xf32, #tpu.memory_space<vmem>>)
      %add3A_236 = arith.constant 1 : i32
      %add3A_237 = arith.addi %add3A_232, %add3A_236 : i32
      %lt3A_238 = arith.constant 64 : i32
      %lt3A_239 = arith.cmpi slt, %add3A_237, %lt3A_238 : i32
      %convert_element_type3A_240 = arith.extui %lt3A_239 : i1 to i32
      %cond3A_241 = arith.constant 0 : i32
      %cond3A_242 = arith.cmpi ne, %convert_element_type3A_240, %cond3A_241 : i32
      scf.if %cond3A_242 {
        %add3A_442 = arith.constant 1 : i32
        %add3A_443 = arith.addi %add3A_232, %add3A_442 : i32
        %mul3A_444 = arith.constant 8 : i32
        %mul3A_445 = arith.muli %add3A_443, %mul3A_444 : i32
        %add3A_446 = arith.addi %mul3A_2, %mul3A_445 : i32
        %mul3A_447 = arith.constant 200 : i32
        %mul3A_448 = arith.muli %add3A_446, %mul3A_447 : i32
        %dma_wait3A_449 = tpu.memref_slice %arg2[%mul3A_448] : memref<3276800xi32, #tpu.memory_space<hbm>> -> memref<1600xi32, #tpu.memory_space<hbm>>
        %dma_wait3A_450 = tpu.memref_slice %arg2[%mul3A_448] : memref<3276800xi32, #tpu.memory_space<hbm>> -> memref<1600xi32, #tpu.memory_space<hbm>>
        tpu.wait_dma2 semaphore(%arg12 : memref<!tpu.dma_semaphore, #tpu.memory_space<semaphore_mem>>) src(%dma_wait3A_450 : memref<1600xi32, #tpu.memory_space<hbm>>) dst(%arg5 : memref<1600xi32, #tpu.memory_space<vmem>>)
        %dma_start3A_451 = arith.constant 0 : i32
        %dma_start3A_452 = arith.constant 0 : i32
        %dma_start3A_453 = tpu.memref_slice %arg3[%dma_start3A_451, %dma_start3A_452] : memref<1000000x32xf32, #tpu.memory_space<hbm>> -> memref<1000000x32xf32, #tpu.memory_space<hbm>>
        tpu.enqueue_indirect_dma source(%dma_start3A_453 : memref<1000000x32xf32, #tpu.memory_space<hbm>>) target(%arg7 : memref<1600x32xf32, #tpu.memory_space<vmem>>) offsets(%arg5 : memref<1600xi32, #tpu.memory_space<vmem>>) semaphore(%arg10 : memref<!tpu.dma_semaphore, #tpu.memory_space<semaphore_mem>>)
      } else {
      }
      %add3A_243 = arith.constant 2 : i32
      %add3A_244 = arith.addi %add3A_232, %add3A_243 : i32
      %lt3A_245 = arith.constant 64 : i32
      %lt3A_246 = arith.cmpi slt, %add3A_244, %lt3A_245 : i32
      %convert_element_type3A_247 = arith.extui %lt3A_246 : i1 to i32
      %cond3A_248 = arith.constant 0 : i32
      %cond3A_249 = arith.cmpi ne, %convert_element_type3A_247, %cond3A_248 : i32
      scf.if %cond3A_249 {
        %add3A_442 = arith.constant 2 : i32
        %add3A_443 = arith.addi %add3A_232, %add3A_442 : i32
        %mul3A_444 = arith.constant 8 : i32
        %mul3A_445 = arith.muli %add3A_443, %mul3A_444 : i32
        %add3A_446 = arith.addi %mul3A_2, %mul3A_445 : i32
        %mul3A_447 = arith.constant 200 : i32
        %mul3A_448 = arith.muli %add3A_446, %mul3A_447 : i32
        %dma_start3A_449 = tpu.memref_slice %arg2[%mul3A_448] : memref<3276800xi32, #tpu.memory_space<hbm>> -> memref<1600xi32, #tpu.memory_space<hbm>>
        %dma_start3A_450 = tpu.memref_slice %arg2[%mul3A_448] : memref<3276800xi32, #tpu.memory_space<hbm>> -> memref<1600xi32, #tpu.memory_space<hbm>>
        tpu.enqueue_dma source(%dma_start3A_450 : memref<1600xi32, #tpu.memory_space<hbm>>) target(%arg6 : memref<1600xi32, #tpu.memory_space<vmem>>) target_semaphore(%arg13 : memref<!tpu.dma_semaphore, #tpu.memory_space<semaphore_mem>>)
      } else {
      }
      %scan3A_250 = arith.constant 0 : i32
      %scan3A_251 = arith.constant 200 : i32
      %scan3A_252 = arith.addi %scan3A_250, %scan3A_251 : i32
      %scan3A_253 = arith.constant 8 : i32
      %scan3A_254:2 = scf.for %scan3A_442 = %scan3A_250 to %scan3A_252 step %scan3A_253 iter_args(%scan3A_443 = %broadcast_in_dim3A_3, %scan3A_444 = %broadcast_in_dim3A_3) -> (vector<16xf32>, vector<16xf32>)  : i32 {
        %add3A_445 = arith.constant 0 : i32
        %add3A_446 = arith.addi %add3A_445, %scan3A_442 : i32
        %get3A = arith.index_cast %add3A_446 : i32 to index
        %get3A_447 = arith.constant 0 : index
        %get3A_448 = tpu.vector_load %arg8[%get3A, %get3A_447] {strides = array<i32>} : memref<1600x32xf32, #tpu.memory_space<vmem>>, vector<1x16xf32>,
        %get3A_449 = vector.shape_cast %get3A_448 : vector<1x16xf32> to vector<16xf32>
        %add3A_450 = arith.addf %scan3A_443, %get3A_449 : vector<16xf32>
        %add3A_451 = arith.constant 0 : i32
        %add3A_452 = arith.addi %add3A_451, %scan3A_442 : i32
        %get3A_453 = arith.index_cast %add3A_452 : i32 to index
        %get3A_454 = arith.constant 16 : index
        %get3A_455 = tpu.vector_load %arg8[%get3A_453, %get3A_454] {strides = array<i32>} : memref<1600x32xf32, #tpu.memory_space<vmem>>, vector<1x16xf32>,
        %get3A_456 = vector.shape_cast %get3A_455 : vector<1x16xf32> to vector<16xf32>
        %add3A_457 = arith.addf %scan3A_444, %get3A_456 : vector<16xf32>
        %scan3A_458 = arith.constant 1 : i32
        %scan3A_459 = arith.addi %scan3A_442, %scan3A_458 : i32
        %add3A_460 = arith.constant 0 : i32
        %add3A_461 = arith.addi %add3A_460, %scan3A_459 : i32
        %get3A_462 = arith.index_cast %add3A_461 : i32 to index
        %get3A_463 = arith.constant 0 : index
        %get3A_464 = tpu.vector_load %arg8[%get3A_462, %get3A_463] {strides = array<i32>} : memref<1600x32xf32, #tpu.memory_space<vmem>>, vector<1x16xf32>,
        %get3A_465 = vector.shape_cast %get3A_464 : vector<1x16xf32> to vector<16xf32>
        %add3A_466 = arith.addf %add3A_450, %get3A_465 : vector<16xf32>
        %add3A_467 = arith.constant 0 : i32
        %add3A_468 = arith.addi %add3A_467, %scan3A_459 : i32
        %get3A_469 = arith.index_cast %add3A_468 : i32 to index
        %get3A_470 = arith.constant 16 : index
        %get3A_471 = tpu.vector_load %arg8[%get3A_469, %get3A_470] {strides = array<i32>} : memref<1600x32xf32, #tpu.memory_space<vmem>>, vector<1x16xf32>,
        %get3A_472 = vector.shape_cast %get3A_471 : vector<1x16xf32> to vector<16xf32>
        %add3A_473 = arith.addf %add3A_457, %get3A_472 : vector<16xf32>
        %scan3A_474 = arith.constant 2 : i32
        %scan3A_475 = arith.addi %scan3A_442, %scan3A_474 : i32
        %add3A_476 = arith.constant 0 : i32
        %add3A_477 = arith.addi %add3A_476, %scan3A_475 : i32
        %get3A_478 = arith.index_cast %add3A_477 : i32 to index
        %get3A_479 = arith.constant 0 : index
        %get3A_480 = tpu.vector_load %arg8[%get3A_478, %get3A_479] {strides = array<i32>} : memref<1600x32xf32, #tpu.memory_space<vmem>>, vector<1x16xf32>,
        %get3A_481 = vector.shape_cast %get3A_480 : vector<1x16xf32> to vector<16xf32>
        %add3A_482 = arith.addf %add3A_466, %get3A_481 : vector<16xf32>
        %add3A_483 = arith.constant 0 : i32
        %add3A_484 = arith.addi %add3A_483, %scan3A_475 : i32
        %get3A_485 = arith.index_cast %add3A_484 : i32 to index
        %get3A_486 = arith.constant 16 : index
        %get3A_487 = tpu.vector_load %arg8[%get3A_485, %get3A_486] {strides = array<i32>} : memref<1600x32xf32, #tpu.memory_space<vmem>>, vector<1x16xf32>,
        %get3A_488 = vector.shape_cast %get3A_487 : vector<1x16xf32> to vector<16xf32>
        %add3A_489 = arith.addf %add3A_473, %get3A_488 : vector<16xf32>
        %scan3A_490 = arith.constant 3 : i32
        %scan3A_491 = arith.addi %scan3A_442, %scan3A_490 : i32
        %add3A_492 = arith.constant 0 : i32
        %add3A_493 = arith.addi %add3A_492, %scan3A_491 : i32
        %get3A_494 = arith.index_cast %add3A_493 : i32 to index
        %get3A_495 = arith.constant 0 : index
        %get3A_496 = tpu.vector_load %arg8[%get3A_494, %get3A_495] {strides = array<i32>} : memref<1600x32xf32, #tpu.memory_space<vmem>>, vector<1x16xf32>,
        %get3A_497 = vector.shape_cast %get3A_496 : vector<1x16xf32> to vector<16xf32>
        %add3A_498 = arith.addf %add3A_482, %get3A_497 : vector<16xf32>
        %add3A_499 = arith.constant 0 : i32
        %add3A_500 = arith.addi %add3A_499, %scan3A_491 : i32
        %get3A_501 = arith.index_cast %add3A_500 : i32 to index
        %get3A_502 = arith.constant 16 : index
        %get3A_503 = tpu.vector_load %arg8[%get3A_501, %get3A_502] {strides = array<i32>} : memref<1600x32xf32, #tpu.memory_space<vmem>>, vector<1x16xf32>,
        %get3A_504 = vector.shape_cast %get3A_503 : vector<1x16xf32> to vector<16xf32>
        %add3A_505 = arith.addf %add3A_489, %get3A_504 : vector<16xf32>
        %scan3A_506 = arith.constant 4 : i32
        %scan3A_507 = arith.addi %scan3A_442, %scan3A_506 : i32
        %add3A_508 = arith.constant 0 : i32
        %add3A_509 = arith.addi %add3A_508, %scan3A_507 : i32
        %get3A_510 = arith.index_cast %add3A_509 : i32 to index
        %get3A_511 = arith.constant 0 : index
        %get3A_512 = tpu.vector_load %arg8[%get3A_510, %get3A_511] {strides = array<i32>} : memref<1600x32xf32, #tpu.memory_space<vmem>>, vector<1x16xf32>,
        %get3A_513 = vector.shape_cast %get3A_512 : vector<1x16xf32> to vector<16xf32>
        %add3A_514 = arith.addf %add3A_498, %get3A_513 : vector<16xf32>
        %add3A_515 = arith.constant 0 : i32
        %add3A_516 = arith.addi %add3A_515, %scan3A_507 : i32
        %get3A_517 = arith.index_cast %add3A_516 : i32 to index
        %get3A_518 = arith.constant 16 : index
        %get3A_519 = tpu.vector_load %arg8[%get3A_517, %get3A_518] {strides = array<i32>} : memref<1600x32xf32, #tpu.memory_space<vmem>>, vector<1x16xf32>,
        %get3A_520 = vector.shape_cast %get3A_519 : vector<1x16xf32> to vector<16xf32>
        %add3A_521 = arith.addf %add3A_505, %get3A_520 : vector<16xf32>
        %scan3A_522 = arith.constant 5 : i32
        %scan3A_523 = arith.addi %scan3A_442, %scan3A_522 : i32
        %add3A_524 = arith.constant 0 : i32
        %add3A_525 = arith.addi %add3A_524, %scan3A_523 : i32
        %get3A_526 = arith.index_cast %add3A_525 : i32 to index
        %get3A_527 = arith.constant 0 : index
        %get3A_528 = tpu.vector_load %arg8[%get3A_526, %get3A_527] {strides = array<i32>} : memref<1600x32xf32, #tpu.memory_space<vmem>>, vector<1x16xf32>,
        %get3A_529 = vector.shape_cast %get3A_528 : vector<1x16xf32> to vector<16xf32>
        %add3A_530 = arith.addf %add3A_514, %get3A_529 : vector<16xf32>
        %add3A_531 = arith.constant 0 : i32
        %add3A_532 = arith.addi %add3A_531, %scan3A_523 : i32
        %get3A_533 = arith.index_cast %add3A_532 : i32 to index
        %get3A_534 = arith.constant 16 : index
        %get3A_535 = tpu.vector_load %arg8[%get3A_533, %get3A_534] {strides = array<i32>} : memref<1600x32xf32, #tpu.memory_space<vmem>>, vector<1x16xf32>,
        %get3A_536 = vector.shape_cast %get3A_535 : vector<1x16xf32> to vector<16xf32>
        %add3A_537 = arith.addf %add3A_521, %get3A_536 : vector<16xf32>
        %scan3A_538 = arith.constant 6 : i32
        %scan3A_539 = arith.addi %scan3A_442, %scan3A_538 : i32
        %add3A_540 = arith.constant 0 : i32
        %add3A_541 = arith.addi %add3A_540, %scan3A_539 : i32
        %get3A_542 = arith.index_cast %add3A_541 : i32 to index
        %get3A_543 = arith.constant 0 : index
        %get3A_544 = tpu.vector_load %arg8[%get3A_542, %get3A_543] {strides = array<i32>} : memref<1600x32xf32, #tpu.memory_space<vmem>>, vector<1x16xf32>,
        %get3A_545 = vector.shape_cast %get3A_544 : vector<1x16xf32> to vector<16xf32>
        %add3A_546 = arith.addf %add3A_530, %get3A_545 : vector<16xf32>
        %add3A_547 = arith.constant 0 : i32
        %add3A_548 = arith.addi %add3A_547, %scan3A_539 : i32
        %get3A_549 = arith.index_cast %add3A_548 : i32 to index
        %get3A_550 = arith.constant 16 : index
        %get3A_551 = tpu.vector_load %arg8[%get3A_549, %get3A_550] {strides = array<i32>} : memref<1600x32xf32, #tpu.memory_space<vmem>>, vector<1x16xf32>,
        %get3A_552 = vector.shape_cast %get3A_551 : vector<1x16xf32> to vector<16xf32>
        %add3A_553 = arith.addf %add3A_537, %get3A_552 : vector<16xf32>
        %scan3A_554 = arith.constant 7 : i32
        %scan3A_555 = arith.addi %scan3A_442, %scan3A_554 : i32
        %add3A_556 = arith.constant 0 : i32
        %add3A_557 = arith.addi %add3A_556, %scan3A_555 : i32
        %get3A_558 = arith.index_cast %add3A_557 : i32 to index
        %get3A_559 = arith.constant 0 : index
        %get3A_560 = tpu.vector_load %arg8[%get3A_558, %get3A_559] {strides = array<i32>} : memref<1600x32xf32, #tpu.memory_space<vmem>>, vector<1x16xf32>,
        %get3A_561 = vector.shape_cast %get3A_560 : vector<1x16xf32> to vector<16xf32>
        %add3A_562 = arith.addf %add3A_546, %get3A_561 : vector<16xf32>
        %add3A_563 = arith.constant 0 : i32
        %add3A_564 = arith.addi %add3A_563, %scan3A_555 : i32
        %get3A_565 = arith.index_cast %add3A_564 : i32 to index
        %get3A_566 = arith.constant 16 : index
        %get3A_567 = tpu.vector_load %arg8[%get3A_565, %get3A_566] {strides = array<i32>} : memref<1600x32xf32, #tpu.memory_space<vmem>>, vector<1x16xf32>,
        %get3A_568 = vector.shape_cast %get3A_567 : vector<1x16xf32> to vector<16xf32>
        %add3A_569 = arith.addf %add3A_553, %get3A_568 : vector<16xf32>
        scf.yield %add3A_562, %add3A_569 : vector<16xf32>, vector<16xf32>
      }
      %scan3A_255 = arith.constant 200 : i32
      %mul3A_256 = arith.constant 8 : i32
      %mul3A_257 = arith.muli %add3A_232, %mul3A_256 : i32
      %add3A_258 = arith.constant 0 : i32
      %add3A_259 = arith.addi %mul3A_257, %add3A_258 : i32
      %mul3A_260 = vector.broadcast %scan3A_16 : f32 to vector<16xf32>
      %mul3A_261 = arith.mulf %scan3A_254#0, %mul3A_260 : vector<16xf32>
      %swap3A_262 = arith.index_cast %add3A_259 : i32 to index
      %swap3A_263 = arith.constant 0 : index
      %swap3A_264 = tpu.vector_load %arg9[%swap3A_262, %swap3A_263] {strides = array<i32>} : memref<512x32xf32, #tpu.memory_space<vmem>>, vector<1x16xf32>,
      %swap3A_265 = vector.shape_cast %swap3A_264 : vector<1x16xf32> to vector<16xf32>
      %swap3A_266 = vector.shape_cast %mul3A_261 : vector<16xf32> to vector<1x16xf32>
      tpu.vector_store %arg9[%swap3A_262, %swap3A_263], %swap3A_266 {strides = array<i32>} : memref<512x32xf32, #tpu.memory_space<vmem>>, vector<1x16xf32>,
      %mul3A_267 = vector.broadcast %scan3A_16 : f32 to vector<16xf32>
      %mul3A_268 = arith.mulf %scan3A_254#1, %mul3A_267 : vector<16xf32>
      %swap3A_269 = arith.index_cast %add3A_259 : i32 to index
      %swap3A_270 = arith.constant 16 : index
      %swap3A_271 = tpu.vector_load %arg9[%swap3A_269, %swap3A_270] {strides = array<i32>} : memref<512x32xf32, #tpu.memory_space<vmem>>, vector<1x16xf32>,
      %swap3A_272 = vector.shape_cast %swap3A_271 : vector<1x16xf32> to vector<16xf32>
      %swap3A_273 = vector.shape_cast %mul3A_268 : vector<16xf32> to vector<1x16xf32>
      tpu.vector_store %arg9[%swap3A_269, %swap3A_270], %swap3A_273 {strides = array<i32>} : memref<512x32xf32, #tpu.memory_space<vmem>>, vector<1x16xf32>,
      %scan3A_274 = arith.constant 0 : i32
      %scan3A_275 = arith.constant 200 : i32
      %scan3A_276 = arith.addi %scan3A_274, %scan3A_275 : i32
      %scan3A_277 = arith.constant 8 : i32
      %scan3A_278:2 = scf.for %scan3A_442 = %scan3A_274 to %scan3A_276 step %scan3A_277 iter_args(%scan3A_443 = %broadcast_in_dim3A_3, %scan3A_444 = %broadcast_in_dim3A_3) -> (vector<16xf32>, vector<16xf32>)  : i32 {
        %add3A_445 = arith.constant 200 : i32
        %add3A_446 = arith.addi %add3A_445, %scan3A_442 : i32
        %get3A = arith.index_cast %add3A_446 : i32 to index
        %get3A_447 = arith.constant 0 : index
        %get3A_448 = tpu.vector_load %arg8[%get3A, %get3A_447] {strides = array<i32>} : memref<1600x32xf32, #tpu.memory_space<vmem>>, vector<1x16xf32>,
        %get3A_449 = vector.shape_cast %get3A_448 : vector<1x16xf32> to vector<16xf32>
        %add3A_450 = arith.addf %scan3A_443, %get3A_449 : vector<16xf32>
        %add3A_451 = arith.constant 200 : i32
        %add3A_452 = arith.addi %add3A_451, %scan3A_442 : i32
        %get3A_453 = arith.index_cast %add3A_452 : i32 to index
        %get3A_454 = arith.constant 16 : index
        %get3A_455 = tpu.vector_load %arg8[%get3A_453, %get3A_454] {strides = array<i32>} : memref<1600x32xf32, #tpu.memory_space<vmem>>, vector<1x16xf32>,
        %get3A_456 = vector.shape_cast %get3A_455 : vector<1x16xf32> to vector<16xf32>
        %add3A_457 = arith.addf %scan3A_444, %get3A_456 : vector<16xf32>
        %scan3A_458 = arith.constant 1 : i32
        %scan3A_459 = arith.addi %scan3A_442, %scan3A_458 : i32
        %add3A_460 = arith.constant 200 : i32
        %add3A_461 = arith.addi %add3A_460, %scan3A_459 : i32
        %get3A_462 = arith.index_cast %add3A_461 : i32 to index
        %get3A_463 = arith.constant 0 : index
        %get3A_464 = tpu.vector_load %arg8[%get3A_462, %get3A_463] {strides = array<i32>} : memref<1600x32xf32, #tpu.memory_space<vmem>>, vector<1x16xf32>,
        %get3A_465 = vector.shape_cast %get3A_464 : vector<1x16xf32> to vector<16xf32>
        %add3A_466 = arith.addf %add3A_450, %get3A_465 : vector<16xf32>
        %add3A_467 = arith.constant 200 : i32
        %add3A_468 = arith.addi %add3A_467, %scan3A_459 : i32
        %get3A_469 = arith.index_cast %add3A_468 : i32 to index
        %get3A_470 = arith.constant 16 : index
        %get3A_471 = tpu.vector_load %arg8[%get3A_469, %get3A_470] {strides = array<i32>} : memref<1600x32xf32, #tpu.memory_space<vmem>>, vector<1x16xf32>,
        %get3A_472 = vector.shape_cast %get3A_471 : vector<1x16xf32> to vector<16xf32>
        %add3A_473 = arith.addf %add3A_457, %get3A_472 : vector<16xf32>
        %scan3A_474 = arith.constant 2 : i32
        %scan3A_475 = arith.addi %scan3A_442, %scan3A_474 : i32
        %add3A_476 = arith.constant 200 : i32
        %add3A_477 = arith.addi %add3A_476, %scan3A_475 : i32
        %get3A_478 = arith.index_cast %add3A_477 : i32 to index
        %get3A_479 = arith.constant 0 : index
        %get3A_480 = tpu.vector_load %arg8[%get3A_478, %get3A_479] {strides = array<i32>} : memref<1600x32xf32, #tpu.memory_space<vmem>>, vector<1x16xf32>,
        %get3A_481 = vector.shape_cast %get3A_480 : vector<1x16xf32> to vector<16xf32>
        %add3A_482 = arith.addf %add3A_466, %get3A_481 : vector<16xf32>
        %add3A_483 = arith.constant 200 : i32
        %add3A_484 = arith.addi %add3A_483, %scan3A_475 : i32
        %get3A_485 = arith.index_cast %add3A_484 : i32 to index
        %get3A_486 = arith.constant 16 : index
        %get3A_487 = tpu.vector_load %arg8[%get3A_485, %get3A_486] {strides = array<i32>} : memref<1600x32xf32, #tpu.memory_space<vmem>>, vector<1x16xf32>,
        %get3A_488 = vector.shape_cast %get3A_487 : vector<1x16xf32> to vector<16xf32>
        %add3A_489 = arith.addf %add3A_473, %get3A_488 : vector<16xf32>
        %scan3A_490 = arith.constant 3 : i32
        %scan3A_491 = arith.addi %scan3A_442, %scan3A_490 : i32
        %add3A_492 = arith.constant 200 : i32
        %add3A_493 = arith.addi %add3A_492, %scan3A_491 : i32
        %get3A_494 = arith.index_cast %add3A_493 : i32 to index
        %get3A_495 = arith.constant 0 : index
        %get3A_496 = tpu.vector_load %arg8[%get3A_494, %get3A_495] {strides = array<i32>} : memref<1600x32xf32, #tpu.memory_space<vmem>>, vector<1x16xf32>,
        %get3A_497 = vector.shape_cast %get3A_496 : vector<1x16xf32> to vector<16xf32>
        %add3A_498 = arith.addf %add3A_482, %get3A_497 : vector<16xf32>
        %add3A_499 = arith.constant 200 : i32
        %add3A_500 = arith.addi %add3A_499, %scan3A_491 : i32
        %get3A_501 = arith.index_cast %add3A_500 : i32 to index
        %get3A_502 = arith.constant 16 : index
        %get3A_503 = tpu.vector_load %arg8[%get3A_501, %get3A_502] {strides = array<i32>} : memref<1600x32xf32, #tpu.memory_space<vmem>>, vector<1x16xf32>,
        %get3A_504 = vector.shape_cast %get3A_503 : vector<1x16xf32> to vector<16xf32>
        %add3A_505 = arith.addf %add3A_489, %get3A_504 : vector<16xf32>
        %scan3A_506 = arith.constant 4 : i32
        %scan3A_507 = arith.addi %scan3A_442, %scan3A_506 : i32
        %add3A_508 = arith.constant 200 : i32
        %add3A_509 = arith.addi %add3A_508, %scan3A_507 : i32
        %get3A_510 = arith.index_cast %add3A_509 : i32 to index
        %get3A_511 = arith.constant 0 : index
        %get3A_512 = tpu.vector_load %arg8[%get3A_510, %get3A_511] {strides = array<i32>} : memref<1600x32xf32, #tpu.memory_space<vmem>>, vector<1x16xf32>,
        %get3A_513 = vector.shape_cast %get3A_512 : vector<1x16xf32> to vector<16xf32>
        %add3A_514 = arith.addf %add3A_498, %get3A_513 : vector<16xf32>
        %add3A_515 = arith.constant 200 : i32
        %add3A_516 = arith.addi %add3A_515, %scan3A_507 : i32
        %get3A_517 = arith.index_cast %add3A_516 : i32 to index
        %get3A_518 = arith.constant 16 : index
        %get3A_519 = tpu.vector_load %arg8[%get3A_517, %get3A_518] {strides = array<i32>} : memref<1600x32xf32, #tpu.memory_space<vmem>>, vector<1x16xf32>,
        %get3A_520 = vector.shape_cast %get3A_519 : vector<1x16xf32> to vector<16xf32>
        %add3A_521 = arith.addf %add3A_505, %get3A_520 : vector<16xf32>
        %scan3A_522 = arith.constant 5 : i32
        %scan3A_523 = arith.addi %scan3A_442, %scan3A_522 : i32
        %add3A_524 = arith.constant 200 : i32
        %add3A_525 = arith.addi %add3A_524, %scan3A_523 : i32
        %get3A_526 = arith.index_cast %add3A_525 : i32 to index
        %get3A_527 = arith.constant 0 : index
        %get3A_528 = tpu.vector_load %arg8[%get3A_526, %get3A_527] {strides = array<i32>} : memref<1600x32xf32, #tpu.memory_space<vmem>>, vector<1x16xf32>,
        %get3A_529 = vector.shape_cast %get3A_528 : vector<1x16xf32> to vector<16xf32>
        %add3A_530 = arith.addf %add3A_514, %get3A_529 : vector<16xf32>
        %add3A_531 = arith.constant 200 : i32
        %add3A_532 = arith.addi %add3A_531, %scan3A_523 : i32
        %get3A_533 = arith.index_cast %add3A_532 : i32 to index
        %get3A_534 = arith.constant 16 : index
        %get3A_535 = tpu.vector_load %arg8[%get3A_533, %get3A_534] {strides = array<i32>} : memref<1600x32xf32, #tpu.memory_space<vmem>>, vector<1x16xf32>,
        %get3A_536 = vector.shape_cast %get3A_535 : vector<1x16xf32> to vector<16xf32>
        %add3A_537 = arith.addf %add3A_521, %get3A_536 : vector<16xf32>
        %scan3A_538 = arith.constant 6 : i32
        %scan3A_539 = arith.addi %scan3A_442, %scan3A_538 : i32
        %add3A_540 = arith.constant 200 : i32
        %add3A_541 = arith.addi %add3A_540, %scan3A_539 : i32
        %get3A_542 = arith.index_cast %add3A_541 : i32 to index
        %get3A_543 = arith.constant 0 : index
        %get3A_544 = tpu.vector_load %arg8[%get3A_542, %get3A_543] {strides = array<i32>} : memref<1600x32xf32, #tpu.memory_space<vmem>>, vector<1x16xf32>,
        %get3A_545 = vector.shape_cast %get3A_544 : vector<1x16xf32> to vector<16xf32>
        %add3A_546 = arith.addf %add3A_530, %get3A_545 : vector<16xf32>
        %add3A_547 = arith.constant 200 : i32
        %add3A_548 = arith.addi %add3A_547, %scan3A_539 : i32
        %get3A_549 = arith.index_cast %add3A_548 : i32 to index
        %get3A_550 = arith.constant 16 : index
        %get3A_551 = tpu.vector_load %arg8[%get3A_549, %get3A_550] {strides = array<i32>} : memref<1600x32xf32, #tpu.memory_space<vmem>>, vector<1x16xf32>,
        %get3A_552 = vector.shape_cast %get3A_551 : vector<1x16xf32> to vector<16xf32>
        %add3A_553 = arith.addf %add3A_537, %get3A_552 : vector<16xf32>
        %scan3A_554 = arith.constant 7 : i32
        %scan3A_555 = arith.addi %scan3A_442, %scan3A_554 : i32
        %add3A_556 = arith.constant 200 : i32
        %add3A_557 = arith.addi %add3A_556, %scan3A_555 : i32
        %get3A_558 = arith.index_cast %add3A_557 : i32 to index
        %get3A_559 = arith.constant 0 : index
        %get3A_560 = tpu.vector_load %arg8[%get3A_558, %get3A_559] {strides = array<i32>} : memref<1600x32xf32, #tpu.memory_space<vmem>>, vector<1x16xf32>,
        %get3A_561 = vector.shape_cast %get3A_560 : vector<1x16xf32> to vector<16xf32>
        %add3A_562 = arith.addf %add3A_546, %get3A_561 : vector<16xf32>
        %add3A_563 = arith.constant 200 : i32
        %add3A_564 = arith.addi %add3A_563, %scan3A_555 : i32
        %get3A_565 = arith.index_cast %add3A_564 : i32 to index
        %get3A_566 = arith.constant 16 : index
        %get3A_567 = tpu.vector_load %arg8[%get3A_565, %get3A_566] {strides = array<i32>} : memref<1600x32xf32, #tpu.memory_space<vmem>>, vector<1x16xf32>,
        %get3A_568 = vector.shape_cast %get3A_567 : vector<1x16xf32> to vector<16xf32>
        %add3A_569 = arith.addf %add3A_553, %get3A_568 : vector<16xf32>
        scf.yield %add3A_562, %add3A_569 : vector<16xf32>, vector<16xf32>
      }
      %scan3A_279 = arith.constant 200 : i32
      %mul3A_280 = arith.constant 8 : i32
      %mul3A_281 = arith.muli %add3A_232, %mul3A_280 : i32
      %add3A_282 = arith.constant 1 : i32
      %add3A_283 = arith.addi %mul3A_281, %add3A_282 : i32
      %mul3A_284 = vector.broadcast %scan3A_16 : f32 to vector<16xf32>
      %mul3A_285 = arith.mulf %scan3A_278#0, %mul3A_284 : vector<16xf32>
      %swap3A_286 = arith.index_cast %add3A_283 : i32 to index
      %swap3A_287 = arith.constant 0 : index
      %swap3A_288 = tpu.vector_load %arg9[%swap3A_286, %swap3A_287] {strides = array<i32>} : memref<512x32xf32, #tpu.memory_space<vmem>>, vector<1x16xf32>,
      %swap3A_289 = vector.shape_cast %swap3A_288 : vector<1x16xf32> to vector<16xf32>
      %swap3A_290 = vector.shape_cast %mul3A_285 : vector<16xf32> to vector<1x16xf32>
      tpu.vector_store %arg9[%swap3A_286, %swap3A_287], %swap3A_290 {strides = array<i32>} : memref<512x32xf32, #tpu.memory_space<vmem>>, vector<1x16xf32>,
      %mul3A_291 = vector.broadcast %scan3A_16 : f32 to vector<16xf32>
      %mul3A_292 = arith.mulf %scan3A_278#1, %mul3A_291 : vector<16xf32>
      %swap3A_293 = arith.index_cast %add3A_283 : i32 to index
      %swap3A_294 = arith.constant 16 : index
      %swap3A_295 = tpu.vector_load %arg9[%swap3A_293, %swap3A_294] {strides = array<i32>} : memref<512x32xf32, #tpu.memory_space<vmem>>, vector<1x16xf32>,
      %swap3A_296 = vector.shape_cast %swap3A_295 : vector<1x16xf32> to vector<16xf32>
      %swap3A_297 = vector.shape_cast %mul3A_292 : vector<16xf32> to vector<1x16xf32>
      tpu.vector_store %arg9[%swap3A_293, %swap3A_294], %swap3A_297 {strides = array<i32>} : memref<512x32xf32, #tpu.memory_space<vmem>>, vector<1x16xf32>,
      %scan3A_298 = arith.constant 0 : i32
      %scan3A_299 = arith.constant 200 : i32
      %scan3A_300 = arith.addi %scan3A_298, %scan3A_299 : i32
      %scan3A_301 = arith.constant 8 : i32
      %scan3A_302:2 = scf.for %scan3A_442 = %scan3A_298 to %scan3A_300 step %scan3A_301 iter_args(%scan3A_443 = %broadcast_in_dim3A_3, %scan3A_444 = %broadcast_in_dim3A_3) -> (vector<16xf32>, vector<16xf32>)  : i32 {
        %add3A_445 = arith.constant 400 : i32
        %add3A_446 = arith.addi %add3A_445, %scan3A_442 : i32
        %get3A = arith.index_cast %add3A_446 : i32 to index
        %get3A_447 = arith.constant 0 : index
        %get3A_448 = tpu.vector_load %arg8[%get3A, %get3A_447] {strides = array<i32>} : memref<1600x32xf32, #tpu.memory_space<vmem>>, vector<1x16xf32>,
        %get3A_449 = vector.shape_cast %get3A_448 : vector<1x16xf32> to vector<16xf32>
        %add3A_450 = arith.addf %scan3A_443, %get3A_449 : vector<16xf32>
        %add3A_451 = arith.constant 400 : i32
        %add3A_452 = arith.addi %add3A_451, %scan3A_442 : i32
        %get3A_453 = arith.index_cast %add3A_452 : i32 to index
        %get3A_454 = arith.constant 16 : index
        %get3A_455 = tpu.vector_load %arg8[%get3A_453, %get3A_454] {strides = array<i32>} : memref<1600x32xf32, #tpu.memory_space<vmem>>, vector<1x16xf32>,
        %get3A_456 = vector.shape_cast %get3A_455 : vector<1x16xf32> to vector<16xf32>
        %add3A_457 = arith.addf %scan3A_444, %get3A_456 : vector<16xf32>
        %scan3A_458 = arith.constant 1 : i32
        %scan3A_459 = arith.addi %scan3A_442, %scan3A_458 : i32
        %add3A_460 = arith.constant 400 : i32
        %add3A_461 = arith.addi %add3A_460, %scan3A_459 : i32
        %get3A_462 = arith.index_cast %add3A_461 : i32 to index
        %get3A_463 = arith.constant 0 : index
        %get3A_464 = tpu.vector_load %arg8[%get3A_462, %get3A_463] {strides = array<i32>} : memref<1600x32xf32, #tpu.memory_space<vmem>>, vector<1x16xf32>,
        %get3A_465 = vector.shape_cast %get3A_464 : vector<1x16xf32> to vector<16xf32>
        %add3A_466 = arith.addf %add3A_450, %get3A_465 : vector<16xf32>
        %add3A_467 = arith.constant 400 : i32
        %add3A_468 = arith.addi %add3A_467, %scan3A_459 : i32
        %get3A_469 = arith.index_cast %add3A_468 : i32 to index
        %get3A_470 = arith.constant 16 : index
        %get3A_471 = tpu.vector_load %arg8[%get3A_469, %get3A_470] {strides = array<i32>} : memref<1600x32xf32, #tpu.memory_space<vmem>>, vector<1x16xf32>,
        %get3A_472 = vector.shape_cast %get3A_471 : vector<1x16xf32> to vector<16xf32>
        %add3A_473 = arith.addf %add3A_457, %get3A_472 : vector<16xf32>
        %scan3A_474 = arith.constant 2 : i32
        %scan3A_475 = arith.addi %scan3A_442, %scan3A_474 : i32
        %add3A_476 = arith.constant 400 : i32
        %add3A_477 = arith.addi %add3A_476, %scan3A_475 : i32
        %get3A_478 = arith.index_cast %add3A_477 : i32 to index
        %get3A_479 = arith.constant 0 : index
        %get3A_480 = tpu.vector_load %arg8[%get3A_478, %get3A_479] {strides = array<i32>} : memref<1600x32xf32, #tpu.memory_space<vmem>>, vector<1x16xf32>,
        %get3A_481 = vector.shape_cast %get3A_480 : vector<1x16xf32> to vector<16xf32>
        %add3A_482 = arith.addf %add3A_466, %get3A_481 : vector<16xf32>
        %add3A_483 = arith.constant 400 : i32
        %add3A_484 = arith.addi %add3A_483, %scan3A_475 : i32
        %get3A_485 = arith.index_cast %add3A_484 : i32 to index
        %get3A_486 = arith.constant 16 : index
        %get3A_487 = tpu.vector_load %arg8[%get3A_485, %get3A_486] {strides = array<i32>} : memref<1600x32xf32, #tpu.memory_space<vmem>>, vector<1x16xf32>,
        %get3A_488 = vector.shape_cast %get3A_487 : vector<1x16xf32> to vector<16xf32>
        %add3A_489 = arith.addf %add3A_473, %get3A_488 : vector<16xf32>
        %scan3A_490 = arith.constant 3 : i32
        %scan3A_491 = arith.addi %scan3A_442, %scan3A_490 : i32
        %add3A_492 = arith.constant 400 : i32
        %add3A_493 = arith.addi %add3A_492, %scan3A_491 : i32
        %get3A_494 = arith.index_cast %add3A_493 : i32 to index
        %get3A_495 = arith.constant 0 : index
        %get3A_496 = tpu.vector_load %arg8[%get3A_494, %get3A_495] {strides = array<i32>} : memref<1600x32xf32, #tpu.memory_space<vmem>>, vector<1x16xf32>,
        %get3A_497 = vector.shape_cast %get3A_496 : vector<1x16xf32> to vector<16xf32>
        %add3A_498 = arith.addf %add3A_482, %get3A_497 : vector<16xf32>
        %add3A_499 = arith.constant 400 : i32
        %add3A_500 = arith.addi %add3A_499, %scan3A_491 : i32
        %get3A_501 = arith.index_cast %add3A_500 : i32 to index
        %get3A_502 = arith.constant 16 : index
        %get3A_503 = tpu.vector_load %arg8[%get3A_501, %get3A_502] {strides = array<i32>} : memref<1600x32xf32, #tpu.memory_space<vmem>>, vector<1x16xf32>,
        %get3A_504 = vector.shape_cast %get3A_503 : vector<1x16xf32> to vector<16xf32>
        %add3A_505 = arith.addf %add3A_489, %get3A_504 : vector<16xf32>
        %scan3A_506 = arith.constant 4 : i32
        %scan3A_507 = arith.addi %scan3A_442, %scan3A_506 : i32
        %add3A_508 = arith.constant 400 : i32
        %add3A_509 = arith.addi %add3A_508, %scan3A_507 : i32
        %get3A_510 = arith.index_cast %add3A_509 : i32 to index
        %get3A_511 = arith.constant 0 : index
        %get3A_512 = tpu.vector_load %arg8[%get3A_510, %get3A_511] {strides = array<i32>} : memref<1600x32xf32, #tpu.memory_space<vmem>>, vector<1x16xf32>,
        %get3A_513 = vector.shape_cast %get3A_512 : vector<1x16xf32> to vector<16xf32>
        %add3A_514 = arith.addf %add3A_498, %get3A_513 : vector<16xf32>
        %add3A_515 = arith.constant 400 : i32
        %add3A_516 = arith.addi %add3A_515, %scan3A_507 : i32
        %get3A_517 = arith.index_cast %add3A_516 : i32 to index
        %get3A_518 = arith.constant 16 : index
        %get3A_519 = tpu.vector_load %arg8[%get3A_517, %get3A_518] {strides = array<i32>} : memref<1600x32xf32, #tpu.memory_space<vmem>>, vector<1x16xf32>,
        %get3A_520 = vector.shape_cast %get3A_519 : vector<1x16xf32> to vector<16xf32>
        %add3A_521 = arith.addf %add3A_505, %get3A_520 : vector<16xf32>
        %scan3A_522 = arith.constant 5 : i32
        %scan3A_523 = arith.addi %scan3A_442, %scan3A_522 : i32
        %add3A_524 = arith.constant 400 : i32
        %add3A_525 = arith.addi %add3A_524, %scan3A_523 : i32
        %get3A_526 = arith.index_cast %add3A_525 : i32 to index
        %get3A_527 = arith.constant 0 : index
        %get3A_528 = tpu.vector_load %arg8[%get3A_526, %get3A_527] {strides = array<i32>} : memref<1600x32xf32, #tpu.memory_space<vmem>>, vector<1x16xf32>,
        %get3A_529 = vector.shape_cast %get3A_528 : vector<1x16xf32> to vector<16xf32>
        %add3A_530 = arith.addf %add3A_514, %get3A_529 : vector<16xf32>
        %add3A_531 = arith.constant 400 : i32
        %add3A_532 = arith.addi %add3A_531, %scan3A_523 : i32
        %get3A_533 = arith.index_cast %add3A_532 : i32 to index
        %get3A_534 = arith.constant 16 : index
        %get3A_535 = tpu.vector_load %arg8[%get3A_533, %get3A_534] {strides = array<i32>} : memref<1600x32xf32, #tpu.memory_space<vmem>>, vector<1x16xf32>,
        %get3A_536 = vector.shape_cast %get3A_535 : vector<1x16xf32> to vector<16xf32>
        %add3A_537 = arith.addf %add3A_521, %get3A_536 : vector<16xf32>
        %scan3A_538 = arith.constant 6 : i32
        %scan3A_539 = arith.addi %scan3A_442, %scan3A_538 : i32
        %add3A_540 = arith.constant 400 : i32
        %add3A_541 = arith.addi %add3A_540, %scan3A_539 : i32
        %get3A_542 = arith.index_cast %add3A_541 : i32 to index
        %get3A_543 = arith.constant 0 : index
        %get3A_544 = tpu.vector_load %arg8[%get3A_542, %get3A_543] {strides = array<i32>} : memref<1600x32xf32, #tpu.memory_space<vmem>>, vector<1x16xf32>,
        %get3A_545 = vector.shape_cast %get3A_544 : vector<1x16xf32> to vector<16xf32>
        %add3A_546 = arith.addf %add3A_530, %get3A_545 : vector<16xf32>
        %add3A_547 = arith.constant 400 : i32
        %add3A_548 = arith.addi %add3A_547, %scan3A_539 : i32
        %get3A_549 = arith.index_cast %add3A_548 : i32 to index
        %get3A_550 = arith.constant 16 : index
        %get3A_551 = tpu.vector_load %arg8[%get3A_549, %get3A_550] {strides = array<i32>} : memref<1600x32xf32, #tpu.memory_space<vmem>>, vector<1x16xf32>,
        %get3A_552 = vector.shape_cast %get3A_551 : vector<1x16xf32> to vector<16xf32>
        %add3A_553 = arith.addf %add3A_537, %get3A_552 : vector<16xf32>
        %scan3A_554 = arith.constant 7 : i32
        %scan3A_555 = arith.addi %scan3A_442, %scan3A_554 : i32
        %add3A_556 = arith.constant 400 : i32
        %add3A_557 = arith.addi %add3A_556, %scan3A_555 : i32
        %get3A_558 = arith.index_cast %add3A_557 : i32 to index
        %get3A_559 = arith.constant 0 : index
        %get3A_560 = tpu.vector_load %arg8[%get3A_558, %get3A_559] {strides = array<i32>} : memref<1600x32xf32, #tpu.memory_space<vmem>>, vector<1x16xf32>,
        %get3A_561 = vector.shape_cast %get3A_560 : vector<1x16xf32> to vector<16xf32>
        %add3A_562 = arith.addf %add3A_546, %get3A_561 : vector<16xf32>
        %add3A_563 = arith.constant 400 : i32
        %add3A_564 = arith.addi %add3A_563, %scan3A_555 : i32
        %get3A_565 = arith.index_cast %add3A_564 : i32 to index
        %get3A_566 = arith.constant 16 : index
        %get3A_567 = tpu.vector_load %arg8[%get3A_565, %get3A_566] {strides = array<i32>} : memref<1600x32xf32, #tpu.memory_space<vmem>>, vector<1x16xf32>,
        %get3A_568 = vector.shape_cast %get3A_567 : vector<1x16xf32> to vector<16xf32>
        %add3A_569 = arith.addf %add3A_553, %get3A_568 : vector<16xf32>
        scf.yield %add3A_562, %add3A_569 : vector<16xf32>, vector<16xf32>
      }
      %scan3A_303 = arith.constant 200 : i32
      %mul3A_304 = arith.constant 8 : i32
      %mul3A_305 = arith.muli %add3A_232, %mul3A_304 : i32
      %add3A_306 = arith.constant 2 : i32
      %add3A_307 = arith.addi %mul3A_305, %add3A_306 : i32
      %mul3A_308 = vector.broadcast %scan3A_16 : f32 to vector<16xf32>
      %mul3A_309 = arith.mulf %scan3A_302#0, %mul3A_308 : vector<16xf32>
      %swap3A_310 = arith.index_cast %add3A_307 : i32 to index
      %swap3A_311 = arith.constant 0 : index
      %swap3A_312 = tpu.vector_load %arg9[%swap3A_310, %swap3A_311] {strides = array<i32>} : memref<512x32xf32, #tpu.memory_space<vmem>>, vector<1x16xf32>,
      %swap3A_313 = vector.shape_cast %swap3A_312 : vector<1x16xf32> to vector<16xf32>
      %swap3A_314 = vector.shape_cast %mul3A_309 : vector<16xf32> to vector<1x16xf32>
      tpu.vector_store %arg9[%swap3A_310, %swap3A_311], %swap3A_314 {strides = array<i32>} : memref<512x32xf32, #tpu.memory_space<vmem>>, vector<1x16xf32>,
      %mul3A_315 = vector.broadcast %scan3A_16 : f32 to vector<16xf32>
      %mul3A_316 = arith.mulf %scan3A_302#1, %mul3A_315 : vector<16xf32>
      %swap3A_317 = arith.index_cast %add3A_307 : i32 to index
      %swap3A_318 = arith.constant 16 : index
      %swap3A_319 = tpu.vector_load %arg9[%swap3A_317, %swap3A_318] {strides = array<i32>} : memref<512x32xf32, #tpu.memory_space<vmem>>, vector<1x16xf32>,
      %swap3A_320 = vector.shape_cast %swap3A_319 : vector<1x16xf32> to vector<16xf32>
      %swap3A_321 = vector.shape_cast %mul3A_316 : vector<16xf32> to vector<1x16xf32>
      tpu.vector_store %arg9[%swap3A_317, %swap3A_318], %swap3A_321 {strides = array<i32>} : memref<512x32xf32, #tpu.memory_space<vmem>>, vector<1x16xf32>,
      %scan3A_322 = arith.constant 0 : i32
      %scan3A_323 = arith.constant 200 : i32
      %scan3A_324 = arith.addi %scan3A_322, %scan3A_323 : i32
      %scan3A_325 = arith.constant 8 : i32
      %scan3A_326:2 = scf.for %scan3A_442 = %scan3A_322 to %scan3A_324 step %scan3A_325 iter_args(%scan3A_443 = %broadcast_in_dim3A_3, %scan3A_444 = %broadcast_in_dim3A_3) -> (vector<16xf32>, vector<16xf32>)  : i32 {
        %add3A_445 = arith.constant 600 : i32
        %add3A_446 = arith.addi %add3A_445, %scan3A_442 : i32
        %get3A = arith.index_cast %add3A_446 : i32 to index
        %get3A_447 = arith.constant 0 : index
        %get3A_448 = tpu.vector_load %arg8[%get3A, %get3A_447] {strides = array<i32>} : memref<1600x32xf32, #tpu.memory_space<vmem>>, vector<1x16xf32>,
        %get3A_449 = vector.shape_cast %get3A_448 : vector<1x16xf32> to vector<16xf32>
        %add3A_450 = arith.addf %scan3A_443, %get3A_449 : vector<16xf32>
        %add3A_451 = arith.constant 600 : i32
        %add3A_452 = arith.addi %add3A_451, %scan3A_442 : i32
        %get3A_453 = arith.index_cast %add3A_452 : i32 to index
        %get3A_454 = arith.constant 16 : index
        %get3A_455 = tpu.vector_load %arg8[%get3A_453, %get3A_454] {strides = array<i32>} : memref<1600x32xf32, #tpu.memory_space<vmem>>, vector<1x16xf32>,
        %get3A_456 = vector.shape_cast %get3A_455 : vector<1x16xf32> to vector<16xf32>
        %add3A_457 = arith.addf %scan3A_444, %get3A_456 : vector<16xf32>
        %scan3A_458 = arith.constant 1 : i32
        %scan3A_459 = arith.addi %scan3A_442, %scan3A_458 : i32
        %add3A_460 = arith.constant 600 : i32
        %add3A_461 = arith.addi %add3A_460, %scan3A_459 : i32
        %get3A_462 = arith.index_cast %add3A_461 : i32 to index
        %get3A_463 = arith.constant 0 : index
        %get3A_464 = tpu.vector_load %arg8[%get3A_462, %get3A_463] {strides = array<i32>} : memref<1600x32xf32, #tpu.memory_space<vmem>>, vector<1x16xf32>,
        %get3A_465 = vector.shape_cast %get3A_464 : vector<1x16xf32> to vector<16xf32>
        %add3A_466 = arith.addf %add3A_450, %get3A_465 : vector<16xf32>
        %add3A_467 = arith.constant 600 : i32
        %add3A_468 = arith.addi %add3A_467, %scan3A_459 : i32
        %get3A_469 = arith.index_cast %add3A_468 : i32 to index
        %get3A_470 = arith.constant 16 : index
        %get3A_471 = tpu.vector_load %arg8[%get3A_469, %get3A_470] {strides = array<i32>} : memref<1600x32xf32, #tpu.memory_space<vmem>>, vector<1x16xf32>,
        %get3A_472 = vector.shape_cast %get3A_471 : vector<1x16xf32> to vector<16xf32>
        %add3A_473 = arith.addf %add3A_457, %get3A_472 : vector<16xf32>
        %scan3A_474 = arith.constant 2 : i32
        %scan3A_475 = arith.addi %scan3A_442, %scan3A_474 : i32
        %add3A_476 = arith.constant 600 : i32
        %add3A_477 = arith.addi %add3A_476, %scan3A_475 : i32
        %get3A_478 = arith.index_cast %add3A_477 : i32 to index
        %get3A_479 = arith.constant 0 : index
        %get3A_480 = tpu.vector_load %arg8[%get3A_478, %get3A_479] {strides = array<i32>} : memref<1600x32xf32, #tpu.memory_space<vmem>>, vector<1x16xf32>,
        %get3A_481 = vector.shape_cast %get3A_480 : vector<1x16xf32> to vector<16xf32>
        %add3A_482 = arith.addf %add3A_466, %get3A_481 : vector<16xf32>
        %add3A_483 = arith.constant 600 : i32
        %add3A_484 = arith.addi %add3A_483, %scan3A_475 : i32
        %get3A_485 = arith.index_cast %add3A_484 : i32 to index
        %get3A_486 = arith.constant 16 : index
        %get3A_487 = tpu.vector_load %arg8[%get3A_485, %get3A_486] {strides = array<i32>} : memref<1600x32xf32, #tpu.memory_space<vmem>>, vector<1x16xf32>,
        %get3A_488 = vector.shape_cast %get3A_487 : vector<1x16xf32> to vector<16xf32>
        %add3A_489 = arith.addf %add3A_473, %get3A_488 : vector<16xf32>
        %scan3A_490 = arith.constant 3 : i32
        %scan3A_491 = arith.addi %scan3A_442, %scan3A_490 : i32
        %add3A_492 = arith.constant 600 : i32
        %add3A_493 = arith.addi %add3A_492, %scan3A_491 : i32
        %get3A_494 = arith.index_cast %add3A_493 : i32 to index
        %get3A_495 = arith.constant 0 : index
        %get3A_496 = tpu.vector_load %arg8[%get3A_494, %get3A_495] {strides = array<i32>} : memref<1600x32xf32, #tpu.memory_space<vmem>>, vector<1x16xf32>,
        %get3A_497 = vector.shape_cast %get3A_496 : vector<1x16xf32> to vector<16xf32>
        %add3A_498 = arith.addf %add3A_482, %get3A_497 : vector<16xf32>
        %add3A_499 = arith.constant 600 : i32
        %add3A_500 = arith.addi %add3A_499, %scan3A_491 : i32
        %get3A_501 = arith.index_cast %add3A_500 : i32 to index
        %get3A_502 = arith.constant 16 : index
        %get3A_503 = tpu.vector_load %arg8[%get3A_501, %get3A_502] {strides = array<i32>} : memref<1600x32xf32, #tpu.memory_space<vmem>>, vector<1x16xf32>,
        %get3A_504 = vector.shape_cast %get3A_503 : vector<1x16xf32> to vector<16xf32>
        %add3A_505 = arith.addf %add3A_489, %get3A_504 : vector<16xf32>
        %scan3A_506 = arith.constant 4 : i32
        %scan3A_507 = arith.addi %scan3A_442, %scan3A_506 : i32
        %add3A_508 = arith.constant 600 : i32
        %add3A_509 = arith.addi %add3A_508, %scan3A_507 : i32
        %get3A_510 = arith.index_cast %add3A_509 : i32 to index
        %get3A_511 = arith.constant 0 : index
        %get3A_512 = tpu.vector_load %arg8[%get3A_510, %get3A_511] {strides = array<i32>} : memref<1600x32xf32, #tpu.memory_space<vmem>>, vector<1x16xf32>,
        %get3A_513 = vector.shape_cast %get3A_512 : vector<1x16xf32> to vector<16xf32>
        %add3A_514 = arith.addf %add3A_498, %get3A_513 : vector<16xf32>
        %add3A_515 = arith.constant 600 : i32
        %add3A_516 = arith.addi %add3A_515, %scan3A_507 : i32
        %get3A_517 = arith.index_cast %add3A_516 : i32 to index
        %get3A_518 = arith.constant 16 : index
        %get3A_519 = tpu.vector_load %arg8[%get3A_517, %get3A_518] {strides = array<i32>} : memref<1600x32xf32, #tpu.memory_space<vmem>>, vector<1x16xf32>,
        %get3A_520 = vector.shape_cast %get3A_519 : vector<1x16xf32> to vector<16xf32>
        %add3A_521 = arith.addf %add3A_505, %get3A_520 : vector<16xf32>
        %scan3A_522 = arith.constant 5 : i32
        %scan3A_523 = arith.addi %scan3A_442, %scan3A_522 : i32
        %add3A_524 = arith.constant 600 : i32
        %add3A_525 = arith.addi %add3A_524, %scan3A_523 : i32
        %get3A_526 = arith.index_cast %add3A_525 : i32 to index
        %get3A_527 = arith.constant 0 : index
        %get3A_528 = tpu.vector_load %arg8[%get3A_526, %get3A_527] {strides = array<i32>} : memref<1600x32xf32, #tpu.memory_space<vmem>>, vector<1x16xf32>,
        %get3A_529 = vector.shape_cast %get3A_528 : vector<1x16xf32> to vector<16xf32>
        %add3A_530 = arith.addf %add3A_514, %get3A_529 : vector<16xf32>
        %add3A_531 = arith.constant 600 : i32
        %add3A_532 = arith.addi %add3A_531, %scan3A_523 : i32
        %get3A_533 = arith.index_cast %add3A_532 : i32 to index
        %get3A_534 = arith.constant 16 : index
        %get3A_535 = tpu.vector_load %arg8[%get3A_533, %get3A_534] {strides = array<i32>} : memref<1600x32xf32, #tpu.memory_space<vmem>>, vector<1x16xf32>,
        %get3A_536 = vector.shape_cast %get3A_535 : vector<1x16xf32> to vector<16xf32>
        %add3A_537 = arith.addf %add3A_521, %get3A_536 : vector<16xf32>
        %scan3A_538 = arith.constant 6 : i32
        %scan3A_539 = arith.addi %scan3A_442, %scan3A_538 : i32
        %add3A_540 = arith.constant 600 : i32
        %add3A_541 = arith.addi %add3A_540, %scan3A_539 : i32
        %get3A_542 = arith.index_cast %add3A_541 : i32 to index
        %get3A_543 = arith.constant 0 : index
        %get3A_544 = tpu.vector_load %arg8[%get3A_542, %get3A_543] {strides = array<i32>} : memref<1600x32xf32, #tpu.memory_space<vmem>>, vector<1x16xf32>,
        %get3A_545 = vector.shape_cast %get3A_544 : vector<1x16xf32> to vector<16xf32>
        %add3A_546 = arith.addf %add3A_530, %get3A_545 : vector<16xf32>
        %add3A_547 = arith.constant 600 : i32
        %add3A_548 = arith.addi %add3A_547, %scan3A_539 : i32
        %get3A_549 = arith.index_cast %add3A_548 : i32 to index
        %get3A_550 = arith.constant 16 : index
        %get3A_551 = tpu.vector_load %arg8[%get3A_549, %get3A_550] {strides = array<i32>} : memref<1600x32xf32, #tpu.memory_space<vmem>>, vector<1x16xf32>,
        %get3A_552 = vector.shape_cast %get3A_551 : vector<1x16xf32> to vector<16xf32>
        %add3A_553 = arith.addf %add3A_537, %get3A_552 : vector<16xf32>
        %scan3A_554 = arith.constant 7 : i32
        %scan3A_555 = arith.addi %scan3A_442, %scan3A_554 : i32
        %add3A_556 = arith.constant 600 : i32
        %add3A_557 = arith.addi %add3A_556, %scan3A_555 : i32
        %get3A_558 = arith.index_cast %add3A_557 : i32 to index
        %get3A_559 = arith.constant 0 : index
        %get3A_560 = tpu.vector_load %arg8[%get3A_558, %get3A_559] {strides = array<i32>} : memref<1600x32xf32, #tpu.memory_space<vmem>>, vector<1x16xf32>,
        %get3A_561 = vector.shape_cast %get3A_560 : vector<1x16xf32> to vector<16xf32>
        %add3A_562 = arith.addf %add3A_546, %get3A_561 : vector<16xf32>
        %add3A_563 = arith.constant 600 : i32
        %add3A_564 = arith.addi %add3A_563, %scan3A_555 : i32
        %get3A_565 = arith.index_cast %add3A_564 : i32 to index
        %get3A_566 = arith.constant 16 : index
        %get3A_567 = tpu.vector_load %arg8[%get3A_565, %get3A_566] {strides = array<i32>} : memref<1600x32xf32, #tpu.memory_space<vmem>>, vector<1x16xf32>,
        %get3A_568 = vector.shape_cast %get3A_567 : vector<1x16xf32> to vector<16xf32>
        %add3A_569 = arith.addf %add3A_553, %get3A_568 : vector<16xf32>
        scf.yield %add3A_562, %add3A_569 : vector<16xf32>, vector<16xf32>
      }
      %scan3A_327 = arith.constant 200 : i32
      %mul3A_328 = arith.constant 8 : i32
      %mul3A_329 = arith.muli %add3A_232, %mul3A_328 : i32
      %add3A_330 = arith.constant 3 : i32
      %add3A_331 = arith.addi %mul3A_329, %add3A_330 : i32
      %mul3A_332 = vector.broadcast %scan3A_16 : f32 to vector<16xf32>
      %mul3A_333 = arith.mulf %scan3A_326#0, %mul3A_332 : vector<16xf32>
      %swap3A_334 = arith.index_cast %add3A_331 : i32 to index
      %swap3A_335 = arith.constant 0 : index
      %swap3A_336 = tpu.vector_load %arg9[%swap3A_334, %swap3A_335] {strides = array<i32>} : memref<512x32xf32, #tpu.memory_space<vmem>>, vector<1x16xf32>,
      %swap3A_337 = vector.shape_cast %swap3A_336 : vector<1x16xf32> to vector<16xf32>
      %swap3A_338 = vector.shape_cast %mul3A_333 : vector<16xf32> to vector<1x16xf32>
      tpu.vector_store %arg9[%swap3A_334, %swap3A_335], %swap3A_338 {strides = array<i32>} : memref<512x32xf32, #tpu.memory_space<vmem>>, vector<1x16xf32>,
      %mul3A_339 = vector.broadcast %scan3A_16 : f32 to vector<16xf32>
      %mul3A_340 = arith.mulf %scan3A_326#1, %mul3A_339 : vector<16xf32>
      %swap3A_341 = arith.index_cast %add3A_331 : i32 to index
      %swap3A_342 = arith.constant 16 : index
      %swap3A_343 = tpu.vector_load %arg9[%swap3A_341, %swap3A_342] {strides = array<i32>} : memref<512x32xf32, #tpu.memory_space<vmem>>, vector<1x16xf32>,
      %swap3A_344 = vector.shape_cast %swap3A_343 : vector<1x16xf32> to vector<16xf32>
      %swap3A_345 = vector.shape_cast %mul3A_340 : vector<16xf32> to vector<1x16xf32>
      tpu.vector_store %arg9[%swap3A_341, %swap3A_342], %swap3A_345 {strides = array<i32>} : memref<512x32xf32, #tpu.memory_space<vmem>>, vector<1x16xf32>,
      %scan3A_346 = arith.constant 0 : i32
      %scan3A_347 = arith.constant 200 : i32
      %scan3A_348 = arith.addi %scan3A_346, %scan3A_347 : i32
      %scan3A_349 = arith.constant 8 : i32
      %scan3A_350:2 = scf.for %scan3A_442 = %scan3A_346 to %scan3A_348 step %scan3A_349 iter_args(%scan3A_443 = %broadcast_in_dim3A_3, %scan3A_444 = %broadcast_in_dim3A_3) -> (vector<16xf32>, vector<16xf32>)  : i32 {
        %add3A_445 = arith.constant 800 : i32
        %add3A_446 = arith.addi %add3A_445, %scan3A_442 : i32
        %get3A = arith.index_cast %add3A_446 : i32 to index
        %get3A_447 = arith.constant 0 : index
        %get3A_448 = tpu.vector_load %arg8[%get3A, %get3A_447] {strides = array<i32>} : memref<1600x32xf32, #tpu.memory_space<vmem>>, vector<1x16xf32>,
        %get3A_449 = vector.shape_cast %get3A_448 : vector<1x16xf32> to vector<16xf32>
        %add3A_450 = arith.addf %scan3A_443, %get3A_449 : vector<16xf32>
        %add3A_451 = arith.constant 800 : i32
        %add3A_452 = arith.addi %add3A_451, %scan3A_442 : i32
        %get3A_453 = arith.index_cast %add3A_452 : i32 to index
        %get3A_454 = arith.constant 16 : index
        %get3A_455 = tpu.vector_load %arg8[%get3A_453, %get3A_454] {strides = array<i32>} : memref<1600x32xf32, #tpu.memory_space<vmem>>, vector<1x16xf32>,
        %get3A_456 = vector.shape_cast %get3A_455 : vector<1x16xf32> to vector<16xf32>
        %add3A_457 = arith.addf %scan3A_444, %get3A_456 : vector<16xf32>
        %scan3A_458 = arith.constant 1 : i32
        %scan3A_459 = arith.addi %scan3A_442, %scan3A_458 : i32
        %add3A_460 = arith.constant 800 : i32
        %add3A_461 = arith.addi %add3A_460, %scan3A_459 : i32
        %get3A_462 = arith.index_cast %add3A_461 : i32 to index
        %get3A_463 = arith.constant 0 : index
        %get3A_464 = tpu.vector_load %arg8[%get3A_462, %get3A_463] {strides = array<i32>} : memref<1600x32xf32, #tpu.memory_space<vmem>>, vector<1x16xf32>,
        %get3A_465 = vector.shape_cast %get3A_464 : vector<1x16xf32> to vector<16xf32>
        %add3A_466 = arith.addf %add3A_450, %get3A_465 : vector<16xf32>
        %add3A_467 = arith.constant 800 : i32
        %add3A_468 = arith.addi %add3A_467, %scan3A_459 : i32
        %get3A_469 = arith.index_cast %add3A_468 : i32 to index
        %get3A_470 = arith.constant 16 : index
        %get3A_471 = tpu.vector_load %arg8[%get3A_469, %get3A_470] {strides = array<i32>} : memref<1600x32xf32, #tpu.memory_space<vmem>>, vector<1x16xf32>,
        %get3A_472 = vector.shape_cast %get3A_471 : vector<1x16xf32> to vector<16xf32>
        %add3A_473 = arith.addf %add3A_457, %get3A_472 : vector<16xf32>
        %scan3A_474 = arith.constant 2 : i32
        %scan3A_475 = arith.addi %scan3A_442, %scan3A_474 : i32
        %add3A_476 = arith.constant 800 : i32
        %add3A_477 = arith.addi %add3A_476, %scan3A_475 : i32
        %get3A_478 = arith.index_cast %add3A_477 : i32 to index
        %get3A_479 = arith.constant 0 : index
        %get3A_480 = tpu.vector_load %arg8[%get3A_478, %get3A_479] {strides = array<i32>} : memref<1600x32xf32, #tpu.memory_space<vmem>>, vector<1x16xf32>,
        %get3A_481 = vector.shape_cast %get3A_480 : vector<1x16xf32> to vector<16xf32>
        %add3A_482 = arith.addf %add3A_466, %get3A_481 : vector<16xf32>
        %add3A_483 = arith.constant 800 : i32
        %add3A_484 = arith.addi %add3A_483, %scan3A_475 : i32
        %get3A_485 = arith.index_cast %add3A_484 : i32 to index
        %get3A_486 = arith.constant 16 : index
        %get3A_487 = tpu.vector_load %arg8[%get3A_485, %get3A_486] {strides = array<i32>} : memref<1600x32xf32, #tpu.memory_space<vmem>>, vector<1x16xf32>,
        %get3A_488 = vector.shape_cast %get3A_487 : vector<1x16xf32> to vector<16xf32>
        %add3A_489 = arith.addf %add3A_473, %get3A_488 : vector<16xf32>
        %scan3A_490 = arith.constant 3 : i32
        %scan3A_491 = arith.addi %scan3A_442, %scan3A_490 : i32
        %add3A_492 = arith.constant 800 : i32
        %add3A_493 = arith.addi %add3A_492, %scan3A_491 : i32
        %get3A_494 = arith.index_cast %add3A_493 : i32 to index
        %get3A_495 = arith.constant 0 : index
        %get3A_496 = tpu.vector_load %arg8[%get3A_494, %get3A_495] {strides = array<i32>} : memref<1600x32xf32, #tpu.memory_space<vmem>>, vector<1x16xf32>,
        %get3A_497 = vector.shape_cast %get3A_496 : vector<1x16xf32> to vector<16xf32>
        %add3A_498 = arith.addf %add3A_482, %get3A_497 : vector<16xf32>
        %add3A_499 = arith.constant 800 : i32
        %add3A_500 = arith.addi %add3A_499, %scan3A_491 : i32
        %get3A_501 = arith.index_cast %add3A_500 : i32 to index
        %get3A_502 = arith.constant 16 : index
        %get3A_503 = tpu.vector_load %arg8[%get3A_501, %get3A_502] {strides = array<i32>} : memref<1600x32xf32, #tpu.memory_space<vmem>>, vector<1x16xf32>,
        %get3A_504 = vector.shape_cast %get3A_503 : vector<1x16xf32> to vector<16xf32>
        %add3A_505 = arith.addf %add3A_489, %get3A_504 : vector<16xf32>
        %scan3A_506 = arith.constant 4 : i32
        %scan3A_507 = arith.addi %scan3A_442, %scan3A_506 : i32
        %add3A_508 = arith.constant 800 : i32
        %add3A_509 = arith.addi %add3A_508, %scan3A_507 : i32
        %get3A_510 = arith.index_cast %add3A_509 : i32 to index
        %get3A_511 = arith.constant 0 : index
        %get3A_512 = tpu.vector_load %arg8[%get3A_510, %get3A_511] {strides = array<i32>} : memref<1600x32xf32, #tpu.memory_space<vmem>>, vector<1x16xf32>,
        %get3A_513 = vector.shape_cast %get3A_512 : vector<1x16xf32> to vector<16xf32>
        %add3A_514 = arith.addf %add3A_498, %get3A_513 : vector<16xf32>
        %add3A_515 = arith.constant 800 : i32
        %add3A_516 = arith.addi %add3A_515, %scan3A_507 : i32
        %get3A_517 = arith.index_cast %add3A_516 : i32 to index
        %get3A_518 = arith.constant 16 : index
        %get3A_519 = tpu.vector_load %arg8[%get3A_517, %get3A_518] {strides = array<i32>} : memref<1600x32xf32, #tpu.memory_space<vmem>>, vector<1x16xf32>,
        %get3A_520 = vector.shape_cast %get3A_519 : vector<1x16xf32> to vector<16xf32>
        %add3A_521 = arith.addf %add3A_505, %get3A_520 : vector<16xf32>
        %scan3A_522 = arith.constant 5 : i32
        %scan3A_523 = arith.addi %scan3A_442, %scan3A_522 : i32
        %add3A_524 = arith.constant 800 : i32
        %add3A_525 = arith.addi %add3A_524, %scan3A_523 : i32
        %get3A_526 = arith.index_cast %add3A_525 : i32 to index
        %get3A_527 = arith.constant 0 : index
        %get3A_528 = tpu.vector_load %arg8[%get3A_526, %get3A_527] {strides = array<i32>} : memref<1600x32xf32, #tpu.memory_space<vmem>>, vector<1x16xf32>,
        %get3A_529 = vector.shape_cast %get3A_528 : vector<1x16xf32> to vector<16xf32>
        %add3A_530 = arith.addf %add3A_514, %get3A_529 : vector<16xf32>
        %add3A_531 = arith.constant 800 : i32
        %add3A_532 = arith.addi %add3A_531, %scan3A_523 : i32
        %get3A_533 = arith.index_cast %add3A_532 : i32 to index
        %get3A_534 = arith.constant 16 : index
        %get3A_535 = tpu.vector_load %arg8[%get3A_533, %get3A_534] {strides = array<i32>} : memref<1600x32xf32, #tpu.memory_space<vmem>>, vector<1x16xf32>,
        %get3A_536 = vector.shape_cast %get3A_535 : vector<1x16xf32> to vector<16xf32>
        %add3A_537 = arith.addf %add3A_521, %get3A_536 : vector<16xf32>
        %scan3A_538 = arith.constant 6 : i32
        %scan3A_539 = arith.addi %scan3A_442, %scan3A_538 : i32
        %add3A_540 = arith.constant 800 : i32
        %add3A_541 = arith.addi %add3A_540, %scan3A_539 : i32
        %get3A_542 = arith.index_cast %add3A_541 : i32 to index
        %get3A_543 = arith.constant 0 : index
        %get3A_544 = tpu.vector_load %arg8[%get3A_542, %get3A_543] {strides = array<i32>} : memref<1600x32xf32, #tpu.memory_space<vmem>>, vector<1x16xf32>,
        %get3A_545 = vector.shape_cast %get3A_544 : vector<1x16xf32> to vector<16xf32>
        %add3A_546 = arith.addf %add3A_530, %get3A_545 : vector<16xf32>
        %add3A_547 = arith.constant 800 : i32
        %add3A_548 = arith.addi %add3A_547, %scan3A_539 : i32
        %get3A_549 = arith.index_cast %add3A_548 : i32 to index
        %get3A_550 = arith.constant 16 : index
        %get3A_551 = tpu.vector_load %arg8[%get3A_549, %get3A_550] {strides = array<i32>} : memref<1600x32xf32, #tpu.memory_space<vmem>>, vector<1x16xf32>,
        %get3A_552 = vector.shape_cast %get3A_551 : vector<1x16xf32> to vector<16xf32>
        %add3A_553 = arith.addf %add3A_537, %get3A_552 : vector<16xf32>
        %scan3A_554 = arith.constant 7 : i32
        %scan3A_555 = arith.addi %scan3A_442, %scan3A_554 : i32
        %add3A_556 = arith.constant 800 : i32
        %add3A_557 = arith.addi %add3A_556, %scan3A_555 : i32
        %get3A_558 = arith.index_cast %add3A_557 : i32 to index
        %get3A_559 = arith.constant 0 : index
        %get3A_560 = tpu.vector_load %arg8[%get3A_558, %get3A_559] {strides = array<i32>} : memref<1600x32xf32, #tpu.memory_space<vmem>>, vector<1x16xf32>,
        %get3A_561 = vector.shape_cast %get3A_560 : vector<1x16xf32> to vector<16xf32>
        %add3A_562 = arith.addf %add3A_546, %get3A_561 : vector<16xf32>
        %add3A_563 = arith.constant 800 : i32
        %add3A_564 = arith.addi %add3A_563, %scan3A_555 : i32
        %get3A_565 = arith.index_cast %add3A_564 : i32 to index
        %get3A_566 = arith.constant 16 : index
        %get3A_567 = tpu.vector_load %arg8[%get3A_565, %get3A_566] {strides = array<i32>} : memref<1600x32xf32, #tpu.memory_space<vmem>>, vector<1x16xf32>,
        %get3A_568 = vector.shape_cast %get3A_567 : vector<1x16xf32> to vector<16xf32>
        %add3A_569 = arith.addf %add3A_553, %get3A_568 : vector<16xf32>
        scf.yield %add3A_562, %add3A_569 : vector<16xf32>, vector<16xf32>
      }
      %scan3A_351 = arith.constant 200 : i32
      %mul3A_352 = arith.constant 8 : i32
      %mul3A_353 = arith.muli %add3A_232, %mul3A_352 : i32
      %add3A_354 = arith.constant 4 : i32
      %add3A_355 = arith.addi %mul3A_353, %add3A_354 : i32
      %mul3A_356 = vector.broadcast %scan3A_16 : f32 to vector<16xf32>
      %mul3A_357 = arith.mulf %scan3A_350#0, %mul3A_356 : vector<16xf32>
      %swap3A_358 = arith.index_cast %add3A_355 : i32 to index
      %swap3A_359 = arith.constant 0 : index
      %swap3A_360 = tpu.vector_load %arg9[%swap3A_358, %swap3A_359] {strides = array<i32>} : memref<512x32xf32, #tpu.memory_space<vmem>>, vector<1x16xf32>,
      %swap3A_361 = vector.shape_cast %swap3A_360 : vector<1x16xf32> to vector<16xf32>
      %swap3A_362 = vector.shape_cast %mul3A_357 : vector<16xf32> to vector<1x16xf32>
      tpu.vector_store %arg9[%swap3A_358, %swap3A_359], %swap3A_362 {strides = array<i32>} : memref<512x32xf32, #tpu.memory_space<vmem>>, vector<1x16xf32>,
      %mul3A_363 = vector.broadcast %scan3A_16 : f32 to vector<16xf32>
      %mul3A_364 = arith.mulf %scan3A_350#1, %mul3A_363 : vector<16xf32>
      %swap3A_365 = arith.index_cast %add3A_355 : i32 to index
      %swap3A_366 = arith.constant 16 : index
      %swap3A_367 = tpu.vector_load %arg9[%swap3A_365, %swap3A_366] {strides = array<i32>} : memref<512x32xf32, #tpu.memory_space<vmem>>, vector<1x16xf32>,
      %swap3A_368 = vector.shape_cast %swap3A_367 : vector<1x16xf32> to vector<16xf32>
      %swap3A_369 = vector.shape_cast %mul3A_364 : vector<16xf32> to vector<1x16xf32>
      tpu.vector_store %arg9[%swap3A_365, %swap3A_366], %swap3A_369 {strides = array<i32>} : memref<512x32xf32, #tpu.memory_space<vmem>>, vector<1x16xf32>,
      %scan3A_370 = arith.constant 0 : i32
      %scan3A_371 = arith.constant 200 : i32
      %scan3A_372 = arith.addi %scan3A_370, %scan3A_371 : i32
      %scan3A_373 = arith.constant 8 : i32
      %scan3A_374:2 = scf.for %scan3A_442 = %scan3A_370 to %scan3A_372 step %scan3A_373 iter_args(%scan3A_443 = %broadcast_in_dim3A_3, %scan3A_444 = %broadcast_in_dim3A_3) -> (vector<16xf32>, vector<16xf32>)  : i32 {
        %add3A_445 = arith.constant 1000 : i32
        %add3A_446 = arith.addi %add3A_445, %scan3A_442 : i32
        %get3A = arith.index_cast %add3A_446 : i32 to index
        %get3A_447 = arith.constant 0 : index
        %get3A_448 = tpu.vector_load %arg8[%get3A, %get3A_447] {strides = array<i32>} : memref<1600x32xf32, #tpu.memory_space<vmem>>, vector<1x16xf32>,
        %get3A_449 = vector.shape_cast %get3A_448 : vector<1x16xf32> to vector<16xf32>
        %add3A_450 = arith.addf %scan3A_443, %get3A_449 : vector<16xf32>
        %add3A_451 = arith.constant 1000 : i32
        %add3A_452 = arith.addi %add3A_451, %scan3A_442 : i32
        %get3A_453 = arith.index_cast %add3A_452 : i32 to index
        %get3A_454 = arith.constant 16 : index
        %get3A_455 = tpu.vector_load %arg8[%get3A_453, %get3A_454] {strides = array<i32>} : memref<1600x32xf32, #tpu.memory_space<vmem>>, vector<1x16xf32>,
        %get3A_456 = vector.shape_cast %get3A_455 : vector<1x16xf32> to vector<16xf32>
        %add3A_457 = arith.addf %scan3A_444, %get3A_456 : vector<16xf32>
        %scan3A_458 = arith.constant 1 : i32
        %scan3A_459 = arith.addi %scan3A_442, %scan3A_458 : i32
        %add3A_460 = arith.constant 1000 : i32
        %add3A_461 = arith.addi %add3A_460, %scan3A_459 : i32
        %get3A_462 = arith.index_cast %add3A_461 : i32 to index
        %get3A_463 = arith.constant 0 : index
        %get3A_464 = tpu.vector_load %arg8[%get3A_462, %get3A_463] {strides = array<i32>} : memref<1600x32xf32, #tpu.memory_space<vmem>>, vector<1x16xf32>,
        %get3A_465 = vector.shape_cast %get3A_464 : vector<1x16xf32> to vector<16xf32>
        %add3A_466 = arith.addf %add3A_450, %get3A_465 : vector<16xf32>
        %add3A_467 = arith.constant 1000 : i32
        %add3A_468 = arith.addi %add3A_467, %scan3A_459 : i32
        %get3A_469 = arith.index_cast %add3A_468 : i32 to index
        %get3A_470 = arith.constant 16 : index
        %get3A_471 = tpu.vector_load %arg8[%get3A_469, %get3A_470] {strides = array<i32>} : memref<1600x32xf32, #tpu.memory_space<vmem>>, vector<1x16xf32>,
        %get3A_472 = vector.shape_cast %get3A_471 : vector<1x16xf32> to vector<16xf32>
        %add3A_473 = arith.addf %add3A_457, %get3A_472 : vector<16xf32>
        %scan3A_474 = arith.constant 2 : i32
        %scan3A_475 = arith.addi %scan3A_442, %scan3A_474 : i32
        %add3A_476 = arith.constant 1000 : i32
        %add3A_477 = arith.addi %add3A_476, %scan3A_475 : i32
        %get3A_478 = arith.index_cast %add3A_477 : i32 to index
        %get3A_479 = arith.constant 0 : index
        %get3A_480 = tpu.vector_load %arg8[%get3A_478, %get3A_479] {strides = array<i32>} : memref<1600x32xf32, #tpu.memory_space<vmem>>, vector<1x16xf32>,
        %get3A_481 = vector.shape_cast %get3A_480 : vector<1x16xf32> to vector<16xf32>
        %add3A_482 = arith.addf %add3A_466, %get3A_481 : vector<16xf32>
        %add3A_483 = arith.constant 1000 : i32
        %add3A_484 = arith.addi %add3A_483, %scan3A_475 : i32
        %get3A_485 = arith.index_cast %add3A_484 : i32 to index
        %get3A_486 = arith.constant 16 : index
        %get3A_487 = tpu.vector_load %arg8[%get3A_485, %get3A_486] {strides = array<i32>} : memref<1600x32xf32, #tpu.memory_space<vmem>>, vector<1x16xf32>,
        %get3A_488 = vector.shape_cast %get3A_487 : vector<1x16xf32> to vector<16xf32>
        %add3A_489 = arith.addf %add3A_473, %get3A_488 : vector<16xf32>
        %scan3A_490 = arith.constant 3 : i32
        %scan3A_491 = arith.addi %scan3A_442, %scan3A_490 : i32
        %add3A_492 = arith.constant 1000 : i32
        %add3A_493 = arith.addi %add3A_492, %scan3A_491 : i32
        %get3A_494 = arith.index_cast %add3A_493 : i32 to index
        %get3A_495 = arith.constant 0 : index
        %get3A_496 = tpu.vector_load %arg8[%get3A_494, %get3A_495] {strides = array<i32>} : memref<1600x32xf32, #tpu.memory_space<vmem>>, vector<1x16xf32>,
        %get3A_497 = vector.shape_cast %get3A_496 : vector<1x16xf32> to vector<16xf32>
        %add3A_498 = arith.addf %add3A_482, %get3A_497 : vector<16xf32>
        %add3A_499 = arith.constant 1000 : i32
        %add3A_500 = arith.addi %add3A_499, %scan3A_491 : i32
        %get3A_501 = arith.index_cast %add3A_500 : i32 to index
        %get3A_502 = arith.constant 16 : index
        %get3A_503 = tpu.vector_load %arg8[%get3A_501, %get3A_502] {strides = array<i32>} : memref<1600x32xf32, #tpu.memory_space<vmem>>, vector<1x16xf32>,
        %get3A_504 = vector.shape_cast %get3A_503 : vector<1x16xf32> to vector<16xf32>
        %add3A_505 = arith.addf %add3A_489, %get3A_504 : vector<16xf32>
        %scan3A_506 = arith.constant 4 : i32
        %scan3A_507 = arith.addi %scan3A_442, %scan3A_506 : i32
        %add3A_508 = arith.constant 1000 : i32
        %add3A_509 = arith.addi %add3A_508, %scan3A_507 : i32
        %get3A_510 = arith.index_cast %add3A_509 : i32 to index
        %get3A_511 = arith.constant 0 : index
        %get3A_512 = tpu.vector_load %arg8[%get3A_510, %get3A_511] {strides = array<i32>} : memref<1600x32xf32, #tpu.memory_space<vmem>>, vector<1x16xf32>,
        %get3A_513 = vector.shape_cast %get3A_512 : vector<1x16xf32> to vector<16xf32>
        %add3A_514 = arith.addf %add3A_498, %get3A_513 : vector<16xf32>
        %add3A_515 = arith.constant 1000 : i32
        %add3A_516 = arith.addi %add3A_515, %scan3A_507 : i32
        %get3A_517 = arith.index_cast %add3A_516 : i32 to index
        %get3A_518 = arith.constant 16 : index
        %get3A_519 = tpu.vector_load %arg8[%get3A_517, %get3A_518] {strides = array<i32>} : memref<1600x32xf32, #tpu.memory_space<vmem>>, vector<1x16xf32>,
        %get3A_520 = vector.shape_cast %get3A_519 : vector<1x16xf32> to vector<16xf32>
        %add3A_521 = arith.addf %add3A_505, %get3A_520 : vector<16xf32>
        %scan3A_522 = arith.constant 5 : i32
        %scan3A_523 = arith.addi %scan3A_442, %scan3A_522 : i32
        %add3A_524 = arith.constant 1000 : i32
        %add3A_525 = arith.addi %add3A_524, %scan3A_523 : i32
        %get3A_526 = arith.index_cast %add3A_525 : i32 to index
        %get3A_527 = arith.constant 0 : index
        %get3A_528 = tpu.vector_load %arg8[%get3A_526, %get3A_527] {strides = array<i32>} : memref<1600x32xf32, #tpu.memory_space<vmem>>, vector<1x16xf32>,
        %get3A_529 = vector.shape_cast %get3A_528 : vector<1x16xf32> to vector<16xf32>
        %add3A_530 = arith.addf %add3A_514, %get3A_529 : vector<16xf32>
        %add3A_531 = arith.constant 1000 : i32
        %add3A_532 = arith.addi %add3A_531, %scan3A_523 : i32
        %get3A_533 = arith.index_cast %add3A_532 : i32 to index
        %get3A_534 = arith.constant 16 : index
        %get3A_535 = tpu.vector_load %arg8[%get3A_533, %get3A_534] {strides = array<i32>} : memref<1600x32xf32, #tpu.memory_space<vmem>>, vector<1x16xf32>,
        %get3A_536 = vector.shape_cast %get3A_535 : vector<1x16xf32> to vector<16xf32>
        %add3A_537 = arith.addf %add3A_521, %get3A_536 : vector<16xf32>
        %scan3A_538 = arith.constant 6 : i32
        %scan3A_539 = arith.addi %scan3A_442, %scan3A_538 : i32
        %add3A_540 = arith.constant 1000 : i32
        %add3A_541 = arith.addi %add3A_540, %scan3A_539 : i32
        %get3A_542 = arith.index_cast %add3A_541 : i32 to index
        %get3A_543 = arith.constant 0 : index
        %get3A_544 = tpu.vector_load %arg8[%get3A_542, %get3A_543] {strides = array<i32>} : memref<1600x32xf32, #tpu.memory_space<vmem>>, vector<1x16xf32>,
        %get3A_545 = vector.shape_cast %get3A_544 : vector<1x16xf32> to vector<16xf32>
        %add3A_546 = arith.addf %add3A_530, %get3A_545 : vector<16xf32>
        %add3A_547 = arith.constant 1000 : i32
        %add3A_548 = arith.addi %add3A_547, %scan3A_539 : i32
        %get3A_549 = arith.index_cast %add3A_548 : i32 to index
        %get3A_550 = arith.constant 16 : index
        %get3A_551 = tpu.vector_load %arg8[%get3A_549, %get3A_550] {strides = array<i32>} : memref<1600x32xf32, #tpu.memory_space<vmem>>, vector<1x16xf32>,
        %get3A_552 = vector.shape_cast %get3A_551 : vector<1x16xf32> to vector<16xf32>
        %add3A_553 = arith.addf %add3A_537, %get3A_552 : vector<16xf32>
        %scan3A_554 = arith.constant 7 : i32
        %scan3A_555 = arith.addi %scan3A_442, %scan3A_554 : i32
        %add3A_556 = arith.constant 1000 : i32
        %add3A_557 = arith.addi %add3A_556, %scan3A_555 : i32
        %get3A_558 = arith.index_cast %add3A_557 : i32 to index
        %get3A_559 = arith.constant 0 : index
        %get3A_560 = tpu.vector_load %arg8[%get3A_558, %get3A_559] {strides = array<i32>} : memref<1600x32xf32, #tpu.memory_space<vmem>>, vector<1x16xf32>,
        %get3A_561 = vector.shape_cast %get3A_560 : vector<1x16xf32> to vector<16xf32>
        %add3A_562 = arith.addf %add3A_546, %get3A_561 : vector<16xf32>
        %add3A_563 = arith.constant 1000 : i32
        %add3A_564 = arith.addi %add3A_563, %scan3A_555 : i32
        %get3A_565 = arith.index_cast %add3A_564 : i32 to index
        %get3A_566 = arith.constant 16 : index
        %get3A_567 = tpu.vector_load %arg8[%get3A_565, %get3A_566] {strides = array<i32>} : memref<1600x32xf32, #tpu.memory_space<vmem>>, vector<1x16xf32>,
        %get3A_568 = vector.shape_cast %get3A_567 : vector<1x16xf32> to vector<16xf32>
        %add3A_569 = arith.addf %add3A_553, %get3A_568 : vector<16xf32>
        scf.yield %add3A_562, %add3A_569 : vector<16xf32>, vector<16xf32>
      }
      %scan3A_375 = arith.constant 200 : i32
      %mul3A_376 = arith.constant 8 : i32
      %mul3A_377 = arith.muli %add3A_232, %mul3A_376 : i32
      %add3A_378 = arith.constant 5 : i32
      %add3A_379 = arith.addi %mul3A_377, %add3A_378 : i32
      %mul3A_380 = vector.broadcast %scan3A_16 : f32 to vector<16xf32>
      %mul3A_381 = arith.mulf %scan3A_374#0, %mul3A_380 : vector<16xf32>
      %swap3A_382 = arith.index_cast %add3A_379 : i32 to index
      %swap3A_383 = arith.constant 0 : index
      %swap3A_384 = tpu.vector_load %arg9[%swap3A_382, %swap3A_383] {strides = array<i32>} : memref<512x32xf32, #tpu.memory_space<vmem>>, vector<1x16xf32>,
      %swap3A_385 = vector.shape_cast %swap3A_384 : vector<1x16xf32> to vector<16xf32>
      %swap3A_386 = vector.shape_cast %mul3A_381 : vector<16xf32> to vector<1x16xf32>
      tpu.vector_store %arg9[%swap3A_382, %swap3A_383], %swap3A_386 {strides = array<i32>} : memref<512x32xf32, #tpu.memory_space<vmem>>, vector<1x16xf32>,
      %mul3A_387 = vector.broadcast %scan3A_16 : f32 to vector<16xf32>
      %mul3A_388 = arith.mulf %scan3A_374#1, %mul3A_387 : vector<16xf32>
      %swap3A_389 = arith.index_cast %add3A_379 : i32 to index
      %swap3A_390 = arith.constant 16 : index
      %swap3A_391 = tpu.vector_load %arg9[%swap3A_389, %swap3A_390] {strides = array<i32>} : memref<512x32xf32, #tpu.memory_space<vmem>>, vector<1x16xf32>,
      %swap3A_392 = vector.shape_cast %swap3A_391 : vector<1x16xf32> to vector<16xf32>
      %swap3A_393 = vector.shape_cast %mul3A_388 : vector<16xf32> to vector<1x16xf32>
      tpu.vector_store %arg9[%swap3A_389, %swap3A_390], %swap3A_393 {strides = array<i32>} : memref<512x32xf32, #tpu.memory_space<vmem>>, vector<1x16xf32>,
      %scan3A_394 = arith.constant 0 : i32
      %scan3A_395 = arith.constant 200 : i32
      %scan3A_396 = arith.addi %scan3A_394, %scan3A_395 : i32
      %scan3A_397 = arith.constant 8 : i32
      %scan3A_398:2 = scf.for %scan3A_442 = %scan3A_394 to %scan3A_396 step %scan3A_397 iter_args(%scan3A_443 = %broadcast_in_dim3A_3, %scan3A_444 = %broadcast_in_dim3A_3) -> (vector<16xf32>, vector<16xf32>)  : i32 {
        %add3A_445 = arith.constant 1200 : i32
        %add3A_446 = arith.addi %add3A_445, %scan3A_442 : i32
        %get3A = arith.index_cast %add3A_446 : i32 to index
        %get3A_447 = arith.constant 0 : index
        %get3A_448 = tpu.vector_load %arg8[%get3A, %get3A_447] {strides = array<i32>} : memref<1600x32xf32, #tpu.memory_space<vmem>>, vector<1x16xf32>,
        %get3A_449 = vector.shape_cast %get3A_448 : vector<1x16xf32> to vector<16xf32>
        %add3A_450 = arith.addf %scan3A_443, %get3A_449 : vector<16xf32>
        %add3A_451 = arith.constant 1200 : i32
        %add3A_452 = arith.addi %add3A_451, %scan3A_442 : i32
        %get3A_453 = arith.index_cast %add3A_452 : i32 to index
        %get3A_454 = arith.constant 16 : index
        %get3A_455 = tpu.vector_load %arg8[%get3A_453, %get3A_454] {strides = array<i32>} : memref<1600x32xf32, #tpu.memory_space<vmem>>, vector<1x16xf32>,
        %get3A_456 = vector.shape_cast %get3A_455 : vector<1x16xf32> to vector<16xf32>
        %add3A_457 = arith.addf %scan3A_444, %get3A_456 : vector<16xf32>
        %scan3A_458 = arith.constant 1 : i32
        %scan3A_459 = arith.addi %scan3A_442, %scan3A_458 : i32
        %add3A_460 = arith.constant 1200 : i32
        %add3A_461 = arith.addi %add3A_460, %scan3A_459 : i32
        %get3A_462 = arith.index_cast %add3A_461 : i32 to index
        %get3A_463 = arith.constant 0 : index
        %get3A_464 = tpu.vector_load %arg8[%get3A_462, %get3A_463] {strides = array<i32>} : memref<1600x32xf32, #tpu.memory_space<vmem>>, vector<1x16xf32>,
        %get3A_465 = vector.shape_cast %get3A_464 : vector<1x16xf32> to vector<16xf32>
        %add3A_466 = arith.addf %add3A_450, %get3A_465 : vector<16xf32>
        %add3A_467 = arith.constant 1200 : i32
        %add3A_468 = arith.addi %add3A_467, %scan3A_459 : i32
        %get3A_469 = arith.index_cast %add3A_468 : i32 to index
        %get3A_470 = arith.constant 16 : index
        %get3A_471 = tpu.vector_load %arg8[%get3A_469, %get3A_470] {strides = array<i32>} : memref<1600x32xf32, #tpu.memory_space<vmem>>, vector<1x16xf32>,
        %get3A_472 = vector.shape_cast %get3A_471 : vector<1x16xf32> to vector<16xf32>
        %add3A_473 = arith.addf %add3A_457, %get3A_472 : vector<16xf32>
        %scan3A_474 = arith.constant 2 : i32
        %scan3A_475 = arith.addi %scan3A_442, %scan3A_474 : i32
        %add3A_476 = arith.constant 1200 : i32
        %add3A_477 = arith.addi %add3A_476, %scan3A_475 : i32
        %get3A_478 = arith.index_cast %add3A_477 : i32 to index
        %get3A_479 = arith.constant 0 : index
        %get3A_480 = tpu.vector_load %arg8[%get3A_478, %get3A_479] {strides = array<i32>} : memref<1600x32xf32, #tpu.memory_space<vmem>>, vector<1x16xf32>,
        %get3A_481 = vector.shape_cast %get3A_480 : vector<1x16xf32> to vector<16xf32>
        %add3A_482 = arith.addf %add3A_466, %get3A_481 : vector<16xf32>
        %add3A_483 = arith.constant 1200 : i32
        %add3A_484 = arith.addi %add3A_483, %scan3A_475 : i32
        %get3A_485 = arith.index_cast %add3A_484 : i32 to index
        %get3A_486 = arith.constant 16 : index
        %get3A_487 = tpu.vector_load %arg8[%get3A_485, %get3A_486] {strides = array<i32>} : memref<1600x32xf32, #tpu.memory_space<vmem>>, vector<1x16xf32>,
        %get3A_488 = vector.shape_cast %get3A_487 : vector<1x16xf32> to vector<16xf32>
        %add3A_489 = arith.addf %add3A_473, %get3A_488 : vector<16xf32>
        %scan3A_490 = arith.constant 3 : i32
        %scan3A_491 = arith.addi %scan3A_442, %scan3A_490 : i32
        %add3A_492 = arith.constant 1200 : i32
        %add3A_493 = arith.addi %add3A_492, %scan3A_491 : i32
        %get3A_494 = arith.index_cast %add3A_493 : i32 to index
        %get3A_495 = arith.constant 0 : index
        %get3A_496 = tpu.vector_load %arg8[%get3A_494, %get3A_495] {strides = array<i32>} : memref<1600x32xf32, #tpu.memory_space<vmem>>, vector<1x16xf32>,
        %get3A_497 = vector.shape_cast %get3A_496 : vector<1x16xf32> to vector<16xf32>
        %add3A_498 = arith.addf %add3A_482, %get3A_497 : vector<16xf32>
        %add3A_499 = arith.constant 1200 : i32
        %add3A_500 = arith.addi %add3A_499, %scan3A_491 : i32
        %get3A_501 = arith.index_cast %add3A_500 : i32 to index
        %get3A_502 = arith.constant 16 : index
        %get3A_503 = tpu.vector_load %arg8[%get3A_501, %get3A_502] {strides = array<i32>} : memref<1600x32xf32, #tpu.memory_space<vmem>>, vector<1x16xf32>,
        %get3A_504 = vector.shape_cast %get3A_503 : vector<1x16xf32> to vector<16xf32>
        %add3A_505 = arith.addf %add3A_489, %get3A_504 : vector<16xf32>
        %scan3A_506 = arith.constant 4 : i32
        %scan3A_507 = arith.addi %scan3A_442, %scan3A_506 : i32
        %add3A_508 = arith.constant 1200 : i32
        %add3A_509 = arith.addi %add3A_508, %scan3A_507 : i32
        %get3A_510 = arith.index_cast %add3A_509 : i32 to index
        %get3A_511 = arith.constant 0 : index
        %get3A_512 = tpu.vector_load %arg8[%get3A_510, %get3A_511] {strides = array<i32>} : memref<1600x32xf32, #tpu.memory_space<vmem>>, vector<1x16xf32>,
        %get3A_513 = vector.shape_cast %get3A_512 : vector<1x16xf32> to vector<16xf32>
        %add3A_514 = arith.addf %add3A_498, %get3A_513 : vector<16xf32>
        %add3A_515 = arith.constant 1200 : i32
        %add3A_516 = arith.addi %add3A_515, %scan3A_507 : i32
        %get3A_517 = arith.index_cast %add3A_516 : i32 to index
        %get3A_518 = arith.constant 16 : index
        %get3A_519 = tpu.vector_load %arg8[%get3A_517, %get3A_518] {strides = array<i32>} : memref<1600x32xf32, #tpu.memory_space<vmem>>, vector<1x16xf32>,
        %get3A_520 = vector.shape_cast %get3A_519 : vector<1x16xf32> to vector<16xf32>
        %add3A_521 = arith.addf %add3A_505, %get3A_520 : vector<16xf32>
        %scan3A_522 = arith.constant 5 : i32
        %scan3A_523 = arith.addi %scan3A_442, %scan3A_522 : i32
        %add3A_524 = arith.constant 1200 : i32
        %add3A_525 = arith.addi %add3A_524, %scan3A_523 : i32
        %get3A_526 = arith.index_cast %add3A_525 : i32 to index
        %get3A_527 = arith.constant 0 : index
        %get3A_528 = tpu.vector_load %arg8[%get3A_526, %get3A_527] {strides = array<i32>} : memref<1600x32xf32, #tpu.memory_space<vmem>>, vector<1x16xf32>,
        %get3A_529 = vector.shape_cast %get3A_528 : vector<1x16xf32> to vector<16xf32>
        %add3A_530 = arith.addf %add3A_514, %get3A_529 : vector<16xf32>
        %add3A_531 = arith.constant 1200 : i32
        %add3A_532 = arith.addi %add3A_531, %scan3A_523 : i32
        %get3A_533 = arith.index_cast %add3A_532 : i32 to index
        %get3A_534 = arith.constant 16 : index
        %get3A_535 = tpu.vector_load %arg8[%get3A_533, %get3A_534] {strides = array<i32>} : memref<1600x32xf32, #tpu.memory_space<vmem>>, vector<1x16xf32>,
        %get3A_536 = vector.shape_cast %get3A_535 : vector<1x16xf32> to vector<16xf32>
        %add3A_537 = arith.addf %add3A_521, %get3A_536 : vector<16xf32>
        %scan3A_538 = arith.constant 6 : i32
        %scan3A_539 = arith.addi %scan3A_442, %scan3A_538 : i32
        %add3A_540 = arith.constant 1200 : i32
        %add3A_541 = arith.addi %add3A_540, %scan3A_539 : i32
        %get3A_542 = arith.index_cast %add3A_541 : i32 to index
        %get3A_543 = arith.constant 0 : index
        %get3A_544 = tpu.vector_load %arg8[%get3A_542, %get3A_543] {strides = array<i32>} : memref<1600x32xf32, #tpu.memory_space<vmem>>, vector<1x16xf32>,
        %get3A_545 = vector.shape_cast %get3A_544 : vector<1x16xf32> to vector<16xf32>
        %add3A_546 = arith.addf %add3A_530, %get3A_545 : vector<16xf32>
        %add3A_547 = arith.constant 1200 : i32
        %add3A_548 = arith.addi %add3A_547, %scan3A_539 : i32
        %get3A_549 = arith.index_cast %add3A_548 : i32 to index
        %get3A_550 = arith.constant 16 : index
        %get3A_551 = tpu.vector_load %arg8[%get3A_549, %get3A_550] {strides = array<i32>} : memref<1600x32xf32, #tpu.memory_space<vmem>>, vector<1x16xf32>,
        %get3A_552 = vector.shape_cast %get3A_551 : vector<1x16xf32> to vector<16xf32>
        %add3A_553 = arith.addf %add3A_537, %get3A_552 : vector<16xf32>
        %scan3A_554 = arith.constant 7 : i32
        %scan3A_555 = arith.addi %scan3A_442, %scan3A_554 : i32
        %add3A_556 = arith.constant 1200 : i32
        %add3A_557 = arith.addi %add3A_556, %scan3A_555 : i32
        %get3A_558 = arith.index_cast %add3A_557 : i32 to index
        %get3A_559 = arith.constant 0 : index
        %get3A_560 = tpu.vector_load %arg8[%get3A_558, %get3A_559] {strides = array<i32>} : memref<1600x32xf32, #tpu.memory_space<vmem>>, vector<1x16xf32>,
        %get3A_561 = vector.shape_cast %get3A_560 : vector<1x16xf32> to vector<16xf32>
        %add3A_562 = arith.addf %add3A_546, %get3A_561 : vector<16xf32>
        %add3A_563 = arith.constant 1200 : i32
        %add3A_564 = arith.addi %add3A_563, %scan3A_555 : i32
        %get3A_565 = arith.index_cast %add3A_564 : i32 to index
        %get3A_566 = arith.constant 16 : index
        %get3A_567 = tpu.vector_load %arg8[%get3A_565, %get3A_566] {strides = array<i32>} : memref<1600x32xf32, #tpu.memory_space<vmem>>, vector<1x16xf32>,
        %get3A_568 = vector.shape_cast %get3A_567 : vector<1x16xf32> to vector<16xf32>
        %add3A_569 = arith.addf %add3A_553, %get3A_568 : vector<16xf32>
        scf.yield %add3A_562, %add3A_569 : vector<16xf32>, vector<16xf32>
      }
      %scan3A_399 = arith.constant 200 : i32
      %mul3A_400 = arith.constant 8 : i32
      %mul3A_401 = arith.muli %add3A_232, %mul3A_400 : i32
      %add3A_402 = arith.constant 6 : i32
      %add3A_403 = arith.addi %mul3A_401, %add3A_402 : i32
      %mul3A_404 = vector.broadcast %scan3A_16 : f32 to vector<16xf32>
      %mul3A_405 = arith.mulf %scan3A_398#0, %mul3A_404 : vector<16xf32>
      %swap3A_406 = arith.index_cast %add3A_403 : i32 to index
      %swap3A_407 = arith.constant 0 : index
      %swap3A_408 = tpu.vector_load %arg9[%swap3A_406, %swap3A_407] {strides = array<i32>} : memref<512x32xf32, #tpu.memory_space<vmem>>, vector<1x16xf32>,
      %swap3A_409 = vector.shape_cast %swap3A_408 : vector<1x16xf32> to vector<16xf32>
      %swap3A_410 = vector.shape_cast %mul3A_405 : vector<16xf32> to vector<1x16xf32>
      tpu.vector_store %arg9[%swap3A_406, %swap3A_407], %swap3A_410 {strides = array<i32>} : memref<512x32xf32, #tpu.memory_space<vmem>>, vector<1x16xf32>,
      %mul3A_411 = vector.broadcast %scan3A_16 : f32 to vector<16xf32>
      %mul3A_412 = arith.mulf %scan3A_398#1, %mul3A_411 : vector<16xf32>
      %swap3A_413 = arith.index_cast %add3A_403 : i32 to index
      %swap3A_414 = arith.constant 16 : index
      %swap3A_415 = tpu.vector_load %arg9[%swap3A_413, %swap3A_414] {strides = array<i32>} : memref<512x32xf32, #tpu.memory_space<vmem>>, vector<1x16xf32>,
      %swap3A_416 = vector.shape_cast %swap3A_415 : vector<1x16xf32> to vector<16xf32>
      %swap3A_417 = vector.shape_cast %mul3A_412 : vector<16xf32> to vector<1x16xf32>
      tpu.vector_store %arg9[%swap3A_413, %swap3A_414], %swap3A_417 {strides = array<i32>} : memref<512x32xf32, #tpu.memory_space<vmem>>, vector<1x16xf32>,
      %scan3A_418 = arith.constant 0 : i32
      %scan3A_419 = arith.constant 200 : i32
      %scan3A_420 = arith.addi %scan3A_418, %scan3A_419 : i32
      %scan3A_421 = arith.constant 8 : i32
      %scan3A_422:2 = scf.for %scan3A_442 = %scan3A_418 to %scan3A_420 step %scan3A_421 iter_args(%scan3A_443 = %broadcast_in_dim3A_3, %scan3A_444 = %broadcast_in_dim3A_3) -> (vector<16xf32>, vector<16xf32>)  : i32 {
        %add3A_445 = arith.constant 1400 : i32
        %add3A_446 = arith.addi %add3A_445, %scan3A_442 : i32
        %get3A = arith.index_cast %add3A_446 : i32 to index
        %get3A_447 = arith.constant 0 : index
        %get3A_448 = tpu.vector_load %arg8[%get3A, %get3A_447] {strides = array<i32>} : memref<1600x32xf32, #tpu.memory_space<vmem>>, vector<1x16xf32>,
        %get3A_449 = vector.shape_cast %get3A_448 : vector<1x16xf32> to vector<16xf32>
        %add3A_450 = arith.addf %scan3A_443, %get3A_449 : vector<16xf32>
        %add3A_451 = arith.constant 1400 : i32
        %add3A_452 = arith.addi %add3A_451, %scan3A_442 : i32
        %get3A_453 = arith.index_cast %add3A_452 : i32 to index
        %get3A_454 = arith.constant 16 : index
        %get3A_455 = tpu.vector_load %arg8[%get3A_453, %get3A_454] {strides = array<i32>} : memref<1600x32xf32, #tpu.memory_space<vmem>>, vector<1x16xf32>,
        %get3A_456 = vector.shape_cast %get3A_455 : vector<1x16xf32> to vector<16xf32>
        %add3A_457 = arith.addf %scan3A_444, %get3A_456 : vector<16xf32>
        %scan3A_458 = arith.constant 1 : i32
        %scan3A_459 = arith.addi %scan3A_442, %scan3A_458 : i32
        %add3A_460 = arith.constant 1400 : i32
        %add3A_461 = arith.addi %add3A_460, %scan3A_459 : i32
        %get3A_462 = arith.index_cast %add3A_461 : i32 to index
        %get3A_463 = arith.constant 0 : index
        %get3A_464 = tpu.vector_load %arg8[%get3A_462, %get3A_463] {strides = array<i32>} : memref<1600x32xf32, #tpu.memory_space<vmem>>, vector<1x16xf32>,
        %get3A_465 = vector.shape_cast %get3A_464 : vector<1x16xf32> to vector<16xf32>
        %add3A_466 = arith.addf %add3A_450, %get3A_465 : vector<16xf32>
        %add3A_467 = arith.constant 1400 : i32
        %add3A_468 = arith.addi %add3A_467, %scan3A_459 : i32
        %get3A_469 = arith.index_cast %add3A_468 : i32 to index
        %get3A_470 = arith.constant 16 : index
        %get3A_471 = tpu.vector_load %arg8[%get3A_469, %get3A_470] {strides = array<i32>} : memref<1600x32xf32, #tpu.memory_space<vmem>>, vector<1x16xf32>,
        %get3A_472 = vector.shape_cast %get3A_471 : vector<1x16xf32> to vector<16xf32>
        %add3A_473 = arith.addf %add3A_457, %get3A_472 : vector<16xf32>
        %scan3A_474 = arith.constant 2 : i32
        %scan3A_475 = arith.addi %scan3A_442, %scan3A_474 : i32
        %add3A_476 = arith.constant 1400 : i32
        %add3A_477 = arith.addi %add3A_476, %scan3A_475 : i32
        %get3A_478 = arith.index_cast %add3A_477 : i32 to index
        %get3A_479 = arith.constant 0 : index
        %get3A_480 = tpu.vector_load %arg8[%get3A_478, %get3A_479] {strides = array<i32>} : memref<1600x32xf32, #tpu.memory_space<vmem>>, vector<1x16xf32>,
        %get3A_481 = vector.shape_cast %get3A_480 : vector<1x16xf32> to vector<16xf32>
        %add3A_482 = arith.addf %add3A_466, %get3A_481 : vector<16xf32>
        %add3A_483 = arith.constant 1400 : i32
        %add3A_484 = arith.addi %add3A_483, %scan3A_475 : i32
        %get3A_485 = arith.index_cast %add3A_484 : i32 to index
        %get3A_486 = arith.constant 16 : index
        %get3A_487 = tpu.vector_load %arg8[%get3A_485, %get3A_486] {strides = array<i32>} : memref<1600x32xf32, #tpu.memory_space<vmem>>, vector<1x16xf32>,
        %get3A_488 = vector.shape_cast %get3A_487 : vector<1x16xf32> to vector<16xf32>
        %add3A_489 = arith.addf %add3A_473, %get3A_488 : vector<16xf32>
        %scan3A_490 = arith.constant 3 : i32
        %scan3A_491 = arith.addi %scan3A_442, %scan3A_490 : i32
        %add3A_492 = arith.constant 1400 : i32
        %add3A_493 = arith.addi %add3A_492, %scan3A_491 : i32
        %get3A_494 = arith.index_cast %add3A_493 : i32 to index
        %get3A_495 = arith.constant 0 : index
        %get3A_496 = tpu.vector_load %arg8[%get3A_494, %get3A_495] {strides = array<i32>} : memref<1600x32xf32, #tpu.memory_space<vmem>>, vector<1x16xf32>,
        %get3A_497 = vector.shape_cast %get3A_496 : vector<1x16xf32> to vector<16xf32>
        %add3A_498 = arith.addf %add3A_482, %get3A_497 : vector<16xf32>
        %add3A_499 = arith.constant 1400 : i32
        %add3A_500 = arith.addi %add3A_499, %scan3A_491 : i32
        %get3A_501 = arith.index_cast %add3A_500 : i32 to index
        %get3A_502 = arith.constant 16 : index
        %get3A_503 = tpu.vector_load %arg8[%get3A_501, %get3A_502] {strides = array<i32>} : memref<1600x32xf32, #tpu.memory_space<vmem>>, vector<1x16xf32>,
        %get3A_504 = vector.shape_cast %get3A_503 : vector<1x16xf32> to vector<16xf32>
        %add3A_505 = arith.addf %add3A_489, %get3A_504 : vector<16xf32>
        %scan3A_506 = arith.constant 4 : i32
        %scan3A_507 = arith.addi %scan3A_442, %scan3A_506 : i32
        %add3A_508 = arith.constant 1400 : i32
        %add3A_509 = arith.addi %add3A_508, %scan3A_507 : i32
        %get3A_510 = arith.index_cast %add3A_509 : i32 to index
        %get3A_511 = arith.constant 0 : index
        %get3A_512 = tpu.vector_load %arg8[%get3A_510, %get3A_511] {strides = array<i32>} : memref<1600x32xf32, #tpu.memory_space<vmem>>, vector<1x16xf32>,
        %get3A_513 = vector.shape_cast %get3A_512 : vector<1x16xf32> to vector<16xf32>
        %add3A_514 = arith.addf %add3A_498, %get3A_513 : vector<16xf32>
        %add3A_515 = arith.constant 1400 : i32
        %add3A_516 = arith.addi %add3A_515, %scan3A_507 : i32
        %get3A_517 = arith.index_cast %add3A_516 : i32 to index
        %get3A_518 = arith.constant 16 : index
        %get3A_519 = tpu.vector_load %arg8[%get3A_517, %get3A_518] {strides = array<i32>} : memref<1600x32xf32, #tpu.memory_space<vmem>>, vector<1x16xf32>,
        %get3A_520 = vector.shape_cast %get3A_519 : vector<1x16xf32> to vector<16xf32>
        %add3A_521 = arith.addf %add3A_505, %get3A_520 : vector<16xf32>
        %scan3A_522 = arith.constant 5 : i32
        %scan3A_523 = arith.addi %scan3A_442, %scan3A_522 : i32
        %add3A_524 = arith.constant 1400 : i32
        %add3A_525 = arith.addi %add3A_524, %scan3A_523 : i32
        %get3A_526 = arith.index_cast %add3A_525 : i32 to index
        %get3A_527 = arith.constant 0 : index
        %get3A_528 = tpu.vector_load %arg8[%get3A_526, %get3A_527] {strides = array<i32>} : memref<1600x32xf32, #tpu.memory_space<vmem>>, vector<1x16xf32>,
        %get3A_529 = vector.shape_cast %get3A_528 : vector<1x16xf32> to vector<16xf32>
        %add3A_530 = arith.addf %add3A_514, %get3A_529 : vector<16xf32>
        %add3A_531 = arith.constant 1400 : i32
        %add3A_532 = arith.addi %add3A_531, %scan3A_523 : i32
        %get3A_533 = arith.index_cast %add3A_532 : i32 to index
        %get3A_534 = arith.constant 16 : index
        %get3A_535 = tpu.vector_load %arg8[%get3A_533, %get3A_534] {strides = array<i32>} : memref<1600x32xf32, #tpu.memory_space<vmem>>, vector<1x16xf32>,
        %get3A_536 = vector.shape_cast %get3A_535 : vector<1x16xf32> to vector<16xf32>
        %add3A_537 = arith.addf %add3A_521, %get3A_536 : vector<16xf32>
        %scan3A_538 = arith.constant 6 : i32
        %scan3A_539 = arith.addi %scan3A_442, %scan3A_538 : i32
        %add3A_540 = arith.constant 1400 : i32
        %add3A_541 = arith.addi %add3A_540, %scan3A_539 : i32
        %get3A_542 = arith.index_cast %add3A_541 : i32 to index
        %get3A_543 = arith.constant 0 : index
        %get3A_544 = tpu.vector_load %arg8[%get3A_542, %get3A_543] {strides = array<i32>} : memref<1600x32xf32, #tpu.memory_space<vmem>>, vector<1x16xf32>,
        %get3A_545 = vector.shape_cast %get3A_544 : vector<1x16xf32> to vector<16xf32>
        %add3A_546 = arith.addf %add3A_530, %get3A_545 : vector<16xf32>
        %add3A_547 = arith.constant 1400 : i32
        %add3A_548 = arith.addi %add3A_547, %scan3A_539 : i32
        %get3A_549 = arith.index_cast %add3A_548 : i32 to index
        %get3A_550 = arith.constant 16 : index
        %get3A_551 = tpu.vector_load %arg8[%get3A_549, %get3A_550] {strides = array<i32>} : memref<1600x32xf32, #tpu.memory_space<vmem>>, vector<1x16xf32>,
        %get3A_552 = vector.shape_cast %get3A_551 : vector<1x16xf32> to vector<16xf32>
        %add3A_553 = arith.addf %add3A_537, %get3A_552 : vector<16xf32>
        %scan3A_554 = arith.constant 7 : i32
        %scan3A_555 = arith.addi %scan3A_442, %scan3A_554 : i32
        %add3A_556 = arith.constant 1400 : i32
        %add3A_557 = arith.addi %add3A_556, %scan3A_555 : i32
        %get3A_558 = arith.index_cast %add3A_557 : i32 to index
        %get3A_559 = arith.constant 0 : index
        %get3A_560 = tpu.vector_load %arg8[%get3A_558, %get3A_559] {strides = array<i32>} : memref<1600x32xf32, #tpu.memory_space<vmem>>, vector<1x16xf32>,
        %get3A_561 = vector.shape_cast %get3A_560 : vector<1x16xf32> to vector<16xf32>
        %add3A_562 = arith.addf %add3A_546, %get3A_561 : vector<16xf32>
        %add3A_563 = arith.constant 1400 : i32
        %add3A_564 = arith.addi %add3A_563, %scan3A_555 : i32
        %get3A_565 = arith.index_cast %add3A_564 : i32 to index
        %get3A_566 = arith.constant 16 : index
        %get3A_567 = tpu.vector_load %arg8[%get3A_565, %get3A_566] {strides = array<i32>} : memref<1600x32xf32, #tpu.memory_space<vmem>>, vector<1x16xf32>,
        %get3A_568 = vector.shape_cast %get3A_567 : vector<1x16xf32> to vector<16xf32>
        %add3A_569 = arith.addf %add3A_553, %get3A_568 : vector<16xf32>
        scf.yield %add3A_562, %add3A_569 : vector<16xf32>, vector<16xf32>
      }
      %scan3A_423 = arith.constant 200 : i32
      %mul3A_424 = arith.constant 8 : i32
      %mul3A_425 = arith.muli %add3A_232, %mul3A_424 : i32
      %add3A_426 = arith.constant 7 : i32
      %add3A_427 = arith.addi %mul3A_425, %add3A_426 : i32
      %mul3A_428 = vector.broadcast %scan3A_16 : f32 to vector<16xf32>
      %mul3A_429 = arith.mulf %scan3A_422#0, %mul3A_428 : vector<16xf32>
      %swap3A_430 = arith.index_cast %add3A_427 : i32 to index
      %swap3A_431 = arith.constant 0 : index
      %swap3A_432 = tpu.vector_load %arg9[%swap3A_430, %swap3A_431] {strides = array<i32>} : memref<512x32xf32, #tpu.memory_space<vmem>>, vector<1x16xf32>,
      %swap3A_433 = vector.shape_cast %swap3A_432 : vector<1x16xf32> to vector<16xf32>
      %swap3A_434 = vector.shape_cast %mul3A_429 : vector<16xf32> to vector<1x16xf32>
      tpu.vector_store %arg9[%swap3A_430, %swap3A_431], %swap3A_434 {strides = array<i32>} : memref<512x32xf32, #tpu.memory_space<vmem>>, vector<1x16xf32>,
      %mul3A_435 = vector.broadcast %scan3A_16 : f32 to vector<16xf32>
      %mul3A_436 = arith.mulf %scan3A_422#1, %mul3A_435 : vector<16xf32>
      %swap3A_437 = arith.index_cast %add3A_427 : i32 to index
      %swap3A_438 = arith.constant 16 : index
      %swap3A_439 = tpu.vector_load %arg9[%swap3A_437, %swap3A_438] {strides = array<i32>} : memref<512x32xf32, #tpu.memory_space<vmem>>, vector<1x16xf32>,
      %swap3A_440 = vector.shape_cast %swap3A_439 : vector<1x16xf32> to vector<16xf32>
      %swap3A_441 = vector.shape_cast %mul3A_436 : vector<16xf32> to vector<1x16xf32>
      tpu.vector_store %arg9[%swap3A_437, %swap3A_438], %swap3A_441 {strides = array<i32>} : memref<512x32xf32, #tpu.memory_space<vmem>>, vector<1x16xf32>,
    }
    %scan3A_21 = arith.constant 32 : i32
    "tpu.region"() ({
      %run_scoped3A = tpu.sem_alloc : memref<!tpu.dma_semaphore, #tpu.memory_space<semaphore_mem>>
      %dma_start3A_22 = arith.constant 0 : i32
      %dma_start3A_23 = tpu.memref_slice %arg4[%mul3A_2, %dma_start3A_22] : memref<16384x32xf32, #tpu.memory_space<hbm>> -> memref<512x32xf32, #tpu.memory_space<hbm>>
      %dma_start3A_24 = arith.constant 0 : i32
      %dma_start3A_25 = tpu.memref_slice %arg4[%mul3A_2, %dma_start3A_24] : memref<16384x32xf32, #tpu.memory_space<hbm>> -> memref<512x32xf32, #tpu.memory_space<hbm>>
      tpu.enqueue_dma source(%arg9 : memref<512x32xf32, #tpu.memory_space<vmem>>) target(%dma_start3A_25 : memref<512x32xf32, #tpu.memory_space<hbm>>) target_semaphore(%run_scoped3A : memref<!tpu.dma_semaphore, #tpu.memory_space<semaphore_mem>>)
      %dma_wait3A = arith.constant 0 : i32
      %dma_wait3A_26 = tpu.memref_slice %arg4[%mul3A_2, %dma_wait3A] : memref<16384x32xf32, #tpu.memory_space<hbm>> -> memref<512x32xf32, #tpu.memory_space<hbm>>
      %dma_wait3A_27 = arith.constant 0 : i32
      %dma_wait3A_28 = tpu.memref_slice %arg4[%mul3A_2, %dma_wait3A_27] : memref<16384x32xf32, #tpu.memory_space<hbm>> -> memref<512x32xf32, #tpu.memory_space<hbm>>
      tpu.wait_dma2 semaphore(%run_scoped3A : memref<!tpu.dma_semaphore, #tpu.memory_space<semaphore_mem>>) src(%arg9 : memref<512x32xf32, #tpu.memory_space<vmem>>) dst(%dma_wait3A_28 : memref<512x32xf32, #tpu.memory_space<hbm>>)
      tpu.yield
    }) : () -> ()
    return
  }
}

</mosaic_0001>

<sc_bundles>
// kernel: kernel.3.cloned.1.call-start
scs
__scs_entry_jumppad:
0x0: {  	(pc) =	sbr.rel $0x88, $3  }
0x1: {  	(tag) =	ssettag $0x0;
	lr =	simm.s32 $0x1  }
0x2: {  	[smem:$0x3F9F] =	sst lr;
	_ =	strace $0xD0000000  }
0x3: {  	_ = 	snop  }
0x4: {  	_ = 	snop  }
0x5: {  	_ = 	snop  }
0x6: {  	_ = 	snop  }
0x7: {  	_ = 	snop  }
__scs_overlays_trampoline_lowered:
0x8: {  	[smem:$0x3FAE] =	sst s0  }
0x9: {  	[smem:$0x3FAF] =	sst s1  }
0xa: {  	[smem:$0x3FB0] =	sst s2  }
0xb: {  	[smem:$0x3FB1] =	sst s3  }
0xc: {  	[smem:$0x3FB2] =	sst s4  }
0xd: {  	[smem:$0x3FB3] =	sst s5  }
0xe: {  	[smem:$0x3FB4] =	sst s6  }
0xf: {  	[smem:$0x3FB5] =	sst s7  }
0x10: {  	[smem:$0x3FB6] =	sst s8  }
0x11: {  	[smem:$0x3FB7] =	sst s9;
	s0 =	simm.s32 @!p0 $0x0  }
0x12: {  	s1 =	sld [smem:$0x3F9D];
	s0 =	simm.s32 @p0 $0x1  }
0x13: {  	[smem:$0x3FB8] =	sst s0;
	s0 =	simm.s32 @!p1 $0x0  }
0x14: {  	s2 =	sld [smem:$0x3F9C];
	s0 =	simm.s32 @p1 $0x1  }
0x15: {  	[smem:$0x3FB9] =	sst s0;
	s0 =	simm.s32 @!p2 $0x0  }
0x16: {  	s3 =	sld [smem:$0x3FDB];
	s0 =	simm.s32 @p2 $0x1  }
0x17: {  	s4 =	simm.s32 $0x1BF5;
	[smem:$0x3FBB] =	sst s0  }
0x18: {  	s0 =	sld [smem:$0x3F9E];
	_ =	swait.ge [sflag:s4], $0x0  }
0x19: {  	s7 =	sld [smem:$0x3F9F]  }
0x1a: {  	s8 =	sadd.s32 $0xFFFFE003, lr  }
0x1b: {  	s9 =	sadd.s32 $0xFFFFFEF7, lr;
	s5 =	simm.s32 $0xFFFFFFFF;
	p2 =	slt.u32 s8, $0xFFFFF086  }
0x1c: {  	p1 =	slt.u32 s9, $0xF7A;
	s5 =	simm.s32 @!p2 $0x0  }
0x1d: {  	s5 =	simm.s32 @p1 $0x1;
	p0 =	seq.s32 s7, s2  }
0x1e: {  	s7 =	smul.u32 @!p0 $0xF7A, s2;
	p2 =	seq.s32 @!p0 s5, $0x0  }
0x1f: {  	s9 =	smul.u32 $0xF7A, s1;
	s8 =	simm.s32 @!p0 $0x1BF5;
	p2 =	por !p2, p0  }
0x20: {  	[sflag:s8] =	ssyncset.s32 @!p0 $0xFFFFF086;
	s6 =	sadd.s32 @!p0 s3, s7;
	s7 =	simm.s32 @!p0 $0x108  }
0x21: {  	s3 =	sadd.s32 s3, s9;
	s6 =	sadd.s32 @!p0 $0x88, s6;
	s7 =	simm.s32 @p2 $0x1082  }
0x22: {  	[simem:s7], [sflag:s8] =	dma.local @!p0 [hbm:s6], $0xF7A  }
0x23: {  	s9 =	sor.u32 $0xD0000000, s2;
	s6 =	simm.s32 $0x108;
	_ =	swait.ge @!p0 [sflag:s8], $0x0  }
0x24: {  	s3 =	sadd.s32 $0x88, s3;
	s6 =	simm.s32 @!p1 $0x1082;
	[sflag:s4] =	ssyncset.s32 $0xFFFFF086  }
0x25: {  	[simem:s6], [sflag:s4] =	dma.local [hbm:s3], $0xF7A  }
0x26: {  	[smem:$0x3F9F] =	sst s1;
	(tag) =	ssettag s2;
	_ =	strace s9  }
0x27: {  	s1 =	sld [smem:$0x3FAF]  }
0x28: {  	s2 =	sld [smem:$0x3FB0]  }
0x29: {  	s4 =	sld [smem:$0x3FB2]  }
0x2a: {  	p0 =	seq.s32 s5, $0x0;
	s5 =	sld [smem:$0x3FB3]  }
0x2b: {  	s6 =	sld [smem:$0x3FB4]  }
0x2c: {  	s7 =	sld [smem:$0x3FB5]  }
0x2d: {  	s3 =	simm.s32 $0x108;
	s8 =	sld [smem:$0x3FB6]  }
0x2e: {  	s3 =	simm.s32 @!p0 $0x1082;
	s9 =	sld [smem:$0x3FB7]  }
0x2f: {  	lr =	sadd.s32 s0, s3;
	s0 =	sld [smem:$0x3FAE]  }
0x30: {  	s3 =	sld [smem:$0x3FB1]  }
0x31: {  	[smem:$0x3FBA] =	sst s10  }
0x32: {  	s10 =	sld [smem:$0x3FB8];
	_ =	sdelay $0x3  }
0x33: {  	p0 =	seq.s32 s10, $0x1;
	s10 =	sld [smem:$0x3FBA];
	_ =	sdelay $0x3  }
0x34: {  	[smem:$0x3FBA] =	sst s10  }
0x35: {  	s10 =	sld [smem:$0x3FB9];
	_ =	sdelay $0x3  }
0x36: {  	p1 =	seq.s32 s10, $0x1;
	s10 =	sld [smem:$0x3FBA];
	_ =	sdelay $0x3  }
0x37: {  	[smem:$0x3FBA] =	sst s10  }
0x38: {  	s10 =	sld [smem:$0x3FBB]  }
0x39: {  	_ = 	snop;
	(pc) =	sbr.ind lr, $3  }
0x3a: {  	_ = 	snop  }
0x3b: {  	_ = 	snop  }
0x3c: {  	p2 =	seq.s32 s10, $0x1;
	s10 =	sld [smem:$0x3FBA]  }
0x3d: {  	_ =	shalt  }
0x3e: {  	_ =	shalt  }
0x3f: {  	_ =	shalt  }
0x40: {  	_ =	shalt  }
0x41: {  	_ =	shalt  }
0x42: {  	_ =	shalt  }
0x43: {  	_ =	shalt  }
0x44: {  	_ =	shalt  }
0x45: {  	_ =	shalt  }
0x46: {  	_ =	shalt  }
0x47: {  	_ =	shalt  }
0x48: {  	_ =	shalt  }
0x49: {  	_ =	shalt  }
0x4a: {  	_ =	shalt  }
0x4b: {  	_ =	shalt  }
0x4c: {  	_ =	shalt  }
0x4d: {  	_ =	shalt  }
0x4e: {  	_ =	shalt  }
0x4f: {  	_ =	shalt  }
0x50: {  	_ =	shalt  }
0x51: {  	_ =	shalt  }
0x52: {  	_ =	shalt  }
0x53: {  	_ =	shalt  }
0x54: {  	_ =	shalt  }
0x55: {  	_ =	shalt  }
0x56: {  	_ =	shalt  }
0x57: {  	_ =	shalt  }
0x58: {  	_ =	shalt  }
0x59: {  	_ =	shalt  }
0x5a: {  	_ =	shalt  }
0x5b: {  	_ =	shalt  }
0x5c: {  	_ =	shalt  }
0x5d: {  	_ =	shalt  }
0x5e: {  	_ =	shalt  }
0x5f: {  	_ =	shalt  }
0x60: {  	_ =	shalt  }
0x61: {  	_ =	shalt  }
0x62: {  	_ =	shalt  }
0x63: {  	_ =	shalt  }
0x64: {  	_ =	shalt  }
0x65: {  	_ =	shalt  }
0x66: {  	_ =	shalt  }
0x67: {  	_ =	shalt  }
0x68: {  	_ =	shalt  }
0x69: {  	_ =	shalt  }
0x6a: {  	_ =	shalt  }
0x6b: {  	_ =	shalt  }
0x6c: {  	_ =	shalt  }
0x6d: {  	_ =	shalt  }
0x6e: {  	_ =	shalt  }
0x6f: {  	_ =	shalt  }
0x70: {  	_ =	shalt  }
0x71: {  	_ =	shalt  }
0x72: {  	_ =	shalt  }
0x73: {  	_ =	shalt  }
0x74: {  	_ =	shalt  }
0x75: {  	_ =	shalt  }
0x76: {  	_ =	shalt  }
0x77: {  	_ =	shalt  }
0x78: {  	_ =	shalt  }
0x79: {  	_ =	shalt  }
0x7a: {  	_ =	shalt  }
0x7b: {  	_ =	shalt  }
0x7c: {  	_ =	shalt  }
0x7d: {  	_ =	shalt  }
0x7e: {  	_ =	shalt  }
0x7f: {  	_ =	shalt  }
0x80: {  	_ =	shalt  }
0x81: {  	_ =	shalt  }
0x82: {  	_ =	shalt  }
0x83: {  	_ =	shalt  }
0x84: {  	_ =	shalt  }
0x85: {  	_ =	shalt  }
0x86: {  	_ =	shalt  }
0x87: {  	_ =	shalt  }
.Lfunc_end0:
.L_simem_size_0:
called_computation_lowered:
.L_overlay_start_0:
0x88: {  	s2 =	sld [smem:$0x3FD9]  }
0x89: {  	s3 =	sld [smem:$0x3FFE];
	_ =	sdelay $0x1  }
0x8a: {  	s1 =	srdreg.scid  }
0x8b: {  	s0 =	sand.u32 $0x1, s1  }
0x8c: {  	s17 =	sshll.u32 s0, $0xA;
	s2 =	sadd.s32 s3, s2  }
0x8d: {  	s2 =	sadd.s32 s2, s17  }
0x8e: {  	[smem:$0x3FC6] =	sst s2  }
0x8f: {  	_ = 	snop  }
0x90: {  	s2 =	sld [smem:$0x3FD0];
	(tm) =	ssettm $0x1  }
0x91: {  	s18 =	sld [smem:$0x3FFB];
	_ =	sdelay $0x3  }
0x92: {  	_ =	strace s18  }
0x93: {  	s3 =	sld [smem:$0x3FFC];
	_ =	sdelay $0x3  }
0x94: {  	_ =	strace s3  }
0x95: {  	s3 =	sld [smem:$0x3FFD];
	_ =	sdelay $0x3  }
0x96: {  	_ =	strace s3  }
0x97: {  	_ =	strace $0x8FFFFFFF  }
0x98: {  	s19 =	sld [smem:$0x3FDB];
	_ =	sdelay $0x1  }
0x99: {  	s4 =	simm.s32 $_scs_section_size  }
0x9a: {  	s5 =	simm.s32 $_size__tile_overlayer_lowered;
	s6 =	simm.s32 $_tile_overlayer_lowered  }
0x9b: {  	s22 =	simm.s32 $0x1BFF;
	s21 =	sshll.u32 s6, $0x1;
	s3 =	sadd.s32 s4, s19  }
0x9c: {  	s7 =	simm.s32 $0x0;
	s20 =	sshll.u32 s5, $0x1;
	s5 =	sadd.s32 s21, s3  }
0x9d: {  	[timem:s7], [sflag:s22] =	dma.local [hbm:s5], s20  }
0x9e: {  	_ =	swait.ge [sflag:s22], s20  }
0x9f: {  	s4 =	ssub.s32 $0x0, s20;
	[sflag:s22] =	ssyncset.done $0x0  }
0xa0: {  	[sflag:s22] =	ssyncadd.s32 s4;
	_ =	sdelay $0x1  }
0xa1: {  	s23 =	simm.s32 $0x1B8B  }
0xa2: {  	_ =	swait.ge [sflag:s23], $0x1  }
0xa3: {  	[sflag:s23] =	ssyncset.done $0x0  }
0xa4: {  	s25 =	simm.s32 $0x1B8E;
	s24 =	sld [smem:$0x3FFE];
	[sflag:s23] =	ssyncadd.s32 $0xFFFFFFFF  }
0xa5: {  	s26 =	simm.s32 $execute0_lowered;
	[smem:$0x3FD2] =	sst s25  }
0xa6: {  	s5 =	sshll.u32 s26, $0x1;
	_ =	strace $0x80000046;
	[dreg:$0x1] =	wrdreg $0xFFFFFFFF  }
0xa7: {  	s28 =	simm.s32 $_size_execute0_lowered;
	s3 =	sadd.s32 s3, s5;
	[dreg:$0x0] =	wrdreg $0x0  }
0xa8: {  	s5 =	sshll.u32 s28, $0x1;
	[dreg:$0x2] =	wrdreg s3  }
0xa9: {  	[dreg:$0x3] =	wrdreg s5  }
0xaa: {  	[dreg:$0x4] =	wrdreg $0xC0  }
0xab: {  	_ =	task [dreg:s7], $0x5FFFF  }
0xac: {  	[dreg:$0x1] =	wrdreg $0xFFFFFFFF  }
0xad: {  	[dreg:$0x0] =	wrdreg $0x60  }
0xae: {  	[dreg:$0x2] =	wrdreg s24  }
0xaf: {  	[dreg:$0x3] =	wrdreg s2  }
0xb0: {  	[dreg:$0x4] =	wrdreg $0x9  }
0xb1: {  	_ =	task.clear_ibuf [dreg:s7], $0x5FFFF;
	_ =	strace $0x90000046  }
0xb2: {  	s29 =	simm.s32 $0x9;
	_ =	strace $0x80000048  }
0xb3: {  	_ =	swait.ge [sflag:s29], $0x1  }
0xb4: {  	[sflag:s29] =	ssyncadd.s32 $0xFFFFFFFF  }
0xb5: {  	_ =	strace $0x90000048  }
0xb6: {  	_ =	sfence  }
0xb7: {  	s30 =	sld [smem:$0x0];
	_ =	sdelay $0x2  }
0xb8: {  	s31 =	sshll.u32 s1, $0xD;
	s1 =	sshrl.u32 s1, $0x2  }
0xb9: {  	s3 =	sand.u32 $0x4000, s31;
	s1 =	sadd.s32 s1, s30  }
0xba: {  	s0 =	sor.u32 s3, s0;
	s1 =	sshll.u32 s1, $0x11  }
0xbb: {  	s0 =	sor.u32 s1, s0  }
0xbc: {  	s0 =	sadd.s32 $0x8F2B, s0  }
0xbd: {  	[sflag:s0] =	ssyncadd.remote.s32 $0x1  }
0xbe: {  	_ =	sfence.sel $0xFFFF  }
0xbf: {  	[dreg:$0x0] =	wrdreg $0xFFFFFFFF;
	(pc) =	sbr.abs _section_cstart, $3  }
0xc0: {  	[dreg:$0x1] =	wrdreg $0xFFFFFFFF  }
0xc1: {  	_ =	task.clear_ibuf [dreg:s7], $0x2FFFF;
	_ =	strace $0x9FFFFFFF  }
0xc2: {  	(tm) =	ssettm $0x7FFFFFFF  }
0xc3: {  	_ =	shalt  }
tec
execute0_lowered:
.L_overlay_start_1:
0x0: {  	(tag) =	ssettag $0x1  }
0x1: {  	s4 =	rddreg [dreg:$0x0]  }
0x2: {  	s9 =	rddreg [dreg:$0x1]  }
0x3: {  	s0 =	rddreg [dreg:$0x2];
	s3 =	srdreg.scid  }
0x4: {  	s1 =	stileid.u32;
	s2 =	simm.s32 $0x0;
	s13 =	simm.s32 $0xC80  }
0x5: {  	s14 =	simm.s32 $0x1;
	s15 =	simm.s32 $0x4;
	s16 =	simm.s32 $0xD480  }
0x6: {  	s17 =	simm.s32 $0x2;
	s18 =	simm.s32 $0x19C80;
	s19 =	simm.s32 $0x0  }
0x7: {  	s3 =	sand.u32 $0x1, s3;
	s5 =	sshll.u32 s1, $0x1;
	[smem:$0x7FF] =	sst s2  }
0x8: {  	s8 =	sor.u32 s3, s5;
	_ =	strace $0x80000047;
	s31 =	ssub.s32 $0x2, s3  }
0x9: {  	s3 =	sadd.s32 $0x600, s4;
	s4 =	sadd.s32 $0xF42A00, s4;
	s6 =	smul.u32 $0x3200, s8  }
0xa: {  	s7 =	sshrl.u32 s31, $0x1;
	s11 =	sshll.u32 s8, $0x9;
	s12 =	sshll.u32 s8, $0xB  }
0xb: {  	s10 =	ssub.s32 s31, s7;
	s7 =	sor.u32 $0x10, s11;
	s8 =	sor.u32 $0x18, s11  }
0xc: {  	s9 =	sadd.s32 s9, s12;
	s11 =	simm.s32 $0x5;
	s5 =	sadd.s32 s3, s6  }
0xd: {  	s12 =	simm.s32 $0x640;
	s10 =	smax.u32 s10, $0x1;
	s6 =	sadd.s32 $0xC8, s5  }
.LBB2_1:
0xe: {  	[tilespmem:s2], [sflag:$0x5] =	stream.linear.gather [hbm4b:s5+s2], $0x640, $0x38;
	[tilespmem:$0x1DC80] =	vst v63  }
0xf: {  	_ =	swait.ge [sflag:s11], $0x640  }
0x10: {  	[sflag:s11] =	ssyncset.done $0x0  }
0x11: {  	[sflag:s11] =	ssyncadd.s32 $0xFFFFF9C0  }
0x12: {  	[tilespmem:s13], [sflag:$0x1] =	stream.indirect.gather [hbm4b:s4+s12], $0x20, s2, s12, $0xb8;
	[tilespmem:$0x1DC80] =	vst v63  }
0x13: {  	s20 =	simm.s32 $0x0  }
0x14: {  	[tilespmem:s12], [sflag:$0x4] =	stream.linear.gather [hbm4b:s6+s2], $0x640, $0x38;
	[tilespmem:$0x1DC80] =	vst v63  }
.LBB2_2:
0x15: {  	_ =	swait.ge [sflag:s14], $0xC800  }
0x16: {  	[sflag:s14] =	ssyncset.done $0x0  }
0x17: {  	p0 =	seq.s32 s20, $0x1F;
	[sflag:s14] =	ssyncadd.s32 $0xFFFF3800  }
0x18: {  	s22 =	sshll.u32 @!p0 s20, $0x4;
	_ =	swait.ge [sflag:s15], $0x640  }
0x19: {  	s21 =	sadd.s32 @!p0 s22, s7;
	[sflag:s15] =	ssyncset.done $0x0  }
0x1a: {  	s21 =	smul.u32 @!p0 $0x19, s21;
	[sflag:s15] =	ssyncadd.s32 $0xFFFFF9C0  }
0x1b: {  	[tilespmem:s16], [sflag:$0x2] =	stream.indirect.gather [hbm4b:s4+s12], $0x20, s12, s12, $0xb8;
	[tilespmem:$0x1DC80] =	vst v63  }
0x1c: {  	s31 =	simm.s32 $0xD00;
	s23 =	simm.s32 @!p0 $0x0;
	s21 =	sadd.s32 @!p0 s3, s21  }
0x1d: {  	[tilespmem:s23], [sflag:$0x3] =	stream.linear.gather @!p0 [hbm4b:s21+s23], $0x640, $0x38;
	[tilespmem:$0x1DC80] =	vst v63  }
0x1e: {  	v0 =	vld [tilespmem:s31+$0xFFFFFF80]  }
0x1f: {  	v1 =	vld [tilespmem:s31+$0xFFFFFF90]  }
0x20: {  	v2 =	vld [tilespmem:s31+$0xFFFFFFA0]  }
0x21: {  	v3 =	vld [tilespmem:s31+$0xFFFFFFB0]  }
0x22: {  	v4 =	vld [tilespmem:s31+$0xFFFFFFC0]  }
0x23: {  	v6 =	vimm.f32 $0.0e+00;
	v5 =	vld [tilespmem:s31+$0xFFFFFFD0]  }
0x24: {  	v7 =	vld [tilespmem:s31+$0xFFFFFFE0];
	v0 =	vadd.f32 v0, v6;
	v1 =	vadd.f32 v1, v6  }
0x25: {  	v6 =	vld [tilespmem:s31+$0xFFFFFFF0]  }
0x26: {  	v8 =	vld [tilespmem:s31+$0x0];
	v2 =	vadd.f32 v2, v0;
	v1 =	vadd.f32 v3, v1  }
0x27: {  	v9 =	vld [tilespmem:s31+$0x10]  }
0x28: {  	v0 =	vld [tilespmem:s31+$0x20];
	v2 =	vadd.f32 v4, v2;
	v4 =	vadd.f32 v5, v1  }
0x29: {  	v3 =	vld [tilespmem:s31+$0x30]  }
0x2a: {  	v1 =	vld [tilespmem:s31+$0x40];
	v5 =	vadd.f32 v7, v2;
	v7 =	vadd.f32 v6, v4  }
0x2b: {  	v4 =	vld [tilespmem:s31+$0x50]  }
0x2c: {  	v2 =	vld [tilespmem:s31+$0x60];
	v6 =	vadd.f32 v8, v5;
	v7 =	vadd.f32 v9, v7  }
0x2d: {  	s21 =	simm.s32 $0x0;
	s23 =	simm.s32 $0xE00;
	v5 =	vld [tilespmem:s31+$0x70]  }
.LBB2_3:
0x2e: {  	v8 =	vld [tilespmem:s23+$0xFFFFFF80];
	v0 =	vadd.f32 v0, v6;
	v3 =	vadd.f32 v3, v7  }
0x2f: {  	s21 =	sadd.s32 $0x8, s21;
	v6 =	vld [tilespmem:s23+$0xFFFFFF90]  }
0x30: {  	p1 =	slt.u32 s21, $0xC0;
	v7 =	vld [tilespmem:s23+$0xFFFFFFA0];
	v0 =	vadd.f32 v1, v0;
	v1 =	vadd.f32 v4, v3  }
0x31: {  	v3 =	vld [tilespmem:s23+$0xFFFFFFB0]  }
0x32: {  	v4 =	vld [tilespmem:s23+$0xFFFFFFC0];
	v0 =	vadd.f32 v2, v0;
	v1 =	vadd.f32 v5, v1  }
0x33: {  	v2 =	vld [tilespmem:s23+$0xFFFFFFD0]  }
0x34: {  	v0 =	vadd.f32 v8, v0;
	v1 =	vadd.f32 v6, v1;
	v5 =	vld [tilespmem:s23+$0xFFFFFFE0]  }
0x35: {  	v6 =	vld [tilespmem:s23+$0xFFFFFFF0]  }
0x36: {  	v0 =	vadd.f32 v7, v0;
	v1 =	vadd.f32 v3, v1;
	v7 =	vld [tilespmem:s23+$0x0]  }
0x37: {  	v8 =	vld [tilespmem:s23+$0x10]  }
0x38: {  	v4 =	vadd.f32 v4, v0;
	v1 =	vadd.f32 v2, v1;
	v0 =	vld [tilespmem:s23+$0x20]  }
.Ltmp0:
0x39: {  	v3 =	vld [tilespmem:s23+$0x30];
	(pc) =	sbr.rel @p1 .LBB2_3-.Ltmp0, $4  }
0x3a: {  	v2 =	vadd.f32 v5, v4;
	v5 =	vadd.f32 v6, v1;
	v1 =	vld [tilespmem:s23+$0x40]  }
0x3b: {  	v4 =	vld [tilespmem:s23+$0x50]  }
0x3c: {  	v6 =	vadd.f32 v7, v2;
	v7 =	vadd.f32 v8, v5;
	v2 =	vld [tilespmem:s23+$0x60]  }
0x3d: {  	v5 =	vld [tilespmem:s23+$0x70];
	s23 =	sadd.s32 $0x100, s23  }
0x3e: {  	v0 =	vadd.f32 v0, v6  }
0x3f: {  	v3 =	vadd.f32 v3, v7  }
0x40: {  	v0 =	vadd.f32 v1, v0  }
0x41: {  	v1 =	vadd.f32 v4, v3  }
0x42: {  	v0 =	vadd.f32 v2, v0  }
0x43: {  	v1 =	vadd.f32 v5, v1  }
0x44: {  	s21 =	sshll.u32 s20, $0x9;
	v0 =	vmul.f32 $4.999999890e-03, v0  }
0x45: {  	s21 =	sand.u32 $0x3FFFFE00, s21;
	v1 =	vmul.f32 $4.999999890e-03, v1  }
0x46: {  	[tilespmem:s21+$0x19C80] =	vst v0  }
0x47: {  	s24 =	simm.s32 $0x2670;
	[tilespmem:s21+$0x19C90] =	vst v1  }
0x48: {  	v0 =	vld [tilespmem:s24+$0xFFFFFF10]  }
0x49: {  	v1 =	vld [tilespmem:s24+$0xFFFFFF20]  }
0x4a: {  	v2 =	vld [tilespmem:s24+$0xFFFFFF30]  }
0x4b: {  	v3 =	vld [tilespmem:s24+$0xFFFFFF40]  }
0x4c: {  	v4 =	vld [tilespmem:s24+$0xFFFFFF50]  }
0x4d: {  	v6 =	vimm.f32 $0.0e+00;
	v5 =	vld [tilespmem:s24+$0xFFFFFF60]  }
0x4e: {  	v7 =	vld [tilespmem:s24+$0xFFFFFF70];
	v0 =	vadd.f32 v0, v6;
	v1 =	vadd.f32 v1, v6  }
0x4f: {  	v6 =	vld [tilespmem:s24+$0xFFFFFF80]  }
0x50: {  	v8 =	vld [tilespmem:s24+$0xFFFFFF90];
	v2 =	vadd.f32 v2, v0;
	v1 =	vadd.f32 v3, v1  }
0x51: {  	v9 =	vld [tilespmem:s24+$0xFFFFFFA0]  }
0x52: {  	v0 =	vld [tilespmem:s24+$0xFFFFFFB0];
	v2 =	vadd.f32 v4, v2;
	v4 =	vadd.f32 v5, v1  }
0x53: {  	v3 =	vld [tilespmem:s24+$0xFFFFFFC0]  }
0x54: {  	v1 =	vld [tilespmem:s24+$0xFFFFFFD0];
	v5 =	vadd.f32 v7, v2;
	v7 =	vadd.f32 v6, v4  }
0x55: {  	v4 =	vld [tilespmem:s24+$0xFFFFFFE0]  }
0x56: {  	v2 =	vld [tilespmem:s24+$0xFFFFFFF0];
	v6 =	vadd.f32 v8, v5;
	v7 =	vadd.f32 v9, v7  }
0x57: {  	s23 =	simm.s32 $0x0;
	v5 =	vld [tilespmem:s24+$0x0];
	s24 =	simm.s32 $0x2770  }
.LBB2_5:
0x58: {  	v8 =	vld [tilespmem:s24+$0xFFFFFF10];
	v0 =	vadd.f32 v0, v6;
	v3 =	vadd.f32 v3, v7  }
0x59: {  	s23 =	sadd.s32 $0x8, s23;
	v6 =	vld [tilespmem:s24+$0xFFFFFF20]  }
0x5a: {  	p1 =	slt.u32 s23, $0xC0;
	v7 =	vld [tilespmem:s24+$0xFFFFFF30];
	v0 =	vadd.f32 v1, v0;
	v1 =	vadd.f32 v4, v3  }
0x5b: {  	v3 =	vld [tilespmem:s24+$0xFFFFFF40]  }
0x5c: {  	v4 =	vld [tilespmem:s24+$0xFFFFFF50];
	v0 =	vadd.f32 v2, v0;
	v1 =	vadd.f32 v5, v1  }
0x5d: {  	v2 =	vld [tilespmem:s24+$0xFFFFFF60]  }
0x5e: {  	v0 =	vadd.f32 v8, v0;
	v1 =	vadd.f32 v6, v1;
	v5 =	vld [tilespmem:s24+$0xFFFFFF70]  }
0x5f: {  	v6 =	vld [tilespmem:s24+$0xFFFFFF80]  }
0x60: {  	v0 =	vadd.f32 v7, v0;
	v1 =	vadd.f32 v3, v1;
	v7 =	vld [tilespmem:s24+$0xFFFFFF90]  }
0x61: {  	v8 =	vld [tilespmem:s24+$0xFFFFFFA0]  }
0x62: {  	v4 =	vadd.f32 v4, v0;
	v1 =	vadd.f32 v2, v1;
	v0 =	vld [tilespmem:s24+$0xFFFFFFB0]  }
.Ltmp1:
0x63: {  	v3 =	vld [tilespmem:s24+$0xFFFFFFC0];
	(pc) =	sbr.rel @p1 .LBB2_5-.Ltmp1, $4  }
0x64: {  	v2 =	vadd.f32 v5, v4;
	v5 =	vadd.f32 v6, v1;
	v1 =	vld [tilespmem:s24+$0xFFFFFFD0]  }
0x65: {  	v4 =	vld [tilespmem:s24+$0xFFFFFFE0]  }
0x66: {  	v6 =	vadd.f32 v7, v2;
	v7 =	vadd.f32 v8, v5;
	v2 =	vld [tilespmem:s24+$0xFFFFFFF0]  }
0x67: {  	v5 =	vld [tilespmem:s24+$0x0];
	s24 =	sadd.s32 $0x100, s24  }
0x68: {  	v0 =	vadd.f32 v0, v6  }
0x69: {  	v3 =	vadd.f32 v3, v7  }
0x6a: {  	v0 =	vadd.f32 v1, v0  }
0x6b: {  	v1 =	vadd.f32 v4, v3  }
0x6c: {  	v0 =	vadd.f32 v2, v0  }
0x6d: {  	v1 =	vadd.f32 v5, v1  }
0x6e: {  	v0 =	vmul.f32 $4.999999890e-03, v0  }
0x6f: {  	v1 =	vmul.f32 $4.999999890e-03, v1  }
0x70: {  	[tilespmem:s21+$0x19CA0] =	vst v0  }
0x71: {  	s24 =	simm.s32 $0x3F70;
	[tilespmem:s21+$0x19CB0] =	vst v1  }
0x72: {  	v0 =	vld [tilespmem:s24+$0xFFFFFF10]  }
0x73: {  	v1 =	vld [tilespmem:s24+$0xFFFFFF20]  }
0x74: {  	v2 =	vld [tilespmem:s24+$0xFFFFFF30]  }
0x75: {  	v3 =	vld [tilespmem:s24+$0xFFFFFF40]  }
0x76: {  	v4 =	vld [tilespmem:s24+$0xFFFFFF50]  }
0x77: {  	v6 =	vimm.f32 $0.0e+00;
	v5 =	vld [tilespmem:s24+$0xFFFFFF60]  }
0x78: {  	v7 =	vld [tilespmem:s24+$0xFFFFFF70];
	v0 =	vadd.f32 v0, v6;
	v1 =	vadd.f32 v1, v6  }
0x79: {  	v6 =	vld [tilespmem:s24+$0xFFFFFF80]  }
0x7a: {  	v8 =	vld [tilespmem:s24+$0xFFFFFF90];
	v2 =	vadd.f32 v2, v0;
	v1 =	vadd.f32 v3, v1  }
0x7b: {  	v9 =	vld [tilespmem:s24+$0xFFFFFFA0]  }
0x7c: {  	v0 =	vld [tilespmem:s24+$0xFFFFFFB0];
	v2 =	vadd.f32 v4, v2;
	v4 =	vadd.f32 v5, v1  }
0x7d: {  	v3 =	vld [tilespmem:s24+$0xFFFFFFC0]  }
0x7e: {  	v1 =	vld [tilespmem:s24+$0xFFFFFFD0];
	v5 =	vadd.f32 v7, v2;
	v7 =	vadd.f32 v6, v4  }
0x7f: {  	v4 =	vld [tilespmem:s24+$0xFFFFFFE0]  }
0x80: {  	v2 =	vld [tilespmem:s24+$0xFFFFFFF0];
	v6 =	vadd.f32 v8, v5;
	v7 =	vadd.f32 v9, v7  }
0x81: {  	s23 =	simm.s32 $0x0;
	v5 =	vld [tilespmem:s24+$0x0];
	s24 =	simm.s32 $0x4070  }
.LBB2_7:
0x82: {  	v8 =	vld [tilespmem:s24+$0xFFFFFF10];
	v0 =	vadd.f32 v0, v6;
	v3 =	vadd.f32 v3, v7  }
0x83: {  	s23 =	sadd.s32 $0x8, s23;
	v6 =	vld [tilespmem:s24+$0xFFFFFF20]  }
0x84: {  	p1 =	slt.u32 s23, $0xC0;
	v7 =	vld [tilespmem:s24+$0xFFFFFF30];
	v0 =	vadd.f32 v1, v0;
	v1 =	vadd.f32 v4, v3  }
0x85: {  	v3 =	vld [tilespmem:s24+$0xFFFFFF40]  }
0x86: {  	v4 =	vld [tilespmem:s24+$0xFFFFFF50];
	v0 =	vadd.f32 v2, v0;
	v1 =	vadd.f32 v5, v1  }
0x87: {  	v2 =	vld [tilespmem:s24+$0xFFFFFF60]  }
0x88: {  	v0 =	vadd.f32 v8, v0;
	v1 =	vadd.f32 v6, v1;
	v5 =	vld [tilespmem:s24+$0xFFFFFF70]  }
0x89: {  	v6 =	vld [tilespmem:s24+$0xFFFFFF80]  }
0x8a: {  	v0 =	vadd.f32 v7, v0;
	v1 =	vadd.f32 v3, v1;
	v7 =	vld [tilespmem:s24+$0xFFFFFF90]  }
0x8b: {  	v8 =	vld [tilespmem:s24+$0xFFFFFFA0]  }
0x8c: {  	v4 =	vadd.f32 v4, v0;
	v1 =	vadd.f32 v2, v1;
	v0 =	vld [tilespmem:s24+$0xFFFFFFB0]  }
.Ltmp2:
0x8d: {  	v3 =	vld [tilespmem:s24+$0xFFFFFFC0];
	(pc) =	sbr.rel @p1 .LBB2_7-.Ltmp2, $4  }
0x8e: {  	v2 =	vadd.f32 v5, v4;
	v5 =	vadd.f32 v6, v1;
	v1 =	vld [tilespmem:s24+$0xFFFFFFD0]  }
0x8f: {  	v4 =	vld [tilespmem:s24+$0xFFFFFFE0]  }
0x90: {  	v6 =	vadd.f32 v7, v2;
	v7 =	vadd.f32 v8, v5;
	v2 =	vld [tilespmem:s24+$0xFFFFFFF0]  }
0x91: {  	v5 =	vld [tilespmem:s24+$0x0];
	s24 =	sadd.s32 $0x100, s24  }
0x92: {  	v0 =	vadd.f32 v0, v6  }
0x93: {  	v3 =	vadd.f32 v3, v7  }
0x94: {  	v0 =	vadd.f32 v1, v0  }
0x95: {  	v1 =	vadd.f32 v4, v3  }
0x96: {  	v0 =	vadd.f32 v2, v0  }
0x97: {  	v1 =	vadd.f32 v5, v1  }
0x98: {  	v0 =	vmul.f32 $4.999999890e-03, v0  }
0x99: {  	v1 =	vmul.f32 $4.999999890e-03, v1  }
0x9a: {  	[tilespmem:s21+$0x19CC0] =	vst v0  }
0x9b: {  	s24 =	simm.s32 $0x5780;
	[tilespmem:s21+$0x19CD0] =	vst v1  }
0x9c: {  	v0 =	vld [tilespmem:s24+$0x0]  }
0x9d: {  	v1 =	vld [tilespmem:s24+$0x10]  }
0x9e: {  	v2 =	vld [tilespmem:s24+$0x20]  }
0x9f: {  	v3 =	vld [tilespmem:s24+$0x30]  }
0xa0: {  	v4 =	vld [tilespmem:s24+$0x40]  }
0xa1: {  	v6 =	vimm.f32 $0.0e+00;
	v5 =	vld [tilespmem:s24+$0x50]  }
0xa2: {  	v7 =	vld [tilespmem:s24+$0x60];
	v0 =	vadd.f32 v0, v6;
	v1 =	vadd.f32 v1, v6  }
0xa3: {  	v6 =	vld [tilespmem:s24+$0x70]  }
0xa4: {  	v8 =	vld [tilespmem:s24+$0x80];
	v2 =	vadd.f32 v2, v0;
	v1 =	vadd.f32 v3, v1  }
0xa5: {  	v9 =	vld [tilespmem:s24+$0x90]  }
0xa6: {  	v0 =	vld [tilespmem:s24+$0xA0];
	v2 =	vadd.f32 v4, v2;
	v4 =	vadd.f32 v5, v1  }
0xa7: {  	v3 =	vld [tilespmem:s24+$0xB0]  }
0xa8: {  	v1 =	vld [tilespmem:s24+$0xC0];
	v5 =	vadd.f32 v7, v2;
	v7 =	vadd.f32 v6, v4  }
0xa9: {  	v4 =	vld [tilespmem:s24+$0xD0]  }
0xaa: {  	v2 =	vld [tilespmem:s24+$0xE0];
	v6 =	vadd.f32 v8, v5;
	v7 =	vadd.f32 v9, v7  }
0xab: {  	s23 =	simm.s32 $0x0;
	v5 =	vld [tilespmem:s24+$0xF0];
	s24 =	simm.s32 $0x5880  }
.LBB2_9:
0xac: {  	v8 =	vld [tilespmem:s24+$0x0];
	v0 =	vadd.f32 v0, v6;
	v3 =	vadd.f32 v3, v7  }
0xad: {  	s23 =	sadd.s32 $0x8, s23;
	v6 =	vld [tilespmem:s24+$0x10]  }
0xae: {  	p1 =	slt.u32 s23, $0xC0;
	v7 =	vld [tilespmem:s24+$0x20];
	v0 =	vadd.f32 v1, v0;
	v1 =	vadd.f32 v4, v3  }
0xaf: {  	v3 =	vld [tilespmem:s24+$0x30]  }
0xb0: {  	v4 =	vld [tilespmem:s24+$0x40];
	v0 =	vadd.f32 v2, v0;
	v1 =	vadd.f32 v5, v1  }
0xb1: {  	v2 =	vld [tilespmem:s24+$0x50]  }
0xb2: {  	v0 =	vadd.f32 v8, v0;
	v1 =	vadd.f32 v6, v1;
	v5 =	vld [tilespmem:s24+$0x60]  }
0xb3: {  	v6 =	vld [tilespmem:s24+$0x70]  }
0xb4: {  	v0 =	vadd.f32 v7, v0;
	v1 =	vadd.f32 v3, v1;
	v7 =	vld [tilespmem:s24+$0x80]  }
0xb5: {  	v8 =	vld [tilespmem:s24+$0x90]  }
0xb6: {  	v4 =	vadd.f32 v4, v0;
	v1 =	vadd.f32 v2, v1;
	v0 =	vld [tilespmem:s24+$0xA0]  }
.Ltmp3:
0xb7: {  	v3 =	vld [tilespmem:s24+$0xB0];
	(pc) =	sbr.rel @p1 .LBB2_9-.Ltmp3, $4  }
0xb8: {  	v2 =	vadd.f32 v5, v4;
	v5 =	vadd.f32 v6, v1;
	v1 =	vld [tilespmem:s24+$0xC0]  }
0xb9: {  	v4 =	vld [tilespmem:s24+$0xD0]  }
0xba: {  	v6 =	vadd.f32 v7, v2;
	v7 =	vadd.f32 v8, v5;
	v2 =	vld [tilespmem:s24+$0xE0]  }
0xbb: {  	v5 =	vld [tilespmem:s24+$0xF0];
	s24 =	sadd.s32 $0x100, s24  }
0xbc: {  	v0 =	vadd.f32 v0, v6  }
0xbd: {  	v3 =	vadd.f32 v3, v7  }
0xbe: {  	v0 =	vadd.f32 v1, v0  }
0xbf: {  	v1 =	vadd.f32 v4, v3  }
0xc0: {  	v0 =	vadd.f32 v2, v0  }
0xc1: {  	v1 =	vadd.f32 v5, v1  }
0xc2: {  	v0 =	vmul.f32 $4.999999890e-03, v0  }
0xc3: {  	v1 =	vmul.f32 $4.999999890e-03, v1  }
0xc4: {  	[tilespmem:s21+$0x19CE0] =	vst v0  }
0xc5: {  	s24 =	simm.s32 $0x7080;
	[tilespmem:s21+$0x19CF0] =	vst v1  }
0xc6: {  	v0 =	vld [tilespmem:s24+$0x0]  }
0xc7: {  	v1 =	vld [tilespmem:s24+$0x10]  }
0xc8: {  	v2 =	vld [tilespmem:s24+$0x20]  }
0xc9: {  	v3 =	vld [tilespmem:s24+$0x30]  }
0xca: {  	v4 =	vld [tilespmem:s24+$0x40]  }
0xcb: {  	v6 =	vimm.f32 $0.0e+00;
	v5 =	vld [tilespmem:s24+$0x50]  }
0xcc: {  	v7 =	vld [tilespmem:s24+$0x60];
	v0 =	vadd.f32 v0, v6;
	v1 =	vadd.f32 v1, v6  }
0xcd: {  	v6 =	vld [tilespmem:s24+$0x70]  }
0xce: {  	v8 =	vld [tilespmem:s24+$0x80];
	v2 =	vadd.f32 v2, v0;
	v1 =	vadd.f32 v3, v1  }
0xcf: {  	v9 =	vld [tilespmem:s24+$0x90]  }
0xd0: {  	v0 =	vld [tilespmem:s24+$0xA0];
	v2 =	vadd.f32 v4, v2;
	v4 =	vadd.f32 v5, v1  }
0xd1: {  	v3 =	vld [tilespmem:s24+$0xB0]  }
0xd2: {  	v1 =	vld [tilespmem:s24+$0xC0];
	v5 =	vadd.f32 v7, v2;
	v7 =	vadd.f32 v6, v4  }
0xd3: {  	v4 =	vld [tilespmem:s24+$0xD0]  }
0xd4: {  	v2 =	vld [tilespmem:s24+$0xE0];
	v6 =	vadd.f32 v8, v5;
	v7 =	vadd.f32 v9, v7  }
0xd5: {  	s23 =	simm.s32 $0x0;
	v5 =	vld [tilespmem:s24+$0xF0];
	s24 =	simm.s32 $0x7180  }
.LBB2_11:
0xd6: {  	v8 =	vld [tilespmem:s24+$0x0];
	v0 =	vadd.f32 v0, v6;
	v3 =	vadd.f32 v3, v7  }
0xd7: {  	s23 =	sadd.s32 $0x8, s23;
	v6 =	vld [tilespmem:s24+$0x10]  }
0xd8: {  	p1 =	slt.u32 s23, $0xC0;
	v7 =	vld [tilespmem:s24+$0x20];
	v0 =	vadd.f32 v1, v0;
	v1 =	vadd.f32 v4, v3  }
0xd9: {  	v3 =	vld [tilespmem:s24+$0x30]  }
0xda: {  	v4 =	vld [tilespmem:s24+$0x40];
	v0 =	vadd.f32 v2, v0;
	v1 =	vadd.f32 v5, v1  }
0xdb: {  	v2 =	vld [tilespmem:s24+$0x50]  }
0xdc: {  	v0 =	vadd.f32 v8, v0;
	v1 =	vadd.f32 v6, v1;
	v5 =	vld [tilespmem:s24+$0x60]  }
0xdd: {  	v6 =	vld [tilespmem:s24+$0x70]  }
0xde: {  	v0 =	vadd.f32 v7, v0;
	v1 =	vadd.f32 v3, v1;
	v7 =	vld [tilespmem:s24+$0x80]  }
0xdf: {  	v8 =	vld [tilespmem:s24+$0x90]  }
0xe0: {  	v4 =	vadd.f32 v4, v0;
	v1 =	vadd.f32 v2, v1;
	v0 =	vld [tilespmem:s24+$0xA0]  }
.Ltmp4:
0xe1: {  	v3 =	vld [tilespmem:s24+$0xB0];
	(pc) =	sbr.rel @p1 .LBB2_11-.Ltmp4, $4  }
0xe2: {  	v2 =	vadd.f32 v5, v4;
	v5 =	vadd.f32 v6, v1;
	v1 =	vld [tilespmem:s24+$0xC0]  }
0xe3: {  	v4 =	vld [tilespmem:s24+$0xD0]  }
0xe4: {  	v6 =	vadd.f32 v7, v2;
	v7 =	vadd.f32 v8, v5;
	v2 =	vld [tilespmem:s24+$0xE0]  }
0xe5: {  	v5 =	vld [tilespmem:s24+$0xF0];
	s24 =	sadd.s32 $0x100, s24  }
0xe6: {  	v0 =	vadd.f32 v0, v6  }
0xe7: {  	v3 =	vadd.f32 v3, v7  }
0xe8: {  	v0 =	vadd.f32 v1, v0  }
0xe9: {  	v1 =	vadd.f32 v4, v3  }
0xea: {  	v0 =	vadd.f32 v2, v0  }
0xeb: {  	v1 =	vadd.f32 v5, v1  }
0xec: {  	v0 =	vmul.f32 $4.999999890e-03, v0  }
0xed: {  	v1 =	vmul.f32 $4.999999890e-03, v1  }
0xee: {  	[tilespmem:s21+$0x19D00] =	vst v0  }
0xef: {  	s24 =	simm.s32 $0x8980;
	[tilespmem:s21+$0x19D10] =	vst v1  }
0xf0: {  	v0 =	vld [tilespmem:s24+$0x0]  }
0xf1: {  	v1 =	vld [tilespmem:s24+$0x10]  }
0xf2: {  	v2 =	vld [tilespmem:s24+$0x20]  }
0xf3: {  	v3 =	vld [tilespmem:s24+$0x30]  }
0xf4: {  	v4 =	vld [tilespmem:s24+$0x40]  }
0xf5: {  	v6 =	vimm.f32 $0.0e+00;
	v5 =	vld [tilespmem:s24+$0x50]  }
0xf6: {  	v7 =	vld [tilespmem:s24+$0x60];
	v0 =	vadd.f32 v0, v6;
	v1 =	vadd.f32 v1, v6  }
0xf7: {  	v6 =	vld [tilespmem:s24+$0x70]  }
0xf8: {  	v8 =	vld [tilespmem:s24+$0x80];
	v2 =	vadd.f32 v2, v0;
	v1 =	vadd.f32 v3, v1  }
0xf9: {  	v9 =	vld [tilespmem:s24+$0x90]  }
0xfa: {  	v0 =	vld [tilespmem:s24+$0xA0];
	v2 =	vadd.f32 v4, v2;
	v4 =	vadd.f32 v5, v1  }
0xfb: {  	v3 =	vld [tilespmem:s24+$0xB0]  }
0xfc: {  	v1 =	vld [tilespmem:s24+$0xC0];
	v5 =	vadd.f32 v7, v2;
	v7 =	vadd.f32 v6, v4  }
0xfd: {  	v4 =	vld [tilespmem:s24+$0xD0]  }
0xfe: {  	v2 =	vld [tilespmem:s24+$0xE0];
	v6 =	vadd.f32 v8, v5;
	v7 =	vadd.f32 v9, v7  }
0xff: {  	s23 =	simm.s32 $0x0;
	v5 =	vld [tilespmem:s24+$0xF0];
	s24 =	simm.s32 $0x8A80  }
.LBB2_13:
0x100: {  	v8 =	vld [tilespmem:s24+$0x0];
	v0 =	vadd.f32 v0, v6;
	v3 =	vadd.f32 v3, v7  }
0x101: {  	s23 =	sadd.s32 $0x8, s23;
	v6 =	vld [tilespmem:s24+$0x10]  }
0x102: {  	p1 =	slt.u32 s23, $0xC0;
	v7 =	vld [tilespmem:s24+$0x20];
	v0 =	vadd.f32 v1, v0;
	v1 =	vadd.f32 v4, v3  }
0x103: {  	v3 =	vld [tilespmem:s24+$0x30]  }
0x104: {  	v4 =	vld [tilespmem:s24+$0x40];
	v0 =	vadd.f32 v2, v0;
	v1 =	vadd.f32 v5, v1  }
0x105: {  	v2 =	vld [tilespmem:s24+$0x50]  }
0x106: {  	v0 =	vadd.f32 v8, v0;
	v1 =	vadd.f32 v6, v1;
	v5 =	vld [tilespmem:s24+$0x60]  }
0x107: {  	v6 =	vld [tilespmem:s24+$0x70]  }
0x108: {  	v0 =	vadd.f32 v7, v0;
	v1 =	vadd.f32 v3, v1;
	v7 =	vld [tilespmem:s24+$0x80]  }
0x109: {  	v8 =	vld [tilespmem:s24+$0x90]  }
0x10a: {  	v4 =	vadd.f32 v4, v0;
	v1 =	vadd.f32 v2, v1;
	v0 =	vld [tilespmem:s24+$0xA0]  }
.Ltmp5:
0x10b: {  	v3 =	vld [tilespmem:s24+$0xB0];
	(pc) =	sbr.rel @p1 .LBB2_13-.Ltmp5, $4  }
0x10c: {  	v2 =	vadd.f32 v5, v4;
	v5 =	vadd.f32 v6, v1;
	v1 =	vld [tilespmem:s24+$0xC0]  }
0x10d: {  	v4 =	vld [tilespmem:s24+$0xD0]  }
0x10e: {  	v6 =	vadd.f32 v7, v2;
	v7 =	vadd.f32 v8, v5;
	v2 =	vld [tilespmem:s24+$0xE0]  }
0x10f: {  	v5 =	vld [tilespmem:s24+$0xF0];
	s24 =	sadd.s32 $0x100, s24  }
0x110: {  	v0 =	vadd.f32 v0, v6  }
0x111: {  	v3 =	vadd.f32 v3, v7  }
0x112: {  	v0 =	vadd.f32 v1, v0  }
0x113: {  	v1 =	vadd.f32 v4, v3  }
0x114: {  	v0 =	vadd.f32 v2, v0  }
0x115: {  	v1 =	vadd.f32 v5, v1  }
0x116: {  	v0 =	vmul.f32 $4.999999890e-03, v0  }
0x117: {  	v1 =	vmul.f32 $4.999999890e-03, v1  }
0x118: {  	[tilespmem:s21+$0x19D20] =	vst v0  }
0x119: {  	s24 =	simm.s32 $0xA280;
	[tilespmem:s21+$0x19D30] =	vst v1  }
0x11a: {  	v0 =	vld [tilespmem:s24+$0x0]  }
0x11b: {  	v1 =	vld [tilespmem:s24+$0x10]  }
0x11c: {  	v2 =	vld [tilespmem:s24+$0x20]  }
0x11d: {  	v3 =	vld [tilespmem:s24+$0x30]  }
0x11e: {  	v4 =	vld [tilespmem:s24+$0x40]  }
0x11f: {  	v6 =	vimm.f32 $0.0e+00;
	v5 =	vld [tilespmem:s24+$0x50]  }
0x120: {  	v7 =	vld [tilespmem:s24+$0x60];
	v0 =	vadd.f32 v0, v6;
	v1 =	vadd.f32 v1, v6  }
0x121: {  	v6 =	vld [tilespmem:s24+$0x70]  }
0x122: {  	v8 =	vld [tilespmem:s24+$0x80];
	v2 =	vadd.f32 v2, v0;
	v1 =	vadd.f32 v3, v1  }
0x123: {  	v9 =	vld [tilespmem:s24+$0x90]  }
0x124: {  	v0 =	vld [tilespmem:s24+$0xA0];
	v2 =	vadd.f32 v4, v2;
	v4 =	vadd.f32 v5, v1  }
0x125: {  	v3 =	vld [tilespmem:s24+$0xB0]  }
0x126: {  	v1 =	vld [tilespmem:s24+$0xC0];
	v5 =	vadd.f32 v7, v2;
	v7 =	vadd.f32 v6, v4  }
0x127: {  	v4 =	vld [tilespmem:s24+$0xD0]  }
0x128: {  	v2 =	vld [tilespmem:s24+$0xE0];
	v6 =	vadd.f32 v8, v5;
	v7 =	vadd.f32 v9, v7  }
0x129: {  	s23 =	simm.s32 $0x0;
	v5 =	vld [tilespmem:s24+$0xF0];
	s24 =	simm.s32 $0xA380  }
.LBB2_15:
0x12a: {  	v8 =	vld [tilespmem:s24+$0x0];
	v0 =	vadd.f32 v0, v6;
	v3 =	vadd.f32 v3, v7  }
0x12b: {  	s23 =	sadd.s32 $0x8, s23;
	v6 =	vld [tilespmem:s24+$0x10]  }
0x12c: {  	p1 =	slt.u32 s23, $0xC0;
	v7 =	vld [tilespmem:s24+$0x20];
	v0 =	vadd.f32 v1, v0;
	v1 =	vadd.f32 v4, v3  }
0x12d: {  	v3 =	vld [tilespmem:s24+$0x30]  }
0x12e: {  	v4 =	vld [tilespmem:s24+$0x40];
	v0 =	vadd.f32 v2, v0;
	v1 =	vadd.f32 v5, v1  }
0x12f: {  	v2 =	vld [tilespmem:s24+$0x50]  }
0x130: {  	v0 =	vadd.f32 v8, v0;
	v1 =	vadd.f32 v6, v1;
	v5 =	vld [tilespmem:s24+$0x60]  }
0x131: {  	v6 =	vld [tilespmem:s24+$0x70]  }
0x132: {  	v0 =	vadd.f32 v7, v0;
	v1 =	vadd.f32 v3, v1;
	v7 =	vld [tilespmem:s24+$0x80]  }
0x133: {  	v8 =	vld [tilespmem:s24+$0x90]  }
0x134: {  	v4 =	vadd.f32 v4, v0;
	v1 =	vadd.f32 v2, v1;
	v0 =	vld [tilespmem:s24+$0xA0]  }
.Ltmp6:
0x135: {  	v3 =	vld [tilespmem:s24+$0xB0];
	(pc) =	sbr.rel @p1 .LBB2_15-.Ltmp6, $4  }
0x136: {  	v2 =	vadd.f32 v5, v4;
	v5 =	vadd.f32 v6, v1;
	v1 =	vld [tilespmem:s24+$0xC0]  }
0x137: {  	v4 =	vld [tilespmem:s24+$0xD0]  }
0x138: {  	v6 =	vadd.f32 v7, v2;
	v7 =	vadd.f32 v8, v5;
	v2 =	vld [tilespmem:s24+$0xE0]  }
0x139: {  	v5 =	vld [tilespmem:s24+$0xF0];
	s24 =	sadd.s32 $0x100, s24  }
0x13a: {  	v0 =	vadd.f32 v0, v6  }
0x13b: {  	v3 =	vadd.f32 v3, v7  }
0x13c: {  	v0 =	vadd.f32 v1, v0  }
0x13d: {  	v1 =	vadd.f32 v4, v3  }
0x13e: {  	v0 =	vadd.f32 v2, v0  }
0x13f: {  	v1 =	vadd.f32 v5, v1  }
0x140: {  	v0 =	vmul.f32 $4.999999890e-03, v0  }
0x141: {  	v1 =	vmul.f32 $4.999999890e-03, v1  }
0x142: {  	[tilespmem:s21+$0x19D40] =	vst v0  }
0x143: {  	s24 =	simm.s32 $0xBB80;
	[tilespmem:s21+$0x19D50] =	vst v1  }
0x144: {  	v0 =	vld [tilespmem:s24+$0x0]  }
0x145: {  	v1 =	vld [tilespmem:s24+$0x10]  }
0x146: {  	v2 =	vld [tilespmem:s24+$0x20]  }
0x147: {  	v3 =	vld [tilespmem:s24+$0x30]  }
0x148: {  	v4 =	vld [tilespmem:s24+$0x40]  }
0x149: {  	v6 =	vimm.f32 $0.0e+00;
	v5 =	vld [tilespmem:s24+$0x50]  }
0x14a: {  	v7 =	vld [tilespmem:s24+$0x60];
	v0 =	vadd.f32 v0, v6;
	v1 =	vadd.f32 v1, v6  }
0x14b: {  	v6 =	vld [tilespmem:s24+$0x70]  }
0x14c: {  	v8 =	vld [tilespmem:s24+$0x80];
	v2 =	vadd.f32 v2, v0;
	v1 =	vadd.f32 v3, v1  }
0x14d: {  	v9 =	vld [tilespmem:s24+$0x90]  }
0x14e: {  	v0 =	vld [tilespmem:s24+$0xA0];
	v2 =	vadd.f32 v4, v2;
	v4 =	vadd.f32 v5, v1  }
0x14f: {  	v3 =	vld [tilespmem:s24+$0xB0]  }
0x150: {  	v1 =	vld [tilespmem:s24+$0xC0];
	v5 =	vadd.f32 v7, v2;
	v7 =	vadd.f32 v6, v4  }
0x151: {  	v4 =	vld [tilespmem:s24+$0xD0]  }
0x152: {  	v2 =	vld [tilespmem:s24+$0xE0];
	v6 =	vadd.f32 v8, v5;
	v7 =	vadd.f32 v9, v7  }
0x153: {  	s23 =	simm.s32 $0x0;
	v5 =	vld [tilespmem:s24+$0xF0];
	s24 =	simm.s32 $0xBC80  }
.LBB2_17:
0x154: {  	v8 =	vld [tilespmem:s24+$0x0];
	v0 =	vadd.f32 v0, v6;
	v3 =	vadd.f32 v3, v7  }
0x155: {  	s23 =	sadd.s32 $0x8, s23;
	v6 =	vld [tilespmem:s24+$0x10]  }
0x156: {  	p1 =	slt.u32 s23, $0xC0;
	v7 =	vld [tilespmem:s24+$0x20];
	v0 =	vadd.f32 v1, v0;
	v1 =	vadd.f32 v4, v3  }
0x157: {  	v3 =	vld [tilespmem:s24+$0x30]  }
0x158: {  	v4 =	vld [tilespmem:s24+$0x40];
	v0 =	vadd.f32 v2, v0;
	v1 =	vadd.f32 v5, v1  }
0x159: {  	v2 =	vld [tilespmem:s24+$0x50]  }
0x15a: {  	v0 =	vadd.f32 v8, v0;
	v1 =	vadd.f32 v6, v1;
	v5 =	vld [tilespmem:s24+$0x60]  }
0x15b: {  	v6 =	vld [tilespmem:s24+$0x70]  }
0x15c: {  	v0 =	vadd.f32 v7, v0;
	v1 =	vadd.f32 v3, v1;
	v7 =	vld [tilespmem:s24+$0x80]  }
0x15d: {  	v8 =	vld [tilespmem:s24+$0x90]  }
0x15e: {  	v4 =	vadd.f32 v4, v0;
	v1 =	vadd.f32 v2, v1;
	v0 =	vld [tilespmem:s24+$0xA0]  }
.Ltmp7:
0x15f: {  	v3 =	vld [tilespmem:s24+$0xB0];
	(pc) =	sbr.rel @p1 .LBB2_17-.Ltmp7, $4  }
0x160: {  	v2 =	vadd.f32 v5, v4;
	v5 =	vadd.f32 v6, v1;
	v1 =	vld [tilespmem:s24+$0xC0]  }
0x161: {  	v4 =	vld [tilespmem:s24+$0xD0]  }
0x162: {  	v6 =	vadd.f32 v7, v2;
	v7 =	vadd.f32 v8, v5;
	v2 =	vld [tilespmem:s24+$0xE0]  }
0x163: {  	v5 =	vld [tilespmem:s24+$0xF0];
	s24 =	sadd.s32 $0x100, s24  }
0x164: {  	v0 =	vadd.f32 v0, v6  }
0x165: {  	v3 =	vadd.f32 v3, v7  }
0x166: {  	v0 =	vadd.f32 v1, v0  }
0x167: {  	v1 =	vadd.f32 v4, v3  }
0x168: {  	v0 =	vadd.f32 v2, v0  }
0x169: {  	v1 =	vadd.f32 v5, v1  }
0x16a: {  	v0 =	vmul.f32 $4.999999890e-03, v0  }
0x16b: {  	v1 =	vmul.f32 $4.999999890e-03, v1  }
0x16c: {  	[tilespmem:s21+$0x19D60] =	vst v0  }
0x16d: {  	[tilespmem:s21+$0x19D70] =	vst v1  }
0x16e: {  	_ =	swait.ge [sflag:s17], $0xC800  }
0x16f: {  	[sflag:s17] =	ssyncset.done $0x0  }
0x170: {  	s23 =	simm.s32 @!p0 $0x3;
	[sflag:s17] =	ssyncadd.s32 $0xFFFF3800  }
0x171: {  	s22 =	sadd.s32 @!p0 s22, s8;
	_ =	swait.ge @!p0 [sflag:s23], $0x640  }
0x172: {  	s24 =	simm.s32 @!p0 $0x0;
	s25 =	simm.s32 @!p0 $0xC80;
	[sflag:s23] =	ssyncset.done @!p0 $0x0  }
0x173: {  	s22 =	smul.u32 @!p0 $0x19, s22;
	[sflag:s23] =	ssyncadd.s32 @!p0 $0xFFFFF9C0;
	s23 =	simm.s32 @!p0 $0x640  }
0x174: {  	[tilespmem:s25], [sflag:$0x1] =	stream.indirect.gather @!p0 [hbm4b:s4+s23], $0x20, s24, s23, $0xb8;
	[tilespmem:$0x1DC80] =	vst v63  }
0x175: {  	s31 =	simm.s32 $0xD500;
	s22 =	sadd.s32 @!p0 s3, s22  }
0x176: {  	[tilespmem:s23], [sflag:$0x4] =	stream.linear.gather @!p0 [hbm4b:s22+s24], $0x640, $0x38;
	[tilespmem:$0x1DC80] =	vst v63  }
0x177: {  	v0 =	vld [tilespmem:s31+$0xFFFFFF80]  }
0x178: {  	v1 =	vld [tilespmem:s31+$0xFFFFFF90]  }
0x179: {  	v2 =	vld [tilespmem:s31+$0xFFFFFFA0]  }
0x17a: {  	v3 =	vld [tilespmem:s31+$0xFFFFFFB0]  }
0x17b: {  	v4 =	vld [tilespmem:s31+$0xFFFFFFC0]  }
0x17c: {  	v6 =	vimm.f32 $0.0e+00;
	v5 =	vld [tilespmem:s31+$0xFFFFFFD0]  }
0x17d: {  	v7 =	vld [tilespmem:s31+$0xFFFFFFE0];
	v0 =	vadd.f32 v0, v6;
	v1 =	vadd.f32 v1, v6  }
0x17e: {  	v6 =	vld [tilespmem:s31+$0xFFFFFFF0]  }
0x17f: {  	v8 =	vld [tilespmem:s31+$0x0];
	v2 =	vadd.f32 v2, v0;
	v1 =	vadd.f32 v3, v1  }
0x180: {  	v9 =	vld [tilespmem:s31+$0x10]  }
0x181: {  	v0 =	vld [tilespmem:s31+$0x20];
	v2 =	vadd.f32 v4, v2;
	v4 =	vadd.f32 v5, v1  }
0x182: {  	v3 =	vld [tilespmem:s31+$0x30]  }
0x183: {  	v1 =	vld [tilespmem:s31+$0x40];
	v5 =	vadd.f32 v7, v2;
	v7 =	vadd.f32 v6, v4  }
0x184: {  	v4 =	vld [tilespmem:s31+$0x50]  }
0x185: {  	v2 =	vld [tilespmem:s31+$0x60];
	v6 =	vadd.f32 v8, v5;
	v7 =	vadd.f32 v9, v7  }
0x186: {  	s22 =	simm.s32 $0x0;
	s23 =	simm.s32 $0xD600;
	v5 =	vld [tilespmem:s31+$0x70]  }
.LBB2_19:
0x187: {  	v8 =	vld [tilespmem:s23+$0xFFFFFF80];
	v0 =	vadd.f32 v0, v6;
	v3 =	vadd.f32 v3, v7  }
0x188: {  	s22 =	sadd.s32 $0x8, s22;
	v6 =	vld [tilespmem:s23+$0xFFFFFF90]  }
0x189: {  	p0 =	slt.u32 s22, $0xC0;
	v7 =	vld [tilespmem:s23+$0xFFFFFFA0];
	v0 =	vadd.f32 v1, v0;
	v1 =	vadd.f32 v4, v3  }
0x18a: {  	v3 =	vld [tilespmem:s23+$0xFFFFFFB0]  }
0x18b: {  	v4 =	vld [tilespmem:s23+$0xFFFFFFC0];
	v0 =	vadd.f32 v2, v0;
	v1 =	vadd.f32 v5, v1  }
0x18c: {  	v2 =	vld [tilespmem:s23+$0xFFFFFFD0]  }
0x18d: {  	v0 =	vadd.f32 v8, v0;
	v1 =	vadd.f32 v6, v1;
	v5 =	vld [tilespmem:s23+$0xFFFFFFE0]  }
0x18e: {  	v6 =	vld [tilespmem:s23+$0xFFFFFFF0]  }
0x18f: {  	v0 =	vadd.f32 v7, v0;
	v1 =	vadd.f32 v3, v1;
	v7 =	vld [tilespmem:s23+$0x0]  }
0x190: {  	v8 =	vld [tilespmem:s23+$0x10]  }
0x191: {  	v4 =	vadd.f32 v4, v0;
	v1 =	vadd.f32 v2, v1;
	v0 =	vld [tilespmem:s23+$0x20]  }
.Ltmp8:
0x192: {  	v3 =	vld [tilespmem:s23+$0x30];
	(pc) =	sbr.rel @p0 .LBB2_19-.Ltmp8, $4  }
0x193: {  	v2 =	vadd.f32 v5, v4;
	v5 =	vadd.f32 v6, v1;
	v1 =	vld [tilespmem:s23+$0x40]  }
0x194: {  	v4 =	vld [tilespmem:s23+$0x50]  }
0x195: {  	v6 =	vadd.f32 v7, v2;
	v7 =	vadd.f32 v8, v5;
	v2 =	vld [tilespmem:s23+$0x60]  }
0x196: {  	v5 =	vld [tilespmem:s23+$0x70];
	s23 =	sadd.s32 $0x100, s23  }
0x197: {  	v0 =	vadd.f32 v0, v6  }
0x198: {  	v3 =	vadd.f32 v3, v7  }
0x199: {  	v0 =	vadd.f32 v1, v0  }
0x19a: {  	v1 =	vadd.f32 v4, v3  }
0x19b: {  	v0 =	vadd.f32 v2, v0  }
0x19c: {  	v1 =	vadd.f32 v5, v1  }
0x19d: {  	v0 =	vmul.f32 $4.999999890e-03, v0  }
0x19e: {  	v1 =	vmul.f32 $4.999999890e-03, v1  }
0x19f: {  	[tilespmem:s21+$0x19D80] =	vst v0  }
0x1a0: {  	s23 =	simm.s32 $0xEE70;
	[tilespmem:s21+$0x19D90] =	vst v1  }
0x1a1: {  	v0 =	vld [tilespmem:s23+$0xFFFFFF10]  }
0x1a2: {  	v1 =	vld [tilespmem:s23+$0xFFFFFF20]  }
0x1a3: {  	v2 =	vld [tilespmem:s23+$0xFFFFFF30]  }
0x1a4: {  	v3 =	vld [tilespmem:s23+$0xFFFFFF40]  }
0x1a5: {  	v4 =	vld [tilespmem:s23+$0xFFFFFF50]  }
0x1a6: {  	v6 =	vimm.f32 $0.0e+00;
	v5 =	vld [tilespmem:s23+$0xFFFFFF60]  }
0x1a7: {  	v7 =	vld [tilespmem:s23+$0xFFFFFF70];
	v0 =	vadd.f32 v0, v6;
	v1 =	vadd.f32 v1, v6  }
0x1a8: {  	v6 =	vld [tilespmem:s23+$0xFFFFFF80]  }
0x1a9: {  	v8 =	vld [tilespmem:s23+$0xFFFFFF90];
	v2 =	vadd.f32 v2, v0;
	v1 =	vadd.f32 v3, v1  }
0x1aa: {  	v9 =	vld [tilespmem:s23+$0xFFFFFFA0]  }
0x1ab: {  	v0 =	vld [tilespmem:s23+$0xFFFFFFB0];
	v2 =	vadd.f32 v4, v2;
	v4 =	vadd.f32 v5, v1  }
0x1ac: {  	v3 =	vld [tilespmem:s23+$0xFFFFFFC0]  }
0x1ad: {  	v1 =	vld [tilespmem:s23+$0xFFFFFFD0];
	v5 =	vadd.f32 v7, v2;
	v7 =	vadd.f32 v6, v4  }
0x1ae: {  	v4 =	vld [tilespmem:s23+$0xFFFFFFE0]  }
0x1af: {  	v2 =	vld [tilespmem:s23+$0xFFFFFFF0];
	v6 =	vadd.f32 v8, v5;
	v7 =	vadd.f32 v9, v7  }
0x1b0: {  	s22 =	simm.s32 $0x0;
	v5 =	vld [tilespmem:s23+$0x0];
	s23 =	simm.s32 $0xEF70  }
.LBB2_21:
0x1b1: {  	v8 =	vld [tilespmem:s23+$0xFFFFFF10];
	v0 =	vadd.f32 v0, v6;
	v3 =	vadd.f32 v3, v7  }
0x1b2: {  	s22 =	sadd.s32 $0x8, s22;
	v6 =	vld [tilespmem:s23+$0xFFFFFF20]  }
0x1b3: {  	p0 =	slt.u32 s22, $0xC0;
	v7 =	vld [tilespmem:s23+$0xFFFFFF30];
	v0 =	vadd.f32 v1, v0;
	v1 =	vadd.f32 v4, v3  }
0x1b4: {  	v3 =	vld [tilespmem:s23+$0xFFFFFF40]  }
0x1b5: {  	v4 =	vld [tilespmem:s23+$0xFFFFFF50];
	v0 =	vadd.f32 v2, v0;
	v1 =	vadd.f32 v5, v1  }
0x1b6: {  	v2 =	vld [tilespmem:s23+$0xFFFFFF60]  }
0x1b7: {  	v0 =	vadd.f32 v8, v0;
	v1 =	vadd.f32 v6, v1;
	v5 =	vld [tilespmem:s23+$0xFFFFFF70]  }
0x1b8: {  	v6 =	vld [tilespmem:s23+$0xFFFFFF80]  }
0x1b9: {  	v0 =	vadd.f32 v7, v0;
	v1 =	vadd.f32 v3, v1;
	v7 =	vld [tilespmem:s23+$0xFFFFFF90]  }
0x1ba: {  	v8 =	vld [tilespmem:s23+$0xFFFFFFA0]  }
0x1bb: {  	v4 =	vadd.f32 v4, v0;
	v1 =	vadd.f32 v2, v1;
	v0 =	vld [tilespmem:s23+$0xFFFFFFB0]  }
.Ltmp9:
0x1bc: {  	v3 =	vld [tilespmem:s23+$0xFFFFFFC0];
	(pc) =	sbr.rel @p0 .LBB2_21-.Ltmp9, $4  }
0x1bd: {  	v2 =	vadd.f32 v5, v4;
	v5 =	vadd.f32 v6, v1;
	v1 =	vld [tilespmem:s23+$0xFFFFFFD0]  }
0x1be: {  	v4 =	vld [tilespmem:s23+$0xFFFFFFE0]  }
0x1bf: {  	v6 =	vadd.f32 v7, v2;
	v7 =	vadd.f32 v8, v5;
	v2 =	vld [tilespmem:s23+$0xFFFFFFF0]  }
0x1c0: {  	v5 =	vld [tilespmem:s23+$0x0];
	s23 =	sadd.s32 $0x100, s23  }
0x1c1: {  	v0 =	vadd.f32 v0, v6  }
0x1c2: {  	v3 =	vadd.f32 v3, v7  }
0x1c3: {  	v0 =	vadd.f32 v1, v0  }
0x1c4: {  	v1 =	vadd.f32 v4, v3  }
0x1c5: {  	v0 =	vadd.f32 v2, v0  }
0x1c6: {  	v1 =	vadd.f32 v5, v1  }
0x1c7: {  	v0 =	vmul.f32 $4.999999890e-03, v0  }
0x1c8: {  	v1 =	vmul.f32 $4.999999890e-03, v1  }
0x1c9: {  	[tilespmem:s21+$0x19DA0] =	vst v0  }
0x1ca: {  	s23 =	simm.s32 $0x10770;
	[tilespmem:s21+$0x19DB0] =	vst v1  }
0x1cb: {  	v0 =	vld [tilespmem:s23+$0xFFFFFF10]  }
0x1cc: {  	v1 =	vld [tilespmem:s23+$0xFFFFFF20]  }
0x1cd: {  	v2 =	vld [tilespmem:s23+$0xFFFFFF30]  }
0x1ce: {  	v3 =	vld [tilespmem:s23+$0xFFFFFF40]  }
0x1cf: {  	v4 =	vld [tilespmem:s23+$0xFFFFFF50]  }
0x1d0: {  	v6 =	vimm.f32 $0.0e+00;
	v5 =	vld [tilespmem:s23+$0xFFFFFF60]  }
0x1d1: {  	v7 =	vld [tilespmem:s23+$0xFFFFFF70];
	v0 =	vadd.f32 v0, v6;
	v1 =	vadd.f32 v1, v6  }
0x1d2: {  	v6 =	vld [tilespmem:s23+$0xFFFFFF80]  }
0x1d3: {  	v8 =	vld [tilespmem:s23+$0xFFFFFF90];
	v2 =	vadd.f32 v2, v0;
	v1 =	vadd.f32 v3, v1  }
0x1d4: {  	v9 =	vld [tilespmem:s23+$0xFFFFFFA0]  }
0x1d5: {  	v0 =	vld [tilespmem:s23+$0xFFFFFFB0];
	v2 =	vadd.f32 v4, v2;
	v4 =	vadd.f32 v5, v1  }
0x1d6: {  	v3 =	vld [tilespmem:s23+$0xFFFFFFC0]  }
0x1d7: {  	v1 =	vld [tilespmem:s23+$0xFFFFFFD0];
	v5 =	vadd.f32 v7, v2;
	v7 =	vadd.f32 v6, v4  }
0x1d8: {  	v4 =	vld [tilespmem:s23+$0xFFFFFFE0]  }
0x1d9: {  	v2 =	vld [tilespmem:s23+$0xFFFFFFF0];
	v6 =	vadd.f32 v8, v5;
	v7 =	vadd.f32 v9, v7  }
0x1da: {  	s22 =	simm.s32 $0x0;
	v5 =	vld [tilespmem:s23+$0x0];
	s23 =	simm.s32 $0x10870  }
.LBB2_23:
0x1db: {  	v8 =	vld [tilespmem:s23+$0xFFFFFF10];
	v0 =	vadd.f32 v0, v6;
	v3 =	vadd.f32 v3, v7  }
0x1dc: {  	s22 =	sadd.s32 $0x8, s22;
	v6 =	vld [tilespmem:s23+$0xFFFFFF20]  }
0x1dd: {  	p0 =	slt.u32 s22, $0xC0;
	v7 =	vld [tilespmem:s23+$0xFFFFFF30];
	v0 =	vadd.f32 v1, v0;
	v1 =	vadd.f32 v4, v3  }
0x1de: {  	v3 =	vld [tilespmem:s23+$0xFFFFFF40]  }
0x1df: {  	v4 =	vld [tilespmem:s23+$0xFFFFFF50];
	v0 =	vadd.f32 v2, v0;
	v1 =	vadd.f32 v5, v1  }
0x1e0: {  	v2 =	vld [tilespmem:s23+$0xFFFFFF60]  }
0x1e1: {  	v0 =	vadd.f32 v8, v0;
	v1 =	vadd.f32 v6, v1;
	v5 =	vld [tilespmem:s23+$0xFFFFFF70]  }
0x1e2: {  	v6 =	vld [tilespmem:s23+$0xFFFFFF80]  }
0x1e3: {  	v0 =	vadd.f32 v7, v0;
	v1 =	vadd.f32 v3, v1;
	v7 =	vld [tilespmem:s23+$0xFFFFFF90]  }
0x1e4: {  	v8 =	vld [tilespmem:s23+$0xFFFFFFA0]  }
0x1e5: {  	v4 =	vadd.f32 v4, v0;
	v1 =	vadd.f32 v2, v1;
	v0 =	vld [tilespmem:s23+$0xFFFFFFB0]  }
.Ltmp10:
0x1e6: {  	v3 =	vld [tilespmem:s23+$0xFFFFFFC0];
	(pc) =	sbr.rel @p0 .LBB2_23-.Ltmp10, $4  }
0x1e7: {  	v2 =	vadd.f32 v5, v4;
	v5 =	vadd.f32 v6, v1;
	v1 =	vld [tilespmem:s23+$0xFFFFFFD0]  }
0x1e8: {  	v4 =	vld [tilespmem:s23+$0xFFFFFFE0]  }
0x1e9: {  	v6 =	vadd.f32 v7, v2;
	v7 =	vadd.f32 v8, v5;
	v2 =	vld [tilespmem:s23+$0xFFFFFFF0]  }
0x1ea: {  	v5 =	vld [tilespmem:s23+$0x0];
	s23 =	sadd.s32 $0x100, s23  }
0x1eb: {  	v0 =	vadd.f32 v0, v6  }
0x1ec: {  	v3 =	vadd.f32 v3, v7  }
0x1ed: {  	v0 =	vadd.f32 v1, v0  }
0x1ee: {  	v1 =	vadd.f32 v4, v3  }
0x1ef: {  	v0 =	vadd.f32 v2, v0  }
0x1f0: {  	v1 =	vadd.f32 v5, v1  }
0x1f1: {  	v0 =	vmul.f32 $4.999999890e-03, v0  }
0x1f2: {  	v1 =	vmul.f32 $4.999999890e-03, v1  }
0x1f3: {  	[tilespmem:s21+$0x19DC0] =	vst v0  }
0x1f4: {  	s23 =	simm.s32 $0x11F80;
	[tilespmem:s21+$0x19DD0] =	vst v1  }
0x1f5: {  	v0 =	vld [tilespmem:s23+$0x0]  }
0x1f6: {  	v1 =	vld [tilespmem:s23+$0x10]  }
0x1f7: {  	v2 =	vld [tilespmem:s23+$0x20]  }
0x1f8: {  	v3 =	vld [tilespmem:s23+$0x30]  }
0x1f9: {  	v4 =	vld [tilespmem:s23+$0x40]  }
0x1fa: {  	v6 =	vimm.f32 $0.0e+00;
	v5 =	vld [tilespmem:s23+$0x50]  }
0x1fb: {  	v7 =	vld [tilespmem:s23+$0x60];
	v0 =	vadd.f32 v0, v6;
	v1 =	vadd.f32 v1, v6  }
0x1fc: {  	v6 =	vld [tilespmem:s23+$0x70]  }
0x1fd: {  	v8 =	vld [tilespmem:s23+$0x80];
	v2 =	vadd.f32 v2, v0;
	v1 =	vadd.f32 v3, v1  }
0x1fe: {  	v9 =	vld [tilespmem:s23+$0x90]  }
0x1ff: {  	v0 =	vld [tilespmem:s23+$0xA0];
	v2 =	vadd.f32 v4, v2;
	v4 =	vadd.f32 v5, v1  }
0x200: {  	v3 =	vld [tilespmem:s23+$0xB0]  }
0x201: {  	v1 =	vld [tilespmem:s23+$0xC0];
	v5 =	vadd.f32 v7, v2;
	v7 =	vadd.f32 v6, v4  }
0x202: {  	v4 =	vld [tilespmem:s23+$0xD0]  }
0x203: {  	v2 =	vld [tilespmem:s23+$0xE0];
	v6 =	vadd.f32 v8, v5;
	v7 =	vadd.f32 v9, v7  }
0x204: {  	s22 =	simm.s32 $0x0;
	v5 =	vld [tilespmem:s23+$0xF0];
	s23 =	simm.s32 $0x12080  }
.LBB2_25:
0x205: {  	v8 =	vld [tilespmem:s23+$0x0];
	v0 =	vadd.f32 v0, v6;
	v3 =	vadd.f32 v3, v7  }
0x206: {  	s22 =	sadd.s32 $0x8, s22;
	v6 =	vld [tilespmem:s23+$0x10]  }
0x207: {  	p0 =	slt.u32 s22, $0xC0;
	v7 =	vld [tilespmem:s23+$0x20];
	v0 =	vadd.f32 v1, v0;
	v1 =	vadd.f32 v4, v3  }
0x208: {  	v3 =	vld [tilespmem:s23+$0x30]  }
0x209: {  	v4 =	vld [tilespmem:s23+$0x40];
	v0 =	vadd.f32 v2, v0;
	v1 =	vadd.f32 v5, v1  }
0x20a: {  	v2 =	vld [tilespmem:s23+$0x50]  }
0x20b: {  	v0 =	vadd.f32 v8, v0;
	v1 =	vadd.f32 v6, v1;
	v5 =	vld [tilespmem:s23+$0x60]  }
0x20c: {  	v6 =	vld [tilespmem:s23+$0x70]  }
0x20d: {  	v0 =	vadd.f32 v7, v0;
	v1 =	vadd.f32 v3, v1;
	v7 =	vld [tilespmem:s23+$0x80]  }
0x20e: {  	v8 =	vld [tilespmem:s23+$0x90]  }
0x20f: {  	v4 =	vadd.f32 v4, v0;
	v1 =	vadd.f32 v2, v1;
	v0 =	vld [tilespmem:s23+$0xA0]  }
.Ltmp11:
0x210: {  	v3 =	vld [tilespmem:s23+$0xB0];
	(pc) =	sbr.rel @p0 .LBB2_25-.Ltmp11, $4  }
0x211: {  	v2 =	vadd.f32 v5, v4;
	v5 =	vadd.f32 v6, v1;
	v1 =	vld [tilespmem:s23+$0xC0]  }
0x212: {  	v4 =	vld [tilespmem:s23+$0xD0]  }
0x213: {  	v6 =	vadd.f32 v7, v2;
	v7 =	vadd.f32 v8, v5;
	v2 =	vld [tilespmem:s23+$0xE0]  }
0x214: {  	v5 =	vld [tilespmem:s23+$0xF0];
	s23 =	sadd.s32 $0x100, s23  }
0x215: {  	v0 =	vadd.f32 v0, v6  }
0x216: {  	v3 =	vadd.f32 v3, v7  }
0x217: {  	v0 =	vadd.f32 v1, v0  }
0x218: {  	v1 =	vadd.f32 v4, v3  }
0x219: {  	v0 =	vadd.f32 v2, v0  }
0x21a: {  	v1 =	vadd.f32 v5, v1  }
0x21b: {  	v0 =	vmul.f32 $4.999999890e-03, v0  }
0x21c: {  	v1 =	vmul.f32 $4.999999890e-03, v1  }
0x21d: {  	[tilespmem:s21+$0x19DE0] =	vst v0  }
0x21e: {  	s23 =	simm.s32 $0x13880;
	[tilespmem:s21+$0x19DF0] =	vst v1  }
0x21f: {  	v0 =	vld [tilespmem:s23+$0x0]  }
0x220: {  	v1 =	vld [tilespmem:s23+$0x10]  }
0x221: {  	v2 =	vld [tilespmem:s23+$0x20]  }
0x222: {  	v3 =	vld [tilespmem:s23+$0x30]  }
0x223: {  	v4 =	vld [tilespmem:s23+$0x40]  }
0x224: {  	v6 =	vimm.f32 $0.0e+00;
	v5 =	vld [tilespmem:s23+$0x50]  }
0x225: {  	v7 =	vld [tilespmem:s23+$0x60];
	v0 =	vadd.f32 v0, v6;
	v1 =	vadd.f32 v1, v6  }
0x226: {  	v6 =	vld [tilespmem:s23+$0x70]  }
0x227: {  	v8 =	vld [tilespmem:s23+$0x80];
	v2 =	vadd.f32 v2, v0;
	v1 =	vadd.f32 v3, v1  }
0x228: {  	v9 =	vld [tilespmem:s23+$0x90]  }
0x229: {  	v0 =	vld [tilespmem:s23+$0xA0];
	v2 =	vadd.f32 v4, v2;
	v4 =	vadd.f32 v5, v1  }
0x22a: {  	v3 =	vld [tilespmem:s23+$0xB0]  }
0x22b: {  	v1 =	vld [tilespmem:s23+$0xC0];
	v5 =	vadd.f32 v7, v2;
	v7 =	vadd.f32 v6, v4  }
0x22c: {  	v4 =	vld [tilespmem:s23+$0xD0]  }
0x22d: {  	v2 =	vld [tilespmem:s23+$0xE0];
	v6 =	vadd.f32 v8, v5;
	v7 =	vadd.f32 v9, v7  }
0x22e: {  	s22 =	simm.s32 $0x0;
	v5 =	vld [tilespmem:s23+$0xF0];
	s23 =	simm.s32 $0x13980  }
.LBB2_27:
0x22f: {  	v8 =	vld [tilespmem:s23+$0x0];
	v0 =	vadd.f32 v0, v6;
	v3 =	vadd.f32 v3, v7  }
0x230: {  	s22 =	sadd.s32 $0x8, s22;
	v6 =	vld [tilespmem:s23+$0x10]  }
0x231: {  	p0 =	slt.u32 s22, $0xC0;
	v7 =	vld [tilespmem:s23+$0x20];
	v0 =	vadd.f32 v1, v0;
	v1 =	vadd.f32 v4, v3  }
0x232: {  	v3 =	vld [tilespmem:s23+$0x30]  }
0x233: {  	v4 =	vld [tilespmem:s23+$0x40];
	v0 =	vadd.f32 v2, v0;
	v1 =	vadd.f32 v5, v1  }
0x234: {  	v2 =	vld [tilespmem:s23+$0x50]  }
0x235: {  	v0 =	vadd.f32 v8, v0;
	v1 =	vadd.f32 v6, v1;
	v5 =	vld [tilespmem:s23+$0x60]  }
0x236: {  	v6 =	vld [tilespmem:s23+$0x70]  }
0x237: {  	v0 =	vadd.f32 v7, v0;
	v1 =	vadd.f32 v3, v1;
	v7 =	vld [tilespmem:s23+$0x80]  }
0x238: {  	v8 =	vld [tilespmem:s23+$0x90]  }
0x239: {  	v4 =	vadd.f32 v4, v0;
	v1 =	vadd.f32 v2, v1;
	v0 =	vld [tilespmem:s23+$0xA0]  }
.Ltmp12:
0x23a: {  	v3 =	vld [tilespmem:s23+$0xB0];
	(pc) =	sbr.rel @p0 .LBB2_27-.Ltmp12, $4  }
0x23b: {  	v2 =	vadd.f32 v5, v4;
	v5 =	vadd.f32 v6, v1;
	v1 =	vld [tilespmem:s23+$0xC0]  }
0x23c: {  	v4 =	vld [tilespmem:s23+$0xD0]  }
0x23d: {  	v6 =	vadd.f32 v7, v2;
	v7 =	vadd.f32 v8, v5;
	v2 =	vld [tilespmem:s23+$0xE0]  }
0x23e: {  	v5 =	vld [tilespmem:s23+$0xF0];
	s23 =	sadd.s32 $0x100, s23  }
0x23f: {  	v0 =	vadd.f32 v0, v6  }
0x240: {  	v3 =	vadd.f32 v3, v7  }
0x241: {  	v0 =	vadd.f32 v1, v0  }
0x242: {  	v1 =	vadd.f32 v4, v3  }
0x243: {  	v0 =	vadd.f32 v2, v0  }
0x244: {  	v1 =	vadd.f32 v5, v1  }
0x245: {  	v0 =	vmul.f32 $4.999999890e-03, v0  }
0x246: {  	v1 =	vmul.f32 $4.999999890e-03, v1  }
0x247: {  	[tilespmem:s21+$0x19E00] =	vst v0  }
0x248: {  	s23 =	simm.s32 $0x15180;
	[tilespmem:s21+$0x19E10] =	vst v1  }
0x249: {  	v0 =	vld [tilespmem:s23+$0x0]  }
0x24a: {  	v1 =	vld [tilespmem:s23+$0x10]  }
0x24b: {  	v2 =	vld [tilespmem:s23+$0x20]  }
0x24c: {  	v3 =	vld [tilespmem:s23+$0x30]  }
0x24d: {  	v4 =	vld [tilespmem:s23+$0x40]  }
0x24e: {  	v6 =	vimm.f32 $0.0e+00;
	v5 =	vld [tilespmem:s23+$0x50]  }
0x24f: {  	v7 =	vld [tilespmem:s23+$0x60];
	v0 =	vadd.f32 v0, v6;
	v1 =	vadd.f32 v1, v6  }
0x250: {  	v6 =	vld [tilespmem:s23+$0x70]  }
0x251: {  	v8 =	vld [tilespmem:s23+$0x80];
	v2 =	vadd.f32 v2, v0;
	v1 =	vadd.f32 v3, v1  }
0x252: {  	v9 =	vld [tilespmem:s23+$0x90]  }
0x253: {  	v0 =	vld [tilespmem:s23+$0xA0];
	v2 =	vadd.f32 v4, v2;
	v4 =	vadd.f32 v5, v1  }
0x254: {  	v3 =	vld [tilespmem:s23+$0xB0]  }
0x255: {  	v1 =	vld [tilespmem:s23+$0xC0];
	v5 =	vadd.f32 v7, v2;
	v7 =	vadd.f32 v6, v4  }
0x256: {  	v4 =	vld [tilespmem:s23+$0xD0]  }
0x257: {  	v2 =	vld [tilespmem:s23+$0xE0];
	v6 =	vadd.f32 v8, v5;
	v7 =	vadd.f32 v9, v7  }
0x258: {  	s22 =	simm.s32 $0x0;
	v5 =	vld [tilespmem:s23+$0xF0];
	s23 =	simm.s32 $0x15280  }
.LBB2_29:
0x259: {  	v8 =	vld [tilespmem:s23+$0x0];
	v0 =	vadd.f32 v0, v6;
	v3 =	vadd.f32 v3, v7  }
0x25a: {  	s22 =	sadd.s32 $0x8, s22;
	v6 =	vld [tilespmem:s23+$0x10]  }
0x25b: {  	p0 =	slt.u32 s22, $0xC0;
	v7 =	vld [tilespmem:s23+$0x20];
	v0 =	vadd.f32 v1, v0;
	v1 =	vadd.f32 v4, v3  }
0x25c: {  	v3 =	vld [tilespmem:s23+$0x30]  }
0x25d: {  	v4 =	vld [tilespmem:s23+$0x40];
	v0 =	vadd.f32 v2, v0;
	v1 =	vadd.f32 v5, v1  }
0x25e: {  	v2 =	vld [tilespmem:s23+$0x50]  }
0x25f: {  	v0 =	vadd.f32 v8, v0;
	v1 =	vadd.f32 v6, v1;
	v5 =	vld [tilespmem:s23+$0x60]  }
0x260: {  	v6 =	vld [tilespmem:s23+$0x70]  }
0x261: {  	v0 =	vadd.f32 v7, v0;
	v1 =	vadd.f32 v3, v1;
	v7 =	vld [tilespmem:s23+$0x80]  }
0x262: {  	v8 =	vld [tilespmem:s23+$0x90]  }
0x263: {  	v4 =	vadd.f32 v4, v0;
	v1 =	vadd.f32 v2, v1;
	v0 =	vld [tilespmem:s23+$0xA0]  }
.Ltmp13:
0x264: {  	v3 =	vld [tilespmem:s23+$0xB0];
	(pc) =	sbr.rel @p0 .LBB2_29-.Ltmp13, $4  }
0x265: {  	v2 =	vadd.f32 v5, v4;
	v5 =	vadd.f32 v6, v1;
	v1 =	vld [tilespmem:s23+$0xC0]  }
0x266: {  	v4 =	vld [tilespmem:s23+$0xD0]  }
0x267: {  	v6 =	vadd.f32 v7, v2;
	v7 =	vadd.f32 v8, v5;
	v2 =	vld [tilespmem:s23+$0xE0]  }
0x268: {  	v5 =	vld [tilespmem:s23+$0xF0];
	s23 =	sadd.s32 $0x100, s23  }
0x269: {  	v0 =	vadd.f32 v0, v6  }
0x26a: {  	v3 =	vadd.f32 v3, v7  }
0x26b: {  	v0 =	vadd.f32 v1, v0  }
0x26c: {  	v1 =	vadd.f32 v4, v3  }
0x26d: {  	v0 =	vadd.f32 v2, v0  }
0x26e: {  	v1 =	vadd.f32 v5, v1  }
0x26f: {  	v0 =	vmul.f32 $4.999999890e-03, v0  }
0x270: {  	v1 =	vmul.f32 $4.999999890e-03, v1  }
0x271: {  	[tilespmem:s21+$0x19E20] =	vst v0  }
0x272: {  	s23 =	simm.s32 $0x16A80;
	[tilespmem:s21+$0x19E30] =	vst v1  }
0x273: {  	v0 =	vld [tilespmem:s23+$0x0]  }
0x274: {  	v1 =	vld [tilespmem:s23+$0x10]  }
0x275: {  	v2 =	vld [tilespmem:s23+$0x20]  }
0x276: {  	v3 =	vld [tilespmem:s23+$0x30]  }
0x277: {  	v4 =	vld [tilespmem:s23+$0x40]  }
0x278: {  	v6 =	vimm.f32 $0.0e+00;
	v5 =	vld [tilespmem:s23+$0x50]  }
0x279: {  	v7 =	vld [tilespmem:s23+$0x60];
	v0 =	vadd.f32 v0, v6;
	v1 =	vadd.f32 v1, v6  }
0x27a: {  	v6 =	vld [tilespmem:s23+$0x70]  }
0x27b: {  	v8 =	vld [tilespmem:s23+$0x80];
	v2 =	vadd.f32 v2, v0;
	v1 =	vadd.f32 v3, v1  }
0x27c: {  	v9 =	vld [tilespmem:s23+$0x90]  }
0x27d: {  	v0 =	vld [tilespmem:s23+$0xA0];
	v2 =	vadd.f32 v4, v2;
	v4 =	vadd.f32 v5, v1  }
0x27e: {  	v3 =	vld [tilespmem:s23+$0xB0]  }
0x27f: {  	v1 =	vld [tilespmem:s23+$0xC0];
	v5 =	vadd.f32 v7, v2;
	v7 =	vadd.f32 v6, v4  }
0x280: {  	v4 =	vld [tilespmem:s23+$0xD0]  }
0x281: {  	v2 =	vld [tilespmem:s23+$0xE0];
	v6 =	vadd.f32 v8, v5;
	v7 =	vadd.f32 v9, v7  }
0x282: {  	s22 =	simm.s32 $0x0;
	v5 =	vld [tilespmem:s23+$0xF0];
	s23 =	simm.s32 $0x16B80  }
.LBB2_31:
0x283: {  	v8 =	vld [tilespmem:s23+$0x0];
	v0 =	vadd.f32 v0, v6;
	v3 =	vadd.f32 v3, v7  }
0x284: {  	s22 =	sadd.s32 $0x8, s22;
	v6 =	vld [tilespmem:s23+$0x10]  }
0x285: {  	p0 =	slt.u32 s22, $0xC0;
	v7 =	vld [tilespmem:s23+$0x20];
	v0 =	vadd.f32 v1, v0;
	v1 =	vadd.f32 v4, v3  }
0x286: {  	v3 =	vld [tilespmem:s23+$0x30]  }
0x287: {  	v4 =	vld [tilespmem:s23+$0x40];
	v0 =	vadd.f32 v2, v0;
	v1 =	vadd.f32 v5, v1  }
0x288: {  	v2 =	vld [tilespmem:s23+$0x50]  }
0x289: {  	v0 =	vadd.f32 v8, v0;
	v1 =	vadd.f32 v6, v1;
	v5 =	vld [tilespmem:s23+$0x60]  }
0x28a: {  	v6 =	vld [tilespmem:s23+$0x70]  }
0x28b: {  	v0 =	vadd.f32 v7, v0;
	v1 =	vadd.f32 v3, v1;
	v7 =	vld [tilespmem:s23+$0x80]  }
0x28c: {  	v8 =	vld [tilespmem:s23+$0x90]  }
0x28d: {  	v4 =	vadd.f32 v4, v0;
	v1 =	vadd.f32 v2, v1;
	v0 =	vld [tilespmem:s23+$0xA0]  }
.Ltmp14:
0x28e: {  	v3 =	vld [tilespmem:s23+$0xB0];
	(pc) =	sbr.rel @p0 .LBB2_31-.Ltmp14, $4  }
0x28f: {  	v2 =	vadd.f32 v5, v4;
	v5 =	vadd.f32 v6, v1;
	v1 =	vld [tilespmem:s23+$0xC0]  }
0x290: {  	v4 =	vld [tilespmem:s23+$0xD0]  }
0x291: {  	v6 =	vadd.f32 v7, v2;
	v7 =	vadd.f32 v8, v5;
	v2 =	vld [tilespmem:s23+$0xE0]  }
0x292: {  	v5 =	vld [tilespmem:s23+$0xF0];
	s23 =	sadd.s32 $0x100, s23  }
0x293: {  	v0 =	vadd.f32 v0, v6  }
0x294: {  	v3 =	vadd.f32 v3, v7  }
0x295: {  	v0 =	vadd.f32 v1, v0  }
0x296: {  	v1 =	vadd.f32 v4, v3  }
0x297: {  	v0 =	vadd.f32 v2, v0  }
0x298: {  	v1 =	vadd.f32 v5, v1  }
0x299: {  	v0 =	vmul.f32 $4.999999890e-03, v0  }
0x29a: {  	v1 =	vmul.f32 $4.999999890e-03, v1  }
0x29b: {  	[tilespmem:s21+$0x19E40] =	vst v0  }
0x29c: {  	s23 =	simm.s32 $0x18380;
	[tilespmem:s21+$0x19E50] =	vst v1  }
0x29d: {  	v0 =	vld [tilespmem:s23+$0x0]  }
0x29e: {  	v1 =	vld [tilespmem:s23+$0x10]  }
0x29f: {  	v2 =	vld [tilespmem:s23+$0x20]  }
0x2a0: {  	v3 =	vld [tilespmem:s23+$0x30]  }
0x2a1: {  	v4 =	vld [tilespmem:s23+$0x40]  }
0x2a2: {  	v6 =	vimm.f32 $0.0e+00;
	v5 =	vld [tilespmem:s23+$0x50]  }
0x2a3: {  	v7 =	vld [tilespmem:s23+$0x60];
	v0 =	vadd.f32 v0, v6;
	v1 =	vadd.f32 v1, v6  }
0x2a4: {  	v6 =	vld [tilespmem:s23+$0x70]  }
0x2a5: {  	v8 =	vld [tilespmem:s23+$0x80];
	v2 =	vadd.f32 v2, v0;
	v1 =	vadd.f32 v3, v1  }
0x2a6: {  	v9 =	vld [tilespmem:s23+$0x90]  }
0x2a7: {  	v0 =	vld [tilespmem:s23+$0xA0];
	v2 =	vadd.f32 v4, v2;
	v4 =	vadd.f32 v5, v1  }
0x2a8: {  	v3 =	vld [tilespmem:s23+$0xB0]  }
0x2a9: {  	v1 =	vld [tilespmem:s23+$0xC0];
	v5 =	vadd.f32 v7, v2;
	v7 =	vadd.f32 v6, v4  }
0x2aa: {  	v4 =	vld [tilespmem:s23+$0xD0]  }
0x2ab: {  	v2 =	vld [tilespmem:s23+$0xE0];
	v6 =	vadd.f32 v8, v5;
	v7 =	vadd.f32 v9, v7  }
0x2ac: {  	s22 =	simm.s32 $0x0;
	v5 =	vld [tilespmem:s23+$0xF0];
	s23 =	simm.s32 $0x18480  }
.LBB2_33:
0x2ad: {  	v8 =	vld [tilespmem:s23+$0x0];
	v0 =	vadd.f32 v0, v6;
	v3 =	vadd.f32 v3, v7  }
0x2ae: {  	s22 =	sadd.s32 $0x8, s22;
	v6 =	vld [tilespmem:s23+$0x10]  }
0x2af: {  	p0 =	slt.u32 s22, $0xC0;
	v7 =	vld [tilespmem:s23+$0x20];
	v0 =	vadd.f32 v1, v0;
	v1 =	vadd.f32 v4, v3  }
0x2b0: {  	v3 =	vld [tilespmem:s23+$0x30]  }
0x2b1: {  	v4 =	vld [tilespmem:s23+$0x40];
	v0 =	vadd.f32 v2, v0;
	v1 =	vadd.f32 v5, v1  }
0x2b2: {  	v2 =	vld [tilespmem:s23+$0x50]  }
0x2b3: {  	v0 =	vadd.f32 v8, v0;
	v1 =	vadd.f32 v6, v1;
	v5 =	vld [tilespmem:s23+$0x60]  }
0x2b4: {  	v6 =	vld [tilespmem:s23+$0x70]  }
0x2b5: {  	v0 =	vadd.f32 v7, v0;
	v1 =	vadd.f32 v3, v1;
	v7 =	vld [tilespmem:s23+$0x80]  }
0x2b6: {  	v8 =	vld [tilespmem:s23+$0x90]  }
0x2b7: {  	v4 =	vadd.f32 v4, v0;
	v1 =	vadd.f32 v2, v1;
	v0 =	vld [tilespmem:s23+$0xA0]  }
.Ltmp15:
0x2b8: {  	v3 =	vld [tilespmem:s23+$0xB0];
	(pc) =	sbr.rel @p0 .LBB2_33-.Ltmp15, $4  }
0x2b9: {  	v2 =	vadd.f32 v5, v4;
	v5 =	vadd.f32 v6, v1;
	v1 =	vld [tilespmem:s23+$0xC0]  }
0x2ba: {  	v4 =	vld [tilespmem:s23+$0xD0]  }
0x2bb: {  	v6 =	vadd.f32 v7, v2;
	v7 =	vadd.f32 v8, v5;
	v2 =	vld [tilespmem:s23+$0xE0]  }
0x2bc: {  	v5 =	vld [tilespmem:s23+$0xF0];
	s23 =	sadd.s32 $0x100, s23  }
0x2bd: {  	v0 =	vadd.f32 v0, v6  }
0x2be: {  	v3 =	vadd.f32 v3, v7  }
0x2bf: {  	v0 =	vadd.f32 v1, v0  }
0x2c0: {  	s20 =	sadd.s32 $0x1, s20;
	v63 =	vadd.f32 v4, v3  }
0x2c1: {  	p0 =	sne.s32 s20, $0x20;
	v0 =	vadd.f32 v2, v0  }
.Ltmp16:
0x2c2: {  	v1 =	vadd.f32 v5, v63;
	(pc) =	sbr.rel @p0 .LBB2_2-.Ltmp16, $4  }
0x2c3: {  	v0 =	vmul.f32 $4.999999890e-03, v0  }
0x2c4: {  	v1 =	vmul.f32 $4.999999890e-03, v1  }
0x2c5: {  	[tilespmem:s21+$0x19E60] =	vst v0  }
0x2c6: {  	[tilespmem:s21+$0x19E70] =	vst v1  }
0x2c7: {  	s19 =	sadd.s32 $0x1, s19  }
0x2c8: {  	p0 =	sne.s32 s19, s10  }
.Ltmp17:
0x2c9: {  	_ = 	snop;
	(pc) =	sbr.rel @p0 .LBB2_1-.Ltmp17, $4  }
0x2ca: {  	[hbm4b:s9+s2] =	stream.linear.scatter [tilespmem:s18], [sflag:$0x5], $0x4000, $0x38;
	[tilespmem:$0x1DC80] =	vst v63  }
0x2cb: {  	_ =	swait.ge [sflag:s11], $0x4000  }
0x2cc: {  	[sflag:s11] =	ssyncset.done $0x0  }
0x2cd: {  	[sflag:s11] =	ssyncadd.s32 $0xFFFFC000  }
0x2ce: {  	_ =	sfence.sel $0x180000  }
0x2cf: {  	[bflag:$0x0] =	sbarrier.arrive $0xFFFF  }
0x2d0: {  	p0 =	sne.s32 s1, $0x0;
	_ =	strace $0x90000047  }
0x2d1: {  	s0 =	sadd.s32 @!p0 $0x100000, s0;
	[bflag:$0x2] =	sbarrier.arrive $0xFFFF  }
0x2d2: {  	[sflag:s0] =	ssyncadd.tile.s32 @!p0 $0x1;
	_ =	shalt  }
.Lfunc_end2:
_tile_overlayer_lowered:
.L_overlay_start_2:
0x2d3: {  	(tag) =	ssettag $0x2  }
0x2d4: {  	s0 =	rddreg [dreg:$0x0];
	s2 =	stileid.u32  }
0x2d5: {  	s1 =	rddreg [dreg:$0x1];
	p0 =	sne.s32 s2, $0x0  }
0x2d6: {  	s3 =	rddreg [dreg:$0x2];
	[bflag:$0x3] =	sbarrier.arrive $0xFFFF;
	s2 =	simm.s32 @!p0 $0x1C05  }
0x2d7: {  	[timem:s3], [sflag:s2] =	dma.local @!p0 [hbm:s0], s1  }
0x2d8: {  	s0 =	simm.s32 @!p0 $0x5  }
0x2d9: {  	_ =	swait.ge @!p0 [sflag:s0], s1  }
0x2da: {  	s1 =	ssub.s32 @!p0 $0x0, s1;
	[sflag:s0] =	ssyncset.done @!p0 $0x0  }
0x2db: {  	[sflag:s0] =	ssyncadd.s32 @!p0 s1  }
0x2dc: {  	[bflag:$0x3] =	sbarrier.arrive $0xFFFF  }
0x2dd: {  	_ =	shalt  }

</sc_bundles>
